<compile_context>
chip_gen: v7x
topology: tpu7x:2x2x1
jax: 0.10.2.dev20260603
libtpu: 0.0.44.dev20260713+nightly
codegen_flags: <defaults>
</compile_context>

<pallas_src>
import jax
import jax.numpy as jnp
from jax import lax
from jax.experimental import pallas as pl
from jax.experimental.pallas import tpu as pltpu
from jax.experimental.pallas import tpu_sc as plsc

_K = 8192
_D = 256
_HALF = 5120
_NQ = 4
_RB = 2
_TG = _HALF // 128
_QG = _TG // _NQ
_TSTEP = _QG // _RB
_NT = 32
_SCROWS = (_K - _HALF) // _NT



def _tc_dist_body(z_ref, cb0, cb1, cb2, cb3, o0, o1, o2, o3):
    z = z_ref[:].reshape(1, 1, _D)
    for cb, o in ((cb0, o0), (cb1, o1), (cb2, o2), (cb3, o3)):
        e = cb[:] - z
        o[:] = jnp.sum(e * e, axis=-1).reshape(1, _RB, 128)



def _sc_dist_body(z_hbm, cb_hbm, out_hbm, z_v, cb_v, dout_v, sem):
    cid = lax.axis_index("c")
    sid = lax.axis_index("s")
    wid = sid * 2 + cid
    rowbase = wid * _SCROWS
    pltpu.sync_copy(z_hbm, z_v)
    pltpu.sync_copy(cb_hbm.at[pl.ds(_HALF + rowbase, _SCROWS)], cb_v)
    zc = [z_v[pl.ds(ch * 16, 16)] for ch in range(_D // 16)]
    iota = lax.iota(jnp.int32, 16)

    def group(g, _):
        sums = jnp.zeros((16,), jnp.float32)
        for r in range(16):
            a0 = jnp.zeros((16,), jnp.float32)
            a1 = jnp.zeros((16,), jnp.float32)
            a2 = jnp.zeros((16,), jnp.float32)
            a3 = jnp.zeros((16,), jnp.float32)
            accs = [a0, a1, a2, a3]
            for ch in range(_D // 16):
                c = cb_v[g * 16 + r, pl.ds(ch * 16, 16)]
                t = c - zc[ch]
                accs[ch % 4] = accs[ch % 4] + t * t
            s = jnp.sum((accs[0] + accs[1]) + (accs[2] + accs[3]))
            sums = jnp.where(iota == r, jnp.full((16,), s, jnp.float32), sums)
        dout_v[pl.ds(g * 16, 16)] = sums
        return 0

    lax.fori_loop(0, _SCROWS // 16, group, 0)
    pltpu.sync_copy(dout_v, out_hbm.at[pl.ds(rowbase, _SCROWS)])



def _sel_body(sym_ref, d0, d1, d2, d3, dsc, adj_ref, out_ref, rows_ref, sem):
    cur = sym_ref[0]
    pltpu.make_async_copy(
        adj_ref.at[pl.ds(cur, 1)], rows_ref.at[pl.ds(0, 1)], sem
    ).start()
    d = jnp.concatenate([d0[:], d1[:], d2[:], d3[:], dsc[:]], axis=0)
    ri = lax.broadcasted_iota(jnp.int32, d.shape, 0)
    ci = lax.broadcasted_iota(jnp.int32, d.shape, 1)
    flat = ri * 128 + ci

    idxs, vals = [], []
    for t in range(5):
        m = jnp.min(d)
        idx = jnp.min(jnp.where(d == m, flat, jnp.int32(1 << 30)))
        pltpu.make_async_copy(
            adj_ref.at[pl.ds(idx, 1)], rows_ref.at[pl.ds(t + 1, 1)], sem
        ).start()
        idxs.append(idx)
        vals.append(m)
        d = jnp.where(flat == idx, jnp.float32(jnp.inf), d)

    for t in range(6):
        pltpu.make_async_copy(
            adj_ref.at[pl.ds(0, 1)], rows_ref.at[pl.ds(t, 1)], sem
        ).wait()

    cur_row = rows_ref[pl.ds(0, 1), :]
    best = jnp.int32(0)
    bs = jnp.float32(0)
    for t in range(5):
        gd = jnp.mean(jnp.abs(cur_row - rows_ref[pl.ds(t + 1, 1), :]))
        sc = -vals[t] + jnp.float32(0.1) * gd
        sc = jnp.where(idxs[t] == cur, -jnp.inf, sc)
        if t == 0:
            best, bs = idxs[t], sc
        else:
            take = sc > bs
            best = jnp.where(take, idxs[t], best)
            bs = jnp.maximum(bs, sc)
    out_ref[0] = best


def kernel(z_flat, codebook, adjacency, current_sym):
    sym = jnp.asarray(current_sym, dtype=jnp.int32).reshape(1)
    z2 = z_flat.reshape(1, _D)
    cb3 = codebook.reshape(_K // 128, 128, _D)

    dsc = pl.kernel(
        _sc_dist_body,
        out_type=jax.ShapeDtypeStruct((_K - _HALF,), jnp.float32),
        mesh=plsc.VectorSubcoreMesh(core_axis_name="c", subcore_axis_name="s",
                                    num_cores=2),
        compiler_params=pltpu.CompilerParams(needs_layout_passes=False),
        scratch_types=[
            pltpu.VMEM((_D,), jnp.float32),
            pltpu.VMEM((_SCROWS, _D), jnp.float32),
            pltpu.VMEM((_SCROWS,), jnp.float32),
            pltpu.SemaphoreType.DMA,
        ],
    )(z_flat, codebook)

    def _mk_spec(q):
        return pl.BlockSpec(
            (_RB, 128, _D), lambda i, q=q: (q * _TSTEP + i, 0, 0)
        )

    douts = pl.pallas_call(
        _tc_dist_body,
        grid=(_TSTEP,),
        in_specs=[
            pl.BlockSpec((1, _D), lambda i: (0, 0)),
            _mk_spec(0), _mk_spec(1), _mk_spec(2), _mk_spec(3),
        ],
        out_specs=[
            pl.BlockSpec((1, _RB, 128), lambda i: (i, 0, 0)) for _ in range(_NQ)
        ],
        out_shape=[
            jax.ShapeDtypeStruct((_TSTEP, _RB, 128), jnp.float32)
            for _ in range(_NQ)
        ],
    )(z2, cb3, cb3, cb3, cb3)
    douts = [o.reshape(_QG, 128) for o in douts]

    out = pl.pallas_call(
        _sel_body,
        in_specs=[
            pl.BlockSpec(memory_space=pltpu.SMEM),
            pl.BlockSpec((_QG, 128), lambda: (0, 0)),
            pl.BlockSpec((_QG, 128), lambda: (0, 0)),
            pl.BlockSpec((_QG, 128), lambda: (0, 0)),
            pl.BlockSpec((_QG, 128), lambda: (0, 0)),
            pl.BlockSpec(((_K - _HALF) // 128, 128), lambda: (0, 0)),
            pl.BlockSpec(memory_space=pl.ANY),
        ],
        out_specs=pl.BlockSpec(memory_space=pltpu.SMEM),
        out_shape=jax.ShapeDtypeStruct((1,), jnp.int32),
        scratch_shapes=[
            pltpu.VMEM((8, _K), jnp.float32),
            pltpu.SemaphoreType.DMA,
        ],
    )(sym, douts[0], douts[1], douts[2], douts[3],
      dsc.reshape((_K - _HALF) // 128, 128), adjacency)
    return out[0]

# --- scband reference (transcript-rebuilt; emitter-appended) ---
"""Pipeline reference for scband-belief-reframer-24902220382480 (READ-ONLY COPY).

The authoritative reference and input builder live on the scoring server;
editing this copy changes nothing except your own understanding.
"""

import jax, jax.numpy as jnp
import numpy as np


def setup_inputs(seed: int = 0) -> dict:
    key = jax.random.key(seed)
    k1, k2, k3 = jax.random.split(key, 3)
    z_flat = jax.random.normal(k1, (256,), dtype=jnp.float32)
    codebook = jax.random.normal(k2, (8192, 256), dtype=jnp.float32)
    adjacency = jax.random.uniform(k3, (8192, 8192), dtype=jnp.float32)
    current_sym = 42
    return {"z_flat": z_flat, "codebook": codebook, "adjacency": adjacency, "current_sym": current_sym}


def reference(z_flat, codebook, adjacency, current_sym):
    # meaning_reframe: distances to codebook, top-5 nearest candidates,
    # score = -dist + 0.1 * mean |adjacency[current] - adjacency[s]|,
    # pick best candidate != current_sym (strict-> first occurrence on ties).
    dists = jnp.sum((codebook - z_flat) ** 2, axis=-1)  # [K]
    _, candidates = jax.lax.top_k(-dists, 5)  # indices of 5 smallest dists
    graph_diff = jnp.mean(jnp.abs(adjacency[current_sym][None, :] - adjacency[candidates]), axis=-1)  # [5]
    scores = -dists[candidates] + 0.1 * graph_diff  # [5]
    # skip candidate equal to current_sym (torch loop `continue`)
    scores = jnp.where(candidates == current_sym, -jnp.inf, scores)
    best_s = candidates[jnp.argmax(scores)]
    return best_s

if __name__ == "__main__":
    import jax
    _d = setup_inputs()
    print(jax.jit(kernel)(*tuple(_d.values())))

</pallas_src>

<mosaic_0001>
#map = affine_map<(d0, d1) -> (0)>
#map1 = affine_map<(d0, d1) -> (0, 0)>
module attributes {stable_mosaic.version = 14 : i64} {
  func.func @_sc_dist_body(%arg0: i32, %arg1: i32, %arg2: memref<256xf32, #tpu.memory_space<hbm>>, %arg3: memref<8192x256xf32, #tpu.memory_space<hbm>>, %arg4: memref<3072xf32, #tpu.memory_space<hbm>>, %arg5: memref<256xf32, #tpu.memory_space<vmem>>, %arg6: memref<96x256xf32, #tpu.memory_space<vmem>>, %arg7: memref<96xf32, #tpu.memory_space<vmem>>, %arg8: memref<!tpu.dma_semaphore, #tpu.memory_space<semaphore_mem>>) attributes {dimension_semantics = [#tpu.dimension_semantics<core_parallel>, #tpu.dimension_semantics<subcore_parallel>], iteration_bounds = array<i64: 2, 16>, scalar_prefetch = 0 : i64, scratch_operands = 4 : i64, tpu.core_type = #tpu.core_type<sc_vector_subcore>, window_params = [{transform_indices = #map}, {transform_indices = #map1}, {transform_indices = #map}]} {
    %mul3A = arith.constant 2 : i32
    %mul3A_0 = arith.muli %arg1, %mul3A : i32
    %add3A = arith.addi %mul3A_0, %arg0 : i32
    %mul3A_1 = arith.constant 96 : i32
    %mul3A_2 = arith.muli %add3A, %mul3A_1 : i32
    "tpu.region"() ({
      %run_scoped3A = tpu.sem_alloc : memref<!tpu.dma_semaphore, #tpu.memory_space<semaphore_mem>>
      tpu.enqueue_dma source(%arg2 : memref<256xf32, #tpu.memory_space<hbm>>) target(%arg5 : memref<256xf32, #tpu.memory_space<vmem>>) target_semaphore(%run_scoped3A : memref<!tpu.dma_semaphore, #tpu.memory_space<semaphore_mem>>)
      tpu.wait_dma2 semaphore(%run_scoped3A : memref<!tpu.dma_semaphore, #tpu.memory_space<semaphore_mem>>) src(%arg2 : memref<256xf32, #tpu.memory_space<hbm>>) dst(%arg5 : memref<256xf32, #tpu.memory_space<vmem>>)
      tpu.yield
    }) : () -> ()
    %add3A_3 = arith.constant 5120 : i32
    %add3A_4 = arith.addi %add3A_3, %mul3A_2 : i32
    "tpu.region"() ({
      %run_scoped3A = tpu.sem_alloc : memref<!tpu.dma_semaphore, #tpu.memory_space<semaphore_mem>>
      %dma_start3A = arith.constant 0 : i32
      %dma_start3A_42 = tpu.memref_slice %arg3[%add3A_4, %dma_start3A] : memref<8192x256xf32, #tpu.memory_space<hbm>> -> memref<96x256xf32, #tpu.memory_space<hbm>>
      %dma_start3A_43 = arith.constant 0 : i32
      %dma_start3A_44 = tpu.memref_slice %arg3[%add3A_4, %dma_start3A_43] : memref<8192x256xf32, #tpu.memory_space<hbm>> -> memref<96x256xf32, #tpu.memory_space<hbm>>
      tpu.enqueue_dma source(%dma_start3A_44 : memref<96x256xf32, #tpu.memory_space<hbm>>) target(%arg6 : memref<96x256xf32, #tpu.memory_space<vmem>>) target_semaphore(%run_scoped3A : memref<!tpu.dma_semaphore, #tpu.memory_space<semaphore_mem>>)
      %dma_wait3A = arith.constant 0 : i32
      %dma_wait3A_45 = tpu.memref_slice %arg3[%add3A_4, %dma_wait3A] : memref<8192x256xf32, #tpu.memory_space<hbm>> -> memref<96x256xf32, #tpu.memory_space<hbm>>
      %dma_wait3A_46 = arith.constant 0 : i32
      %dma_wait3A_47 = tpu.memref_slice %arg3[%add3A_4, %dma_wait3A_46] : memref<8192x256xf32, #tpu.memory_space<hbm>> -> memref<96x256xf32, #tpu.memory_space<hbm>>
      tpu.wait_dma2 semaphore(%run_scoped3A : memref<!tpu.dma_semaphore, #tpu.memory_space<semaphore_mem>>) src(%dma_wait3A_47 : memref<96x256xf32, #tpu.memory_space<hbm>>) dst(%arg6 : memref<96x256xf32, #tpu.memory_space<vmem>>)
      tpu.yield
    }) : () -> ()
    %get3A = arith.constant 0 : index
    %get3A_5 = tpu.vector_load %arg5[%get3A] {strides = array<i32>} : memref<256xf32, #tpu.memory_space<vmem>>, vector<16xf32>,
    %get3A_6 = arith.constant 16 : index
    %get3A_7 = tpu.vector_load %arg5[%get3A_6] {strides = array<i32>} : memref<256xf32, #tpu.memory_space<vmem>>, vector<16xf32>,
    %get3A_8 = arith.constant 32 : index
    %get3A_9 = tpu.vector_load %arg5[%get3A_8] {strides = array<i32>} : memref<256xf32, #tpu.memory_space<vmem>>, vector<16xf32>,
    %get3A_10 = arith.constant 48 : index
    %get3A_11 = tpu.vector_load %arg5[%get3A_10] {strides = array<i32>} : memref<256xf32, #tpu.memory_space<vmem>>, vector<16xf32>,
    %get3A_12 = arith.constant 64 : index
    %get3A_13 = tpu.vector_load %arg5[%get3A_12] {strides = array<i32>} : memref<256xf32, #tpu.memory_space<vmem>>, vector<16xf32>,
    %get3A_14 = arith.constant 80 : index
    %get3A_15 = tpu.vector_load %arg5[%get3A_14] {strides = array<i32>} : memref<256xf32, #tpu.memory_space<vmem>>, vector<16xf32>,
    %get3A_16 = arith.constant 96 : index
    %get3A_17 = tpu.vector_load %arg5[%get3A_16] {strides = array<i32>} : memref<256xf32, #tpu.memory_space<vmem>>, vector<16xf32>,
    %get3A_18 = arith.constant 112 : index
    %get3A_19 = tpu.vector_load %arg5[%get3A_18] {strides = array<i32>} : memref<256xf32, #tpu.memory_space<vmem>>, vector<16xf32>,
    %get3A_20 = arith.constant 128 : index
    %get3A_21 = tpu.vector_load %arg5[%get3A_20] {strides = array<i32>} : memref<256xf32, #tpu.memory_space<vmem>>, vector<16xf32>,
    %get3A_22 = arith.constant 144 : index
    %get3A_23 = tpu.vector_load %arg5[%get3A_22] {strides = array<i32>} : memref<256xf32, #tpu.memory_space<vmem>>, vector<16xf32>,
    %get3A_24 = arith.constant 160 : index
    %get3A_25 = tpu.vector_load %arg5[%get3A_24] {strides = array<i32>} : memref<256xf32, #tpu.memory_space<vmem>>, vector<16xf32>,
    %get3A_26 = arith.constant 176 : index
    %get3A_27 = tpu.vector_load %arg5[%get3A_26] {strides = array<i32>} : memref<256xf32, #tpu.memory_space<vmem>>, vector<16xf32>,
    %get3A_28 = arith.constant 192 : index
    %get3A_29 = tpu.vector_load %arg5[%get3A_28] {strides = array<i32>} : memref<256xf32, #tpu.memory_space<vmem>>, vector<16xf32>,
    %get3A_30 = arith.constant 208 : index
    %get3A_31 = tpu.vector_load %arg5[%get3A_30] {strides = array<i32>} : memref<256xf32, #tpu.memory_space<vmem>>, vector<16xf32>,
    %get3A_32 = arith.constant 224 : index
    %get3A_33 = tpu.vector_load %arg5[%get3A_32] {strides = array<i32>} : memref<256xf32, #tpu.memory_space<vmem>>, vector<16xf32>,
    %get3A_34 = arith.constant 240 : index
    %get3A_35 = tpu.vector_load %arg5[%get3A_34] {strides = array<i32>} : memref<256xf32, #tpu.memory_space<vmem>>, vector<16xf32>,
    %iota3A = tpu.iota {dimensions = array<i32: 0>} : vector<16xi32>
    %scan3A = arith.constant 0 : i32
    %scan3A_36 = arith.constant 0 : i32
    %scan3A_37 = arith.constant 6 : i32
    %scan3A_38 = arith.addi %scan3A_36, %scan3A_37 : i32
    %scan3A_39 = arith.constant 1 : i32
    %scan3A_40 = scf.for %scan3A_42 = %scan3A_36 to %scan3A_38 step %scan3A_39 iter_args(%scan3A_43 = %scan3A) -> (i32)  : i32 {
      %broadcast_in_dim3A = arith.constant 0.000000e+00 : f32
      %broadcast_in_dim3A_44 = vector.broadcast %broadcast_in_dim3A : f32 to vector<16xf32>
      %broadcast_in_dim3A_45 = arith.constant 0.000000e+00 : f32
      %broadcast_in_dim3A_46 = vector.broadcast %broadcast_in_dim3A_45 : f32 to vector<16xf32>
      %broadcast_in_dim3A_47 = arith.constant 0.000000e+00 : f32
      %broadcast_in_dim3A_48 = vector.broadcast %broadcast_in_dim3A_47 : f32 to vector<16xf32>
      %broadcast_in_dim3A_49 = arith.constant 0.000000e+00 : f32
      %broadcast_in_dim3A_50 = vector.broadcast %broadcast_in_dim3A_49 : f32 to vector<16xf32>
      %broadcast_in_dim3A_51 = arith.constant 0.000000e+00 : f32
      %broadcast_in_dim3A_52 = vector.broadcast %broadcast_in_dim3A_51 : f32 to vector<16xf32>
      %mul3A_53 = arith.constant 16 : i32
      %mul3A_54 = arith.muli %scan3A_42, %mul3A_53 : i32
      %add3A_55 = arith.constant 0 : i32
      %add3A_56 = arith.addi %mul3A_54, %add3A_55 : i32
      %get3A_57 = arith.index_cast %add3A_56 : i32 to index
      %get3A_58 = arith.constant 0 : index
      %get3A_59 = tpu.vector_load %arg6[%get3A_57, %get3A_58] {strides = array<i32>} : memref<96x256xf32, #tpu.memory_space<vmem>>, vector<16xf32>,
      %sub3A = arith.subf %get3A_59, %get3A_5 : vector<16xf32>
      %mul3A_60 = arith.mulf %sub3A, %sub3A : vector<16xf32>
      %add3A_61 = arith.addf %broadcast_in_dim3A_46, %mul3A_60 : vector<16xf32>
      %mul3A_62 = arith.constant 16 : i32
      %mul3A_63 = arith.muli %scan3A_42, %mul3A_62 : i32
      %add3A_64 = arith.constant 0 : i32
      %add3A_65 = arith.addi %mul3A_63, %add3A_64 : i32
      %get3A_66 = arith.index_cast %add3A_65 : i32 to index
      %get3A_67 = arith.constant 16 : index
      %get3A_68 = tpu.vector_load %arg6[%get3A_66, %get3A_67] {strides = array<i32>} : memref<96x256xf32, #tpu.memory_space<vmem>>, vector<16xf32>,
      %sub3A_69 = arith.subf %get3A_68, %get3A_7 : vector<16xf32>
      %mul3A_70 = arith.mulf %sub3A_69, %sub3A_69 : vector<16xf32>
      %add3A_71 = arith.addf %broadcast_in_dim3A_48, %mul3A_70 : vector<16xf32>
      %mul3A_72 = arith.constant 16 : i32
      %mul3A_73 = arith.muli %scan3A_42, %mul3A_72 : i32
      %add3A_74 = arith.constant 0 : i32
      %add3A_75 = arith.addi %mul3A_73, %add3A_74 : i32
      %get3A_76 = arith.index_cast %add3A_75 : i32 to index
      %get3A_77 = arith.constant 32 : index
      %get3A_78 = tpu.vector_load %arg6[%get3A_76, %get3A_77] {strides = array<i32>} : memref<96x256xf32, #tpu.memory_space<vmem>>, vector<16xf32>,
      %sub3A_79 = arith.subf %get3A_78, %get3A_9 : vector<16xf32>
      %mul3A_80 = arith.mulf %sub3A_79, %sub3A_79 : vector<16xf32>
      %add3A_81 = arith.addf %broadcast_in_dim3A_50, %mul3A_80 : vector<16xf32>
      %mul3A_82 = arith.constant 16 : i32
      %mul3A_83 = arith.muli %scan3A_42, %mul3A_82 : i32
      %add3A_84 = arith.constant 0 : i32
      %add3A_85 = arith.addi %mul3A_83, %add3A_84 : i32
      %get3A_86 = arith.index_cast %add3A_85 : i32 to index
      %get3A_87 = arith.constant 48 : index
      %get3A_88 = tpu.vector_load %arg6[%get3A_86, %get3A_87] {strides = array<i32>} : memref<96x256xf32, #tpu.memory_space<vmem>>, vector<16xf32>,
      %sub3A_89 = arith.subf %get3A_88, %get3A_11 : vector<16xf32>
      %mul3A_90 = arith.mulf %sub3A_89, %sub3A_89 : vector<16xf32>
      %add3A_91 = arith.addf %broadcast_in_dim3A_52, %mul3A_90 : vector<16xf32>
      %mul3A_92 = arith.constant 16 : i32
      %mul3A_93 = arith.muli %scan3A_42, %mul3A_92 : i32
      %add3A_94 = arith.constant 0 : i32
      %add3A_95 = arith.addi %mul3A_93, %add3A_94 : i32
      %get3A_96 = arith.index_cast %add3A_95 : i32 to index
      %get3A_97 = arith.constant 64 : index
      %get3A_98 = tpu.vector_load %arg6[%get3A_96, %get3A_97] {strides = array<i32>} : memref<96x256xf32, #tpu.memory_space<vmem>>, vector<16xf32>,
      %sub3A_99 = arith.subf %get3A_98, %get3A_13 : vector<16xf32>
      %mul3A_100 = arith.mulf %sub3A_99, %sub3A_99 : vector<16xf32>
      %add3A_101 = arith.addf %add3A_61, %mul3A_100 : vector<16xf32>
      %mul3A_102 = arith.constant 16 : i32
      %mul3A_103 = arith.muli %scan3A_42, %mul3A_102 : i32
      %add3A_104 = arith.constant 0 : i32
      %add3A_105 = arith.addi %mul3A_103, %add3A_104 : i32
      %get3A_106 = arith.index_cast %add3A_105 : i32 to index
      %get3A_107 = arith.constant 80 : index
      %get3A_108 = tpu.vector_load %arg6[%get3A_106, %get3A_107] {strides = array<i32>} : memref<96x256xf32, #tpu.memory_space<vmem>>, vector<16xf32>,
      %sub3A_109 = arith.subf %get3A_108, %get3A_15 : vector<16xf32>
      %mul3A_110 = arith.mulf %sub3A_109, %sub3A_109 : vector<16xf32>
      %add3A_111 = arith.addf %add3A_71, %mul3A_110 : vector<16xf32>
      %mul3A_112 = arith.constant 16 : i32
      %mul3A_113 = arith.muli %scan3A_42, %mul3A_112 : i32
      %add3A_114 = arith.constant 0 : i32
      %add3A_115 = arith.addi %mul3A_113, %add3A_114 : i32
      %get3A_116 = arith.index_cast %add3A_115 : i32 to index
      %get3A_117 = arith.constant 96 : index
      %get3A_118 = tpu.vector_load %arg6[%get3A_116, %get3A_117] {strides = array<i32>} : memref<96x256xf32, #tpu.memory_space<vmem>>, vector<16xf32>,
      %sub3A_119 = arith.subf %get3A_118, %get3A_17 : vector<16xf32>
      %mul3A_120 = arith.mulf %sub3A_119, %sub3A_119 : vector<16xf32>
      %add3A_121 = arith.addf %add3A_81, %mul3A_120 : vector<16xf32>
      %mul3A_122 = arith.constant 16 : i32
      %mul3A_123 = arith.muli %scan3A_42, %mul3A_122 : i32
      %add3A_124 = arith.constant 0 : i32
      %add3A_125 = arith.addi %mul3A_123, %add3A_124 : i32
      %get3A_126 = arith.index_cast %add3A_125 : i32 to index
      %get3A_127 = arith.constant 112 : index
      %get3A_128 = tpu.vector_load %arg6[%get3A_126, %get3A_127] {strides = array<i32>} : memref<96x256xf32, #tpu.memory_space<vmem>>, vector<16xf32>,
      %sub3A_129 = arith.subf %get3A_128, %get3A_19 : vector<16xf32>
      %mul3A_130 = arith.mulf %sub3A_129, %sub3A_129 : vector<16xf32>
      %add3A_131 = arith.addf %add3A_91, %mul3A_130 : vector<16xf32>
      %mul3A_132 = arith.constant 16 : i32
      %mul3A_133 = arith.muli %scan3A_42, %mul3A_132 : i32
      %add3A_134 = arith.constant 0 : i32
      %add3A_135 = arith.addi %mul3A_133, %add3A_134 : i32
      %get3A_136 = arith.index_cast %add3A_135 : i32 to index
      %get3A_137 = arith.constant 128 : index
      %get3A_138 = tpu.vector_load %arg6[%get3A_136, %get3A_137] {strides = array<i32>} : memref<96x256xf32, #tpu.memory_space<vmem>>, vector<16xf32>,
      %sub3A_139 = arith.subf %get3A_138, %get3A_21 : vector<16xf32>
      %mul3A_140 = arith.mulf %sub3A_139, %sub3A_139 : vector<16xf32>
      %add3A_141 = arith.addf %add3A_101, %mul3A_140 : vector<16xf32>
      %mul3A_142 = arith.constant 16 : i32
      %mul3A_143 = arith.muli %scan3A_42, %mul3A_142 : i32
      %add3A_144 = arith.constant 0 : i32
      %add3A_145 = arith.addi %mul3A_143, %add3A_144 : i32
      %get3A_146 = arith.index_cast %add3A_145 : i32 to index
      %get3A_147 = arith.constant 144 : index
      %get3A_148 = tpu.vector_load %arg6[%get3A_146, %get3A_147] {strides = array<i32>} : memref<96x256xf32, #tpu.memory_space<vmem>>, vector<16xf32>,
      %sub3A_149 = arith.subf %get3A_148, %get3A_23 : vector<16xf32>
      %mul3A_150 = arith.mulf %sub3A_149, %sub3A_149 : vector<16xf32>
      %add3A_151 = arith.addf %add3A_111, %mul3A_150 : vector<16xf32>
      %mul3A_152 = arith.constant 16 : i32
      %mul3A_153 = arith.muli %scan3A_42, %mul3A_152 : i32
      %add3A_154 = arith.constant 0 : i32
      %add3A_155 = arith.addi %mul3A_153, %add3A_154 : i32
      %get3A_156 = arith.index_cast %add3A_155 : i32 to index
      %get3A_157 = arith.constant 160 : index
      %get3A_158 = tpu.vector_load %arg6[%get3A_156, %get3A_157] {strides = array<i32>} : memref<96x256xf32, #tpu.memory_space<vmem>>, vector<16xf32>,
      %sub3A_159 = arith.subf %get3A_158, %get3A_25 : vector<16xf32>
      %mul3A_160 = arith.mulf %sub3A_159, %sub3A_159 : vector<16xf32>
      %add3A_161 = arith.addf %add3A_121, %mul3A_160 : vector<16xf32>
      %mul3A_162 = arith.constant 16 : i32
      %mul3A_163 = arith.muli %scan3A_42, %mul3A_162 : i32
      %add3A_164 = arith.constant 0 : i32
      %add3A_165 = arith.addi %mul3A_163, %add3A_164 : i32
      %get3A_166 = arith.index_cast %add3A_165 : i32 to index
      %get3A_167 = arith.constant 176 : index
      %get3A_168 = tpu.vector_load %arg6[%get3A_166, %get3A_167] {strides = array<i32>} : memref<96x256xf32, #tpu.memory_space<vmem>>, vector<16xf32>,
      %sub3A_169 = arith.subf %get3A_168, %get3A_27 : vector<16xf32>
      %mul3A_170 = arith.mulf %sub3A_169, %sub3A_169 : vector<16xf32>
      %add3A_171 = arith.addf %add3A_131, %mul3A_170 : vector<16xf32>
      %mul3A_172 = arith.constant 16 : i32
      %mul3A_173 = arith.muli %scan3A_42, %mul3A_172 : i32
      %add3A_174 = arith.constant 0 : i32
      %add3A_175 = arith.addi %mul3A_173, %add3A_174 : i32
      %get3A_176 = arith.index_cast %add3A_175 : i32 to index
      %get3A_177 = arith.constant 192 : index
      %get3A_178 = tpu.vector_load %arg6[%get3A_176, %get3A_177] {strides = array<i32>} : memref<96x256xf32, #tpu.memory_space<vmem>>, vector<16xf32>,
      %sub3A_179 = arith.subf %get3A_178, %get3A_29 : vector<16xf32>
      %mul3A_180 = arith.mulf %sub3A_179, %sub3A_179 : vector<16xf32>
      %add3A_181 = arith.addf %add3A_141, %mul3A_180 : vector<16xf32>
      %mul3A_182 = arith.constant 16 : i32
      %mul3A_183 = arith.muli %scan3A_42, %mul3A_182 : i32
      %add3A_184 = arith.constant 0 : i32
      %add3A_185 = arith.addi %mul3A_183, %add3A_184 : i32
      %get3A_186 = arith.index_cast %add3A_185 : i32 to index
      %get3A_187 = arith.constant 208 : index
      %get3A_188 = tpu.vector_load %arg6[%get3A_186, %get3A_187] {strides = array<i32>} : memref<96x256xf32, #tpu.memory_space<vmem>>, vector<16xf32>,
      %sub3A_189 = arith.subf %get3A_188, %get3A_31 : vector<16xf32>
      %mul3A_190 = arith.mulf %sub3A_189, %sub3A_189 : vector<16xf32>
      %add3A_191 = arith.addf %add3A_151, %mul3A_190 : vector<16xf32>
      %mul3A_192 = arith.constant 16 : i32
      %mul3A_193 = arith.muli %scan3A_42, %mul3A_192 : i32
      %add3A_194 = arith.constant 0 : i32
      %add3A_195 = arith.addi %mul3A_193, %add3A_194 : i32
      %get3A_196 = arith.index_cast %add3A_195 : i32 to index
      %get3A_197 = arith.constant 224 : index
      %get3A_198 = tpu.vector_load %arg6[%get3A_196, %get3A_197] {strides = array<i32>} : memref<96x256xf32, #tpu.memory_space<vmem>>, vector<16xf32>,
      %sub3A_199 = arith.subf %get3A_198, %get3A_33 : vector<16xf32>
      %mul3A_200 = arith.mulf %sub3A_199, %sub3A_199 : vector<16xf32>
      %add3A_201 = arith.addf %add3A_161, %mul3A_200 : vector<16xf32>
      %mul3A_202 = arith.constant 16 : i32
      %mul3A_203 = arith.muli %scan3A_42, %mul3A_202 : i32
      %add3A_204 = arith.constant 0 : i32
      %add3A_205 = arith.addi %mul3A_203, %add3A_204 : i32
      %get3A_206 = arith.index_cast %add3A_205 : i32 to index
      %get3A_207 = arith.constant 240 : index
      %get3A_208 = tpu.vector_load %arg6[%get3A_206, %get3A_207] {strides = array<i32>} : memref<96x256xf32, #tpu.memory_space<vmem>>, vector<16xf32>,
      %sub3A_209 = arith.subf %get3A_208, %get3A_35 : vector<16xf32>
      %mul3A_210 = arith.mulf %sub3A_209, %sub3A_209 : vector<16xf32>
      %add3A_211 = arith.addf %add3A_171, %mul3A_210 : vector<16xf32>
      %add3A_212 = arith.addf %add3A_181, %add3A_191 : vector<16xf32>
      %add3A_213 = arith.addf %add3A_201, %add3A_211 : vector<16xf32>
      %add3A_214 = arith.addf %add3A_212, %add3A_213 : vector<16xf32>
      %reduce_sum3A = arith.constant true
      %reduce_sum3A_215 = vector.broadcast %reduce_sum3A : i1 to vector<16xi1>
      %reduce_sum3A_216 = tpu.scan <sum>, %add3A_214 masked %reduce_sum3A_215 : vector<16xf32>, vector<16xi1> -> vector<16xf32>
      %reduce_sum3A_217 = vector.extract %reduce_sum3A_216[15] : f32 from vector<16xf32>
      %eq3A = arith.constant 0 : i32
      %eq3A_218 = vector.broadcast %eq3A : i32 to vector<16xi32>
      %eq3A_219 = arith.cmpi eq, %iota3A, %eq3A_218 : vector<16xi32>
      %broadcast_in_dim3A_220 = vector.broadcast %reduce_sum3A_217 : f32 to vector<16xf32>
      %select_n3A = arith.select %eq3A_219, %broadcast_in_dim3A_220, %broadcast_in_dim3A_44 : vector<16xi1>, vector<16xf32>
      %broadcast_in_dim3A_221 = arith.constant 0.000000e+00 : f32
      %broadcast_in_dim3A_222 = vector.broadcast %broadcast_in_dim3A_221 : f32 to vector<16xf32>
      %broadcast_in_dim3A_223 = arith.constant 0.000000e+00 : f32
      %broadcast_in_dim3A_224 = vector.broadcast %broadcast_in_dim3A_223 : f32 to vector<16xf32>
      %broadcast_in_dim3A_225 = arith.constant 0.000000e+00 : f32
      %broadcast_in_dim3A_226 = vector.broadcast %broadcast_in_dim3A_225 : f32 to vector<16xf32>
      %broadcast_in_dim3A_227 = arith.constant 0.000000e+00 : f32
      %broadcast_in_dim3A_228 = vector.broadcast %broadcast_in_dim3A_227 : f32 to vector<16xf32>
      %mul3A_229 = arith.constant 16 : i32
      %mul3A_230 = arith.muli %scan3A_42, %mul3A_229 : i32
      %add3A_231 = arith.constant 1 : i32
      %add3A_232 = arith.addi %mul3A_230, %add3A_231 : i32
      %get3A_233 = arith.index_cast %add3A_232 : i32 to index
      %get3A_234 = arith.constant 0 : index
      %get3A_235 = tpu.vector_load %arg6[%get3A_233, %get3A_234] {strides = array<i32>} : memref<96x256xf32, #tpu.memory_space<vmem>>, vector<16xf32>,
      %sub3A_236 = arith.subf %get3A_235, %get3A_5 : vector<16xf32>
      %mul3A_237 = arith.mulf %sub3A_236, %sub3A_236 : vector<16xf32>
      %add3A_238 = arith.addf %broadcast_in_dim3A_222, %mul3A_237 : vector<16xf32>
      %mul3A_239 = arith.constant 16 : i32
      %mul3A_240 = arith.muli %scan3A_42, %mul3A_239 : i32
      %add3A_241 = arith.constant 1 : i32
      %add3A_242 = arith.addi %mul3A_240, %add3A_241 : i32
      %get3A_243 = arith.index_cast %add3A_242 : i32 to index
      %get3A_244 = arith.constant 16 : index
      %get3A_245 = tpu.vector_load %arg6[%get3A_243, %get3A_244] {strides = array<i32>} : memref<96x256xf32, #tpu.memory_space<vmem>>, vector<16xf32>,
      %sub3A_246 = arith.subf %get3A_245, %get3A_7 : vector<16xf32>
      %mul3A_247 = arith.mulf %sub3A_246, %sub3A_246 : vector<16xf32>
      %add3A_248 = arith.addf %broadcast_in_dim3A_224, %mul3A_247 : vector<16xf32>
      %mul3A_249 = arith.constant 16 : i32
      %mul3A_250 = arith.muli %scan3A_42, %mul3A_249 : i32
      %add3A_251 = arith.constant 1 : i32
      %add3A_252 = arith.addi %mul3A_250, %add3A_251 : i32
      %get3A_253 = arith.index_cast %add3A_252 : i32 to index
      %get3A_254 = arith.constant 32 : index
      %get3A_255 = tpu.vector_load %arg6[%get3A_253, %get3A_254] {strides = array<i32>} : memref<96x256xf32, #tpu.memory_space<vmem>>, vector<16xf32>,
      %sub3A_256 = arith.subf %get3A_255, %get3A_9 : vector<16xf32>
      %mul3A_257 = arith.mulf %sub3A_256, %sub3A_256 : vector<16xf32>
      %add3A_258 = arith.addf %broadcast_in_dim3A_226, %mul3A_257 : vector<16xf32>
      %mul3A_259 = arith.constant 16 : i32
      %mul3A_260 = arith.muli %scan3A_42, %mul3A_259 : i32
      %add3A_261 = arith.constant 1 : i32
      %add3A_262 = arith.addi %mul3A_260, %add3A_261 : i32
      %get3A_263 = arith.index_cast %add3A_262 : i32 to index
      %get3A_264 = arith.constant 48 : index
      %get3A_265 = tpu.vector_load %arg6[%get3A_263, %get3A_264] {strides = array<i32>} : memref<96x256xf32, #tpu.memory_space<vmem>>, vector<16xf32>,
      %sub3A_266 = arith.subf %get3A_265, %get3A_11 : vector<16xf32>
      %mul3A_267 = arith.mulf %sub3A_266, %sub3A_266 : vector<16xf32>
      %add3A_268 = arith.addf %broadcast_in_dim3A_228, %mul3A_267 : vector<16xf32>
      %mul3A_269 = arith.constant 16 : i32
      %mul3A_270 = arith.muli %scan3A_42, %mul3A_269 : i32
      %add3A_271 = arith.constant 1 : i32
      %add3A_272 = arith.addi %mul3A_270, %add3A_271 : i32
      %get3A_273 = arith.index_cast %add3A_272 : i32 to index
      %get3A_274 = arith.constant 64 : index
      %get3A_275 = tpu.vector_load %arg6[%get3A_273, %get3A_274] {strides = array<i32>} : memref<96x256xf32, #tpu.memory_space<vmem>>, vector<16xf32>,
      %sub3A_276 = arith.subf %get3A_275, %get3A_13 : vector<16xf32>
      %mul3A_277 = arith.mulf %sub3A_276, %sub3A_276 : vector<16xf32>
      %add3A_278 = arith.addf %add3A_238, %mul3A_277 : vector<16xf32>
      %mul3A_279 = arith.constant 16 : i32
      %mul3A_280 = arith.muli %scan3A_42, %mul3A_279 : i32
      %add3A_281 = arith.constant 1 : i32
      %add3A_282 = arith.addi %mul3A_280, %add3A_281 : i32
      %get3A_283 = arith.index_cast %add3A_282 : i32 to index
      %get3A_284 = arith.constant 80 : index
      %get3A_285 = tpu.vector_load %arg6[%get3A_283, %get3A_284] {strides = array<i32>} : memref<96x256xf32, #tpu.memory_space<vmem>>, vector<16xf32>,
      %sub3A_286 = arith.subf %get3A_285, %get3A_15 : vector<16xf32>
      %mul3A_287 = arith.mulf %sub3A_286, %sub3A_286 : vector<16xf32>
      %add3A_288 = arith.addf %add3A_248, %mul3A_287 : vector<16xf32>
      %mul3A_289 = arith.constant 16 : i32
      %mul3A_290 = arith.muli %scan3A_42, %mul3A_289 : i32
      %add3A_291 = arith.constant 1 : i32
      %add3A_292 = arith.addi %mul3A_290, %add3A_291 : i32
      %get3A_293 = arith.index_cast %add3A_292 : i32 to index
      %get3A_294 = arith.constant 96 : index
      %get3A_295 = tpu.vector_load %arg6[%get3A_293, %get3A_294] {strides = array<i32>} : memref<96x256xf32, #tpu.memory_space<vmem>>, vector<16xf32>,
      %sub3A_296 = arith.subf %get3A_295, %get3A_17 : vector<16xf32>
      %mul3A_297 = arith.mulf %sub3A_296, %sub3A_296 : vector<16xf32>
      %add3A_298 = arith.addf %add3A_258, %mul3A_297 : vector<16xf32>
      %mul3A_299 = arith.constant 16 : i32
      %mul3A_300 = arith.muli %scan3A_42, %mul3A_299 : i32
      %add3A_301 = arith.constant 1 : i32
      %add3A_302 = arith.addi %mul3A_300, %add3A_301 : i32
      %get3A_303 = arith.index_cast %add3A_302 : i32 to index
      %get3A_304 = arith.constant 112 : index
      %get3A_305 = tpu.vector_load %arg6[%get3A_303, %get3A_304] {strides = array<i32>} : memref<96x256xf32, #tpu.memory_space<vmem>>, vector<16xf32>,
      %sub3A_306 = arith.subf %get3A_305, %get3A_19 : vector<16xf32>
      %mul3A_307 = arith.mulf %sub3A_306, %sub3A_306 : vector<16xf32>
      %add3A_308 = arith.addf %add3A_268, %mul3A_307 : vector<16xf32>
      %mul3A_309 = arith.constant 16 : i32
      %mul3A_310 = arith.muli %scan3A_42, %mul3A_309 : i32
      %add3A_311 = arith.constant 1 : i32
      %add3A_312 = arith.addi %mul3A_310, %add3A_311 : i32
      %get3A_313 = arith.index_cast %add3A_312 : i32 to index
      %get3A_314 = arith.constant 128 : index
      %get3A_315 = tpu.vector_load %arg6[%get3A_313, %get3A_314] {strides = array<i32>} : memref<96x256xf32, #tpu.memory_space<vmem>>, vector<16xf32>,
      %sub3A_316 = arith.subf %get3A_315, %get3A_21 : vector<16xf32>
      %mul3A_317 = arith.mulf %sub3A_316, %sub3A_316 : vector<16xf32>
      %add3A_318 = arith.addf %add3A_278, %mul3A_317 : vector<16xf32>
      %mul3A_319 = arith.constant 16 : i32
      %mul3A_320 = arith.muli %scan3A_42, %mul3A_319 : i32
      %add3A_321 = arith.constant 1 : i32
      %add3A_322 = arith.addi %mul3A_320, %add3A_321 : i32
      %get3A_323 = arith.index_cast %add3A_322 : i32 to index
      %get3A_324 = arith.constant 144 : index
      %get3A_325 = tpu.vector_load %arg6[%get3A_323, %get3A_324] {strides = array<i32>} : memref<96x256xf32, #tpu.memory_space<vmem>>, vector<16xf32>,
      %sub3A_326 = arith.subf %get3A_325, %get3A_23 : vector<16xf32>
      %mul3A_327 = arith.mulf %sub3A_326, %sub3A_326 : vector<16xf32>
      %add3A_328 = arith.addf %add3A_288, %mul3A_327 : vector<16xf32>
      %mul3A_329 = arith.constant 16 : i32
      %mul3A_330 = arith.muli %scan3A_42, %mul3A_329 : i32
      %add3A_331 = arith.constant 1 : i32
      %add3A_332 = arith.addi %mul3A_330, %add3A_331 : i32
      %get3A_333 = arith.index_cast %add3A_332 : i32 to index
      %get3A_334 = arith.constant 160 : index
      %get3A_335 = tpu.vector_load %arg6[%get3A_333, %get3A_334] {strides = array<i32>} : memref<96x256xf32, #tpu.memory_space<vmem>>, vector<16xf32>,
      %sub3A_336 = arith.subf %get3A_335, %get3A_25 : vector<16xf32>
      %mul3A_337 = arith.mulf %sub3A_336, %sub3A_336 : vector<16xf32>
      %add3A_338 = arith.addf %add3A_298, %mul3A_337 : vector<16xf32>
      %mul3A_339 = arith.constant 16 : i32
      %mul3A_340 = arith.muli %scan3A_42, %mul3A_339 : i32
      %add3A_341 = arith.constant 1 : i32
      %add3A_342 = arith.addi %mul3A_340, %add3A_341 : i32
      %get3A_343 = arith.index_cast %add3A_342 : i32 to index
      %get3A_344 = arith.constant 176 : index
      %get3A_345 = tpu.vector_load %arg6[%get3A_343, %get3A_344] {strides = array<i32>} : memref<96x256xf32, #tpu.memory_space<vmem>>, vector<16xf32>,
      %sub3A_346 = arith.subf %get3A_345, %get3A_27 : vector<16xf32>
      %mul3A_347 = arith.mulf %sub3A_346, %sub3A_346 : vector<16xf32>
      %add3A_348 = arith.addf %add3A_308, %mul3A_347 : vector<16xf32>
      %mul3A_349 = arith.constant 16 : i32
      %mul3A_350 = arith.muli %scan3A_42, %mul3A_349 : i32
      %add3A_351 = arith.constant 1 : i32
      %add3A_352 = arith.addi %mul3A_350, %add3A_351 : i32
      %get3A_353 = arith.index_cast %add3A_352 : i32 to index
      %get3A_354 = arith.constant 192 : index
      %get3A_355 = tpu.vector_load %arg6[%get3A_353, %get3A_354] {strides = array<i32>} : memref<96x256xf32, #tpu.memory_space<vmem>>, vector<16xf32>,
      %sub3A_356 = arith.subf %get3A_355, %get3A_29 : vector<16xf32>
      %mul3A_357 = arith.mulf %sub3A_356, %sub3A_356 : vector<16xf32>
      %add3A_358 = arith.addf %add3A_318, %mul3A_357 : vector<16xf32>
      %mul3A_359 = arith.constant 16 : i32
      %mul3A_360 = arith.muli %scan3A_42, %mul3A_359 : i32
      %add3A_361 = arith.constant 1 : i32
      %add3A_362 = arith.addi %mul3A_360, %add3A_361 : i32
      %get3A_363 = arith.index_cast %add3A_362 : i32 to index
      %get3A_364 = arith.constant 208 : index
      %get3A_365 = tpu.vector_load %arg6[%get3A_363, %get3A_364] {strides = array<i32>} : memref<96x256xf32, #tpu.memory_space<vmem>>, vector<16xf32>,
      %sub3A_366 = arith.subf %get3A_365, %get3A_31 : vector<16xf32>
      %mul3A_367 = arith.mulf %sub3A_366, %sub3A_366 : vector<16xf32>
      %add3A_368 = arith.addf %add3A_328, %mul3A_367 : vector<16xf32>
      %mul3A_369 = arith.constant 16 : i32
      %mul3A_370 = arith.muli %scan3A_42, %mul3A_369 : i32
      %add3A_371 = arith.constant 1 : i32
      %add3A_372 = arith.addi %mul3A_370, %add3A_371 : i32
      %get3A_373 = arith.index_cast %add3A_372 : i32 to index
      %get3A_374 = arith.constant 224 : index
      %get3A_375 = tpu.vector_load %arg6[%get3A_373, %get3A_374] {strides = array<i32>} : memref<96x256xf32, #tpu.memory_space<vmem>>, vector<16xf32>,
      %sub3A_376 = arith.subf %get3A_375, %get3A_33 : vector<16xf32>
      %mul3A_377 = arith.mulf %sub3A_376, %sub3A_376 : vector<16xf32>
      %add3A_378 = arith.addf %add3A_338, %mul3A_377 : vector<16xf32>
      %mul3A_379 = arith.constant 16 : i32
      %mul3A_380 = arith.muli %scan3A_42, %mul3A_379 : i32
      %add3A_381 = arith.constant 1 : i32
      %add3A_382 = arith.addi %mul3A_380, %add3A_381 : i32
      %get3A_383 = arith.index_cast %add3A_382 : i32 to index
      %get3A_384 = arith.constant 240 : index
      %get3A_385 = tpu.vector_load %arg6[%get3A_383, %get3A_384] {strides = array<i32>} : memref<96x256xf32, #tpu.memory_space<vmem>>, vector<16xf32>,
      %sub3A_386 = arith.subf %get3A_385, %get3A_35 : vector<16xf32>
      %mul3A_387 = arith.mulf %sub3A_386, %sub3A_386 : vector<16xf32>
      %add3A_388 = arith.addf %add3A_348, %mul3A_387 : vector<16xf32>
      %add3A_389 = arith.addf %add3A_358, %add3A_368 : vector<16xf32>
      %add3A_390 = arith.addf %add3A_378, %add3A_388 : vector<16xf32>
      %add3A_391 = arith.addf %add3A_389, %add3A_390 : vector<16xf32>
      %reduce_sum3A_392 = arith.constant true
      %reduce_sum3A_393 = vector.broadcast %reduce_sum3A_392 : i1 to vector<16xi1>
      %reduce_sum3A_394 = tpu.scan <sum>, %add3A_391 masked %reduce_sum3A_393 : vector<16xf32>, vector<16xi1> -> vector<16xf32>
      %reduce_sum3A_395 = vector.extract %reduce_sum3A_394[15] : f32 from vector<16xf32>
      %eq3A_396 = arith.constant 1 : i32
      %eq3A_397 = vector.broadcast %eq3A_396 : i32 to vector<16xi32>
      %eq3A_398 = arith.cmpi eq, %iota3A, %eq3A_397 : vector<16xi32>
      %broadcast_in_dim3A_399 = vector.broadcast %reduce_sum3A_395 : f32 to vector<16xf32>
      %select_n3A_400 = arith.select %eq3A_398, %broadcast_in_dim3A_399, %select_n3A : vector<16xi1>, vector<16xf32>
      %broadcast_in_dim3A_401 = arith.constant 0.000000e+00 : f32
      %broadcast_in_dim3A_402 = vector.broadcast %broadcast_in_dim3A_401 : f32 to vector<16xf32>
      %broadcast_in_dim3A_403 = arith.constant 0.000000e+00 : f32
      %broadcast_in_dim3A_404 = vector.broadcast %broadcast_in_dim3A_403 : f32 to vector<16xf32>
      %broadcast_in_dim3A_405 = arith.constant 0.000000e+00 : f32
      %broadcast_in_dim3A_406 = vector.broadcast %broadcast_in_dim3A_405 : f32 to vector<16xf32>
      %broadcast_in_dim3A_407 = arith.constant 0.000000e+00 : f32
      %broadcast_in_dim3A_408 = vector.broadcast %broadcast_in_dim3A_407 : f32 to vector<16xf32>
      %mul3A_409 = arith.constant 16 : i32
      %mul3A_410 = arith.muli %scan3A_42, %mul3A_409 : i32
      %add3A_411 = arith.constant 2 : i32
      %add3A_412 = arith.addi %mul3A_410, %add3A_411 : i32
      %get3A_413 = arith.index_cast %add3A_412 : i32 to index
      %get3A_414 = arith.constant 0 : index
      %get3A_415 = tpu.vector_load %arg6[%get3A_413, %get3A_414] {strides = array<i32>} : memref<96x256xf32, #tpu.memory_space<vmem>>, vector<16xf32>,
      %sub3A_416 = arith.subf %get3A_415, %get3A_5 : vector<16xf32>
      %mul3A_417 = arith.mulf %sub3A_416, %sub3A_416 : vector<16xf32>
      %add3A_418 = arith.addf %broadcast_in_dim3A_402, %mul3A_417 : vector<16xf32>
      %mul3A_419 = arith.constant 16 : i32
      %mul3A_420 = arith.muli %scan3A_42, %mul3A_419 : i32
      %add3A_421 = arith.constant 2 : i32
      %add3A_422 = arith.addi %mul3A_420, %add3A_421 : i32
      %get3A_423 = arith.index_cast %add3A_422 : i32 to index
      %get3A_424 = arith.constant 16 : index
      %get3A_425 = tpu.vector_load %arg6[%get3A_423, %get3A_424] {strides = array<i32>} : memref<96x256xf32, #tpu.memory_space<vmem>>, vector<16xf32>,
      %sub3A_426 = arith.subf %get3A_425, %get3A_7 : vector<16xf32>
      %mul3A_427 = arith.mulf %sub3A_426, %sub3A_426 : vector<16xf32>
      %add3A_428 = arith.addf %broadcast_in_dim3A_404, %mul3A_427 : vector<16xf32>
      %mul3A_429 = arith.constant 16 : i32
      %mul3A_430 = arith.muli %scan3A_42, %mul3A_429 : i32
      %add3A_431 = arith.constant 2 : i32
      %add3A_432 = arith.addi %mul3A_430, %add3A_431 : i32
      %get3A_433 = arith.index_cast %add3A_432 : i32 to index
      %get3A_434 = arith.constant 32 : index
      %get3A_435 = tpu.vector_load %arg6[%get3A_433, %get3A_434] {strides = array<i32>} : memref<96x256xf32, #tpu.memory_space<vmem>>, vector<16xf32>,
      %sub3A_436 = arith.subf %get3A_435, %get3A_9 : vector<16xf32>
      %mul3A_437 = arith.mulf %sub3A_436, %sub3A_436 : vector<16xf32>
      %add3A_438 = arith.addf %broadcast_in_dim3A_406, %mul3A_437 : vector<16xf32>
      %mul3A_439 = arith.constant 16 : i32
      %mul3A_440 = arith.muli %scan3A_42, %mul3A_439 : i32
      %add3A_441 = arith.constant 2 : i32
      %add3A_442 = arith.addi %mul3A_440, %add3A_441 : i32
      %get3A_443 = arith.index_cast %add3A_442 : i32 to index
      %get3A_444 = arith.constant 48 : index
      %get3A_445 = tpu.vector_load %arg6[%get3A_443, %get3A_444] {strides = array<i32>} : memref<96x256xf32, #tpu.memory_space<vmem>>, vector<16xf32>,
      %sub3A_446 = arith.subf %get3A_445, %get3A_11 : vector<16xf32>
      %mul3A_447 = arith.mulf %sub3A_446, %sub3A_446 : vector<16xf32>
      %add3A_448 = arith.addf %broadcast_in_dim3A_408, %mul3A_447 : vector<16xf32>
      %mul3A_449 = arith.constant 16 : i32
      %mul3A_450 = arith.muli %scan3A_42, %mul3A_449 : i32
      %add3A_451 = arith.constant 2 : i32
      %add3A_452 = arith.addi %mul3A_450, %add3A_451 : i32
      %get3A_453 = arith.index_cast %add3A_452 : i32 to index
      %get3A_454 = arith.constant 64 : index
      %get3A_455 = tpu.vector_load %arg6[%get3A_453, %get3A_454] {strides = array<i32>} : memref<96x256xf32, #tpu.memory_space<vmem>>, vector<16xf32>,
      %sub3A_456 = arith.subf %get3A_455, %get3A_13 : vector<16xf32>
      %mul3A_457 = arith.mulf %sub3A_456, %sub3A_456 : vector<16xf32>
      %add3A_458 = arith.addf %add3A_418, %mul3A_457 : vector<16xf32>
      %mul3A_459 = arith.constant 16 : i32
      %mul3A_460 = arith.muli %scan3A_42, %mul3A_459 : i32
      %add3A_461 = arith.constant 2 : i32
      %add3A_462 = arith.addi %mul3A_460, %add3A_461 : i32
      %get3A_463 = arith.index_cast %add3A_462 : i32 to index
      %get3A_464 = arith.constant 80 : index
      %get3A_465 = tpu.vector_load %arg6[%get3A_463, %get3A_464] {strides = array<i32>} : memref<96x256xf32, #tpu.memory_space<vmem>>, vector<16xf32>,
      %sub3A_466 = arith.subf %get3A_465, %get3A_15 : vector<16xf32>
      %mul3A_467 = arith.mulf %sub3A_466, %sub3A_466 : vector<16xf32>
      %add3A_468 = arith.addf %add3A_428, %mul3A_467 : vector<16xf32>
      %mul3A_469 = arith.constant 16 : i32
      %mul3A_470 = arith.muli %scan3A_42, %mul3A_469 : i32
      %add3A_471 = arith.constant 2 : i32
      %add3A_472 = arith.addi %mul3A_470, %add3A_471 : i32
      %get3A_473 = arith.index_cast %add3A_472 : i32 to index
      %get3A_474 = arith.constant 96 : index
      %get3A_475 = tpu.vector_load %arg6[%get3A_473, %get3A_474] {strides = array<i32>} : memref<96x256xf32, #tpu.memory_space<vmem>>, vector<16xf32>,
      %sub3A_476 = arith.subf %get3A_475, %get3A_17 : vector<16xf32>
      %mul3A_477 = arith.mulf %sub3A_476, %sub3A_476 : vector<16xf32>
      %add3A_478 = arith.addf %add3A_438, %mul3A_477 : vector<16xf32>
      %mul3A_479 = arith.constant 16 : i32
      %mul3A_480 = arith.muli %scan3A_42, %mul3A_479 : i32
      %add3A_481 = arith.constant 2 : i32
      %add3A_482 = arith.addi %mul3A_480, %add3A_481 : i32
      %get3A_483 = arith.index_cast %add3A_482 : i32 to index
      %get3A_484 = arith.constant 112 : index
      %get3A_485 = tpu.vector_load %arg6[%get3A_483, %get3A_484] {strides = array<i32>} : memref<96x256xf32, #tpu.memory_space<vmem>>, vector<16xf32>,
      %sub3A_486 = arith.subf %get3A_485, %get3A_19 : vector<16xf32>
      %mul3A_487 = arith.mulf %sub3A_486, %sub3A_486 : vector<16xf32>
      %add3A_488 = arith.addf %add3A_448, %mul3A_487 : vector<16xf32>
      %mul3A_489 = arith.constant 16 : i32
      %mul3A_490 = arith.muli %scan3A_42, %mul3A_489 : i32
      %add3A_491 = arith.constant 2 : i32
      %add3A_492 = arith.addi %mul3A_490, %add3A_491 : i32
      %get3A_493 = arith.index_cast %add3A_492 : i32 to index
      %get3A_494 = arith.constant 128 : index
      %get3A_495 = tpu.vector_load %arg6[%get3A_493, %get3A_494] {strides = array<i32>} : memref<96x256xf32, #tpu.memory_space<vmem>>, vector<16xf32>,
      %sub3A_496 = arith.subf %get3A_495, %get3A_21 : vector<16xf32>
      %mul3A_497 = arith.mulf %sub3A_496, %sub3A_496 : vector<16xf32>
      %add3A_498 = arith.addf %add3A_458, %mul3A_497 : vector<16xf32>
      %mul3A_499 = arith.constant 16 : i32
      %mul3A_500 = arith.muli %scan3A_42, %mul3A_499 : i32
      %add3A_501 = arith.constant 2 : i32
      %add3A_502 = arith.addi %mul3A_500, %add3A_501 : i32
      %get3A_503 = arith.index_cast %add3A_502 : i32 to index
      %get3A_504 = arith.constant 144 : index
      %get3A_505 = tpu.vector_load %arg6[%get3A_503, %get3A_504] {strides = array<i32>} : memref<96x256xf32, #tpu.memory_space<vmem>>, vector<16xf32>,
      %sub3A_506 = arith.subf %get3A_505, %get3A_23 : vector<16xf32>
      %mul3A_507 = arith.mulf %sub3A_506, %sub3A_506 : vector<16xf32>
      %add3A_508 = arith.addf %add3A_468, %mul3A_507 : vector<16xf32>
      %mul3A_509 = arith.constant 16 : i32
      %mul3A_510 = arith.muli %scan3A_42, %mul3A_509 : i32
      %add3A_511 = arith.constant 2 : i32
      %add3A_512 = arith.addi %mul3A_510, %add3A_511 : i32
      %get3A_513 = arith.index_cast %add3A_512 : i32 to index
      %get3A_514 = arith.constant 160 : index
      %get3A_515 = tpu.vector_load %arg6[%get3A_513, %get3A_514] {strides = array<i32>} : memref<96x256xf32, #tpu.memory_space<vmem>>, vector<16xf32>,
      %sub3A_516 = arith.subf %get3A_515, %get3A_25 : vector<16xf32>
      %mul3A_517 = arith.mulf %sub3A_516, %sub3A_516 : vector<16xf32>
      %add3A_518 = arith.addf %add3A_478, %mul3A_517 : vector<16xf32>
      %mul3A_519 = arith.constant 16 : i32
      %mul3A_520 = arith.muli %scan3A_42, %mul3A_519 : i32
      %add3A_521 = arith.constant 2 : i32
      %add3A_522 = arith.addi %mul3A_520, %add3A_521 : i32
      %get3A_523 = arith.index_cast %add3A_522 : i32 to index
      %get3A_524 = arith.constant 176 : index
      %get3A_525 = tpu.vector_load %arg6[%get3A_523, %get3A_524] {strides = array<i32>} : memref<96x256xf32, #tpu.memory_space<vmem>>, vector<16xf32>,
      %sub3A_526 = arith.subf %get3A_525, %get3A_27 : vector<16xf32>
      %mul3A_527 = arith.mulf %sub3A_526, %sub3A_526 : vector<16xf32>
      %add3A_528 = arith.addf %add3A_488, %mul3A_527 : vector<16xf32>
      %mul3A_529 = arith.constant 16 : i32
      %mul3A_530 = arith.muli %scan3A_42, %mul3A_529 : i32
      %add3A_531 = arith.constant 2 : i32
      %add3A_532 = arith.addi %mul3A_530, %add3A_531 : i32
      %get3A_533 = arith.index_cast %add3A_532 : i32 to index
      %get3A_534 = arith.constant 192 : index
      %get3A_535 = tpu.vector_load %arg6[%get3A_533, %get3A_534] {strides = array<i32>} : memref<96x256xf32, #tpu.memory_space<vmem>>, vector<16xf32>,
      %sub3A_536 = arith.subf %get3A_535, %get3A_29 : vector<16xf32>
      %mul3A_537 = arith.mulf %sub3A_536, %sub3A_536 : vector<16xf32>
      %add3A_538 = arith.addf %add3A_498, %mul3A_537 : vector<16xf32>
      %mul3A_539 = arith.constant 16 : i32
      %mul3A_540 = arith.muli %scan3A_42, %mul3A_539 : i32
      %add3A_541 = arith.constant 2 : i32
      %add3A_542 = arith.addi %mul3A_540, %add3A_541 : i32
      %get3A_543 = arith.index_cast %add3A_542 : i32 to index
      %get3A_544 = arith.constant 208 : index
      %get3A_545 = tpu.vector_load %arg6[%get3A_543, %get3A_544] {strides = array<i32>} : memref<96x256xf32, #tpu.memory_space<vmem>>, vector<16xf32>,
      %sub3A_546 = arith.subf %get3A_545, %get3A_31 : vector<16xf32>
      %mul3A_547 = arith.mulf %sub3A_546, %sub3A_546 : vector<16xf32>
      %add3A_548 = arith.addf %add3A_508, %mul3A_547 : vector<16xf32>
      %mul3A_549 = arith.constant 16 : i32
      %mul3A_550 = arith.muli %scan3A_42, %mul3A_549 : i32
      %add3A_551 = arith.constant 2 : i32
      %add3A_552 = arith.addi %mul3A_550, %add3A_551 : i32
      %get3A_553 = arith.index_cast %add3A_552 : i32 to index
      %get3A_554 = arith.constant 224 : index
      %get3A_555 = tpu.vector_load %arg6[%get3A_553, %get3A_554] {strides = array<i32>} : memref<96x256xf32, #tpu.memory_space<vmem>>, vector<16xf32>,
      %sub3A_556 = arith.subf %get3A_555, %get3A_33 : vector<16xf32>
      %mul3A_557 = arith.mulf %sub3A_556, %sub3A_556 : vector<16xf32>
      %add3A_558 = arith.addf %add3A_518, %mul3A_557 : vector<16xf32>
      %mul3A_559 = arith.constant 16 : i32
      %mul3A_560 = arith.muli %scan3A_42, %mul3A_559 : i32
      %add3A_561 = arith.constant 2 : i32
      %add3A_562 = arith.addi %mul3A_560, %add3A_561 : i32
      %get3A_563 = arith.index_cast %add3A_562 : i32 to index
      %get3A_564 = arith.constant 240 : index
      %get3A_565 = tpu.vector_load %arg6[%get3A_563, %get3A_564] {strides = array<i32>} : memref<96x256xf32, #tpu.memory_space<vmem>>, vector<16xf32>,
      %sub3A_566 = arith.subf %get3A_565, %get3A_35 : vector<16xf32>
      %mul3A_567 = arith.mulf %sub3A_566, %sub3A_566 : vector<16xf32>
      %add3A_568 = arith.addf %add3A_528, %mul3A_567 : vector<16xf32>
      %add3A_569 = arith.addf %add3A_538, %add3A_548 : vector<16xf32>
      %add3A_570 = arith.addf %add3A_558, %add3A_568 : vector<16xf32>
      %add3A_571 = arith.addf %add3A_569, %add3A_570 : vector<16xf32>
      %reduce_sum3A_572 = arith.constant true
      %reduce_sum3A_573 = vector.broadcast %reduce_sum3A_572 : i1 to vector<16xi1>
      %reduce_sum3A_574 = tpu.scan <sum>, %add3A_571 masked %reduce_sum3A_573 : vector<16xf32>, vector<16xi1> -> vector<16xf32>
      %reduce_sum3A_575 = vector.extract %reduce_sum3A_574[15] : f32 from vector<16xf32>
      %eq3A_576 = arith.constant 2 : i32
      %eq3A_577 = vector.broadcast %eq3A_576 : i32 to vector<16xi32>
      %eq3A_578 = arith.cmpi eq, %iota3A, %eq3A_577 : vector<16xi32>
      %broadcast_in_dim3A_579 = vector.broadcast %reduce_sum3A_575 : f32 to vector<16xf32>
      %select_n3A_580 = arith.select %eq3A_578, %broadcast_in_dim3A_579, %select_n3A_400 : vector<16xi1>, vector<16xf32>
      %broadcast_in_dim3A_581 = arith.constant 0.000000e+00 : f32
      %broadcast_in_dim3A_582 = vector.broadcast %broadcast_in_dim3A_581 : f32 to vector<16xf32>
      %broadcast_in_dim3A_583 = arith.constant 0.000000e+00 : f32
      %broadcast_in_dim3A_584 = vector.broadcast %broadcast_in_dim3A_583 : f32 to vector<16xf32>
      %broadcast_in_dim3A_585 = arith.constant 0.000000e+00 : f32
      %broadcast_in_dim3A_586 = vector.broadcast %broadcast_in_dim3A_585 : f32 to vector<16xf32>
      %broadcast_in_dim3A_587 = arith.constant 0.000000e+00 : f32
      %broadcast_in_dim3A_588 = vector.broadcast %broadcast_in_dim3A_587 : f32 to vector<16xf32>
      %mul3A_589 = arith.constant 16 : i32
      %mul3A_590 = arith.muli %scan3A_42, %mul3A_589 : i32
      %add3A_591 = arith.constant 3 : i32
      %add3A_592 = arith.addi %mul3A_590, %add3A_591 : i32
      %get3A_593 = arith.index_cast %add3A_592 : i32 to index
      %get3A_594 = arith.constant 0 : index
      %get3A_595 = tpu.vector_load %arg6[%get3A_593, %get3A_594] {strides = array<i32>} : memref<96x256xf32, #tpu.memory_space<vmem>>, vector<16xf32>,
      %sub3A_596 = arith.subf %get3A_595, %get3A_5 : vector<16xf32>
      %mul3A_597 = arith.mulf %sub3A_596, %sub3A_596 : vector<16xf32>
      %add3A_598 = arith.addf %broadcast_in_dim3A_582, %mul3A_597 : vector<16xf32>
      %mul3A_599 = arith.constant 16 : i32
      %mul3A_600 = arith.muli %scan3A_42, %mul3A_599 : i32
      %add3A_601 = arith.constant 3 : i32
      %add3A_602 = arith.addi %mul3A_600, %add3A_601 : i32
      %get3A_603 = arith.index_cast %add3A_602 : i32 to index
      %get3A_604 = arith.constant 16 : index
      %get3A_605 = tpu.vector_load %arg6[%get3A_603, %get3A_604] {strides = array<i32>} : memref<96x256xf32, #tpu.memory_space<vmem>>, vector<16xf32>,
      %sub3A_606 = arith.subf %get3A_605, %get3A_7 : vector<16xf32>
      %mul3A_607 = arith.mulf %sub3A_606, %sub3A_606 : vector<16xf32>
      %add3A_608 = arith.addf %broadcast_in_dim3A_584, %mul3A_607 : vector<16xf32>
      %mul3A_609 = arith.constant 16 : i32
      %mul3A_610 = arith.muli %scan3A_42, %mul3A_609 : i32
      %add3A_611 = arith.constant 3 : i32
      %add3A_612 = arith.addi %mul3A_610, %add3A_611 : i32
      %get3A_613 = arith.index_cast %add3A_612 : i32 to index
      %get3A_614 = arith.constant 32 : index
      %get3A_615 = tpu.vector_load %arg6[%get3A_613, %get3A_614] {strides = array<i32>} : memref<96x256xf32, #tpu.memory_space<vmem>>, vector<16xf32>,
      %sub3A_616 = arith.subf %get3A_615, %get3A_9 : vector<16xf32>
      %mul3A_617 = arith.mulf %sub3A_616, %sub3A_616 : vector<16xf32>
      %add3A_618 = arith.addf %broadcast_in_dim3A_586, %mul3A_617 : vector<16xf32>
      %mul3A_619 = arith.constant 16 : i32
      %mul3A_620 = arith.muli %scan3A_42, %mul3A_619 : i32
      %add3A_621 = arith.constant 3 : i32
      %add3A_622 = arith.addi %mul3A_620, %add3A_621 : i32
      %get3A_623 = arith.index_cast %add3A_622 : i32 to index
      %get3A_624 = arith.constant 48 : index
      %get3A_625 = tpu.vector_load %arg6[%get3A_623, %get3A_624] {strides = array<i32>} : memref<96x256xf32, #tpu.memory_space<vmem>>, vector<16xf32>,
      %sub3A_626 = arith.subf %get3A_625, %get3A_11 : vector<16xf32>
      %mul3A_627 = arith.mulf %sub3A_626, %sub3A_626 : vector<16xf32>
      %add3A_628 = arith.addf %broadcast_in_dim3A_588, %mul3A_627 : vector<16xf32>
      %mul3A_629 = arith.constant 16 : i32
      %mul3A_630 = arith.muli %scan3A_42, %mul3A_629 : i32
      %add3A_631 = arith.constant 3 : i32
      %add3A_632 = arith.addi %mul3A_630, %add3A_631 : i32
      %get3A_633 = arith.index_cast %add3A_632 : i32 to index
      %get3A_634 = arith.constant 64 : index
      %get3A_635 = tpu.vector_load %arg6[%get3A_633, %get3A_634] {strides = array<i32>} : memref<96x256xf32, #tpu.memory_space<vmem>>, vector<16xf32>,
      %sub3A_636 = arith.subf %get3A_635, %get3A_13 : vector<16xf32>
      %mul3A_637 = arith.mulf %sub3A_636, %sub3A_636 : vector<16xf32>
      %add3A_638 = arith.addf %add3A_598, %mul3A_637 : vector<16xf32>
      %mul3A_639 = arith.constant 16 : i32
      %mul3A_640 = arith.muli %scan3A_42, %mul3A_639 : i32
      %add3A_641 = arith.constant 3 : i32
      %add3A_642 = arith.addi %mul3A_640, %add3A_641 : i32
      %get3A_643 = arith.index_cast %add3A_642 : i32 to index
      %get3A_644 = arith.constant 80 : index
      %get3A_645 = tpu.vector_load %arg6[%get3A_643, %get3A_644] {strides = array<i32>} : memref<96x256xf32, #tpu.memory_space<vmem>>, vector<16xf32>,
      %sub3A_646 = arith.subf %get3A_645, %get3A_15 : vector<16xf32>
      %mul3A_647 = arith.mulf %sub3A_646, %sub3A_646 : vector<16xf32>
      %add3A_648 = arith.addf %add3A_608, %mul3A_647 : vector<16xf32>
      %mul3A_649 = arith.constant 16 : i32
      %mul3A_650 = arith.muli %scan3A_42, %mul3A_649 : i32
      %add3A_651 = arith.constant 3 : i32
      %add3A_652 = arith.addi %mul3A_650, %add3A_651 : i32
      %get3A_653 = arith.index_cast %add3A_652 : i32 to index
      %get3A_654 = arith.constant 96 : index
      %get3A_655 = tpu.vector_load %arg6[%get3A_653, %get3A_654] {strides = array<i32>} : memref<96x256xf32, #tpu.memory_space<vmem>>, vector<16xf32>,
      %sub3A_656 = arith.subf %get3A_655, %get3A_17 : vector<16xf32>
      %mul3A_657 = arith.mulf %sub3A_656, %sub3A_656 : vector<16xf32>
      %add3A_658 = arith.addf %add3A_618, %mul3A_657 : vector<16xf32>
      %mul3A_659 = arith.constant 16 : i32
      %mul3A_660 = arith.muli %scan3A_42, %mul3A_659 : i32
      %add3A_661 = arith.constant 3 : i32
      %add3A_662 = arith.addi %mul3A_660, %add3A_661 : i32
      %get3A_663 = arith.index_cast %add3A_662 : i32 to index
      %get3A_664 = arith.constant 112 : index
      %get3A_665 = tpu.vector_load %arg6[%get3A_663, %get3A_664] {strides = array<i32>} : memref<96x256xf32, #tpu.memory_space<vmem>>, vector<16xf32>,
      %sub3A_666 = arith.subf %get3A_665, %get3A_19 : vector<16xf32>
      %mul3A_667 = arith.mulf %sub3A_666, %sub3A_666 : vector<16xf32>
      %add3A_668 = arith.addf %add3A_628, %mul3A_667 : vector<16xf32>
      %mul3A_669 = arith.constant 16 : i32
      %mul3A_670 = arith.muli %scan3A_42, %mul3A_669 : i32
      %add3A_671 = arith.constant 3 : i32
      %add3A_672 = arith.addi %mul3A_670, %add3A_671 : i32
      %get3A_673 = arith.index_cast %add3A_672 : i32 to index
      %get3A_674 = arith.constant 128 : index
      %get3A_675 = tpu.vector_load %arg6[%get3A_673, %get3A_674] {strides = array<i32>} : memref<96x256xf32, #tpu.memory_space<vmem>>, vector<16xf32>,
      %sub3A_676 = arith.subf %get3A_675, %get3A_21 : vector<16xf32>
      %mul3A_677 = arith.mulf %sub3A_676, %sub3A_676 : vector<16xf32>
      %add3A_678 = arith.addf %add3A_638, %mul3A_677 : vector<16xf32>
      %mul3A_679 = arith.constant 16 : i32
      %mul3A_680 = arith.muli %scan3A_42, %mul3A_679 : i32
      %add3A_681 = arith.constant 3 : i32
      %add3A_682 = arith.addi %mul3A_680, %add3A_681 : i32
      %get3A_683 = arith.index_cast %add3A_682 : i32 to index
      %get3A_684 = arith.constant 144 : index
      %get3A_685 = tpu.vector_load %arg6[%get3A_683, %get3A_684] {strides = array<i32>} : memref<96x256xf32, #tpu.memory_space<vmem>>, vector<16xf32>,
      %sub3A_686 = arith.subf %get3A_685, %get3A_23 : vector<16xf32>
      %mul3A_687 = arith.mulf %sub3A_686, %sub3A_686 : vector<16xf32>
      %add3A_688 = arith.addf %add3A_648, %mul3A_687 : vector<16xf32>
      %mul3A_689 = arith.constant 16 : i32
      %mul3A_690 = arith.muli %scan3A_42, %mul3A_689 : i32
      %add3A_691 = arith.constant 3 : i32
      %add3A_692 = arith.addi %mul3A_690, %add3A_691 : i32
      %get3A_693 = arith.index_cast %add3A_692 : i32 to index
      %get3A_694 = arith.constant 160 : index
      %get3A_695 = tpu.vector_load %arg6[%get3A_693, %get3A_694] {strides = array<i32>} : memref<96x256xf32, #tpu.memory_space<vmem>>, vector<16xf32>,
      %sub3A_696 = arith.subf %get3A_695, %get3A_25 : vector<16xf32>
      %mul3A_697 = arith.mulf %sub3A_696, %sub3A_696 : vector<16xf32>
      %add3A_698 = arith.addf %add3A_658, %mul3A_697 : vector<16xf32>
      %mul3A_699 = arith.constant 16 : i32
      %mul3A_700 = arith.muli %scan3A_42, %mul3A_699 : i32
      %add3A_701 = arith.constant 3 : i32
      %add3A_702 = arith.addi %mul3A_700, %add3A_701 : i32
      %get3A_703 = arith.index_cast %add3A_702 : i32 to index
      %get3A_704 = arith.constant 176 : index
      %get3A_705 = tpu.vector_load %arg6[%get3A_703, %get3A_704] {strides = array<i32>} : memref<96x256xf32, #tpu.memory_space<vmem>>, vector<16xf32>,
      %sub3A_706 = arith.subf %get3A_705, %get3A_27 : vector<16xf32>
      %mul3A_707 = arith.mulf %sub3A_706, %sub3A_706 : vector<16xf32>
      %add3A_708 = arith.addf %add3A_668, %mul3A_707 : vector<16xf32>
      %mul3A_709 = arith.constant 16 : i32
      %mul3A_710 = arith.muli %scan3A_42, %mul3A_709 : i32
      %add3A_711 = arith.constant 3 : i32
      %add3A_712 = arith.addi %mul3A_710, %add3A_711 : i32
      %get3A_713 = arith.index_cast %add3A_712 : i32 to index
      %get3A_714 = arith.constant 192 : index
      %get3A_715 = tpu.vector_load %arg6[%get3A_713, %get3A_714] {strides = array<i32>} : memref<96x256xf32, #tpu.memory_space<vmem>>, vector<16xf32>,
      %sub3A_716 = arith.subf %get3A_715, %get3A_29 : vector<16xf32>
      %mul3A_717 = arith.mulf %sub3A_716, %sub3A_716 : vector<16xf32>
      %add3A_718 = arith.addf %add3A_678, %mul3A_717 : vector<16xf32>
      %mul3A_719 = arith.constant 16 : i32
      %mul3A_720 = arith.muli %scan3A_42, %mul3A_719 : i32
      %add3A_721 = arith.constant 3 : i32
      %add3A_722 = arith.addi %mul3A_720, %add3A_721 : i32
      %get3A_723 = arith.index_cast %add3A_722 : i32 to index
      %get3A_724 = arith.constant 208 : index
      %get3A_725 = tpu.vector_load %arg6[%get3A_723, %get3A_724] {strides = array<i32>} : memref<96x256xf32, #tpu.memory_space<vmem>>, vector<16xf32>,
      %sub3A_726 = arith.subf %get3A_725, %get3A_31 : vector<16xf32>
      %mul3A_727 = arith.mulf %sub3A_726, %sub3A_726 : vector<16xf32>
      %add3A_728 = arith.addf %add3A_688, %mul3A_727 : vector<16xf32>
      %mul3A_729 = arith.constant 16 : i32
      %mul3A_730 = arith.muli %scan3A_42, %mul3A_729 : i32
      %add3A_731 = arith.constant 3 : i32
      %add3A_732 = arith.addi %mul3A_730, %add3A_731 : i32
      %get3A_733 = arith.index_cast %add3A_732 : i32 to index
      %get3A_734 = arith.constant 224 : index
      %get3A_735 = tpu.vector_load %arg6[%get3A_733, %get3A_734] {strides = array<i32>} : memref<96x256xf32, #tpu.memory_space<vmem>>, vector<16xf32>,
      %sub3A_736 = arith.subf %get3A_735, %get3A_33 : vector<16xf32>
      %mul3A_737 = arith.mulf %sub3A_736, %sub3A_736 : vector<16xf32>
      %add3A_738 = arith.addf %add3A_698, %mul3A_737 : vector<16xf32>
      %mul3A_739 = arith.constant 16 : i32
      %mul3A_740 = arith.muli %scan3A_42, %mul3A_739 : i32
      %add3A_741 = arith.constant 3 : i32
      %add3A_742 = arith.addi %mul3A_740, %add3A_741 : i32
      %get3A_743 = arith.index_cast %add3A_742 : i32 to index
      %get3A_744 = arith.constant 240 : index
      %get3A_745 = tpu.vector_load %arg6[%get3A_743, %get3A_744] {strides = array<i32>} : memref<96x256xf32, #tpu.memory_space<vmem>>, vector<16xf32>,
      %sub3A_746 = arith.subf %get3A_745, %get3A_35 : vector<16xf32>
      %mul3A_747 = arith.mulf %sub3A_746, %sub3A_746 : vector<16xf32>
      %add3A_748 = arith.addf %add3A_708, %mul3A_747 : vector<16xf32>
      %add3A_749 = arith.addf %add3A_718, %add3A_728 : vector<16xf32>
      %add3A_750 = arith.addf %add3A_738, %add3A_748 : vector<16xf32>
      %add3A_751 = arith.addf %add3A_749, %add3A_750 : vector<16xf32>
      %reduce_sum3A_752 = arith.constant true
      %reduce_sum3A_753 = vector.broadcast %reduce_sum3A_752 : i1 to vector<16xi1>
      %reduce_sum3A_754 = tpu.scan <sum>, %add3A_751 masked %reduce_sum3A_753 : vector<16xf32>, vector<16xi1> -> vector<16xf32>
      %reduce_sum3A_755 = vector.extract %reduce_sum3A_754[15] : f32 from vector<16xf32>
      %eq3A_756 = arith.constant 3 : i32
      %eq3A_757 = vector.broadcast %eq3A_756 : i32 to vector<16xi32>
      %eq3A_758 = arith.cmpi eq, %iota3A, %eq3A_757 : vector<16xi32>
      %broadcast_in_dim3A_759 = vector.broadcast %reduce_sum3A_755 : f32 to vector<16xf32>
      %select_n3A_760 = arith.select %eq3A_758, %broadcast_in_dim3A_759, %select_n3A_580 : vector<16xi1>, vector<16xf32>
      %broadcast_in_dim3A_761 = arith.constant 0.000000e+00 : f32
      %broadcast_in_dim3A_762 = vector.broadcast %broadcast_in_dim3A_761 : f32 to vector<16xf32>
      %broadcast_in_dim3A_763 = arith.constant 0.000000e+00 : f32
      %broadcast_in_dim3A_764 = vector.broadcast %broadcast_in_dim3A_763 : f32 to vector<16xf32>
      %broadcast_in_dim3A_765 = arith.constant 0.000000e+00 : f32
      %broadcast_in_dim3A_766 = vector.broadcast %broadcast_in_dim3A_765 : f32 to vector<16xf32>
      %broadcast_in_dim3A_767 = arith.constant 0.000000e+00 : f32
      %broadcast_in_dim3A_768 = vector.broadcast %broadcast_in_dim3A_767 : f32 to vector<16xf32>
      %mul3A_769 = arith.constant 16 : i32
      %mul3A_770 = arith.muli %scan3A_42, %mul3A_769 : i32
      %add3A_771 = arith.constant 4 : i32
      %add3A_772 = arith.addi %mul3A_770, %add3A_771 : i32
      %get3A_773 = arith.index_cast %add3A_772 : i32 to index
      %get3A_774 = arith.constant 0 : index
      %get3A_775 = tpu.vector_load %arg6[%get3A_773, %get3A_774] {strides = array<i32>} : memref<96x256xf32, #tpu.memory_space<vmem>>, vector<16xf32>,
      %sub3A_776 = arith.subf %get3A_775, %get3A_5 : vector<16xf32>
      %mul3A_777 = arith.mulf %sub3A_776, %sub3A_776 : vector<16xf32>
      %add3A_778 = arith.addf %broadcast_in_dim3A_762, %mul3A_777 : vector<16xf32>
      %mul3A_779 = arith.constant 16 : i32
      %mul3A_780 = arith.muli %scan3A_42, %mul3A_779 : i32
      %add3A_781 = arith.constant 4 : i32
      %add3A_782 = arith.addi %mul3A_780, %add3A_781 : i32
      %get3A_783 = arith.index_cast %add3A_782 : i32 to index
      %get3A_784 = arith.constant 16 : index
      %get3A_785 = tpu.vector_load %arg6[%get3A_783, %get3A_784] {strides = array<i32>} : memref<96x256xf32, #tpu.memory_space<vmem>>, vector<16xf32>,
      %sub3A_786 = arith.subf %get3A_785, %get3A_7 : vector<16xf32>
      %mul3A_787 = arith.mulf %sub3A_786, %sub3A_786 : vector<16xf32>
      %add3A_788 = arith.addf %broadcast_in_dim3A_764, %mul3A_787 : vector<16xf32>
      %mul3A_789 = arith.constant 16 : i32
      %mul3A_790 = arith.muli %scan3A_42, %mul3A_789 : i32
      %add3A_791 = arith.constant 4 : i32
      %add3A_792 = arith.addi %mul3A_790, %add3A_791 : i32
      %get3A_793 = arith.index_cast %add3A_792 : i32 to index
      %get3A_794 = arith.constant 32 : index
      %get3A_795 = tpu.vector_load %arg6[%get3A_793, %get3A_794] {strides = array<i32>} : memref<96x256xf32, #tpu.memory_space<vmem>>, vector<16xf32>,
      %sub3A_796 = arith.subf %get3A_795, %get3A_9 : vector<16xf32>
      %mul3A_797 = arith.mulf %sub3A_796, %sub3A_796 : vector<16xf32>
      %add3A_798 = arith.addf %broadcast_in_dim3A_766, %mul3A_797 : vector<16xf32>
      %mul3A_799 = arith.constant 16 : i32
      %mul3A_800 = arith.muli %scan3A_42, %mul3A_799 : i32
      %add3A_801 = arith.constant 4 : i32
      %add3A_802 = arith.addi %mul3A_800, %add3A_801 : i32
      %get3A_803 = arith.index_cast %add3A_802 : i32 to index
      %get3A_804 = arith.constant 48 : index
      %get3A_805 = tpu.vector_load %arg6[%get3A_803, %get3A_804] {strides = array<i32>} : memref<96x256xf32, #tpu.memory_space<vmem>>, vector<16xf32>,
      %sub3A_806 = arith.subf %get3A_805, %get3A_11 : vector<16xf32>
      %mul3A_807 = arith.mulf %sub3A_806, %sub3A_806 : vector<16xf32>
      %add3A_808 = arith.addf %broadcast_in_dim3A_768, %mul3A_807 : vector<16xf32>
      %mul3A_809 = arith.constant 16 : i32
      %mul3A_810 = arith.muli %scan3A_42, %mul3A_809 : i32
      %add3A_811 = arith.constant 4 : i32
      %add3A_812 = arith.addi %mul3A_810, %add3A_811 : i32
      %get3A_813 = arith.index_cast %add3A_812 : i32 to index
      %get3A_814 = arith.constant 64 : index
      %get3A_815 = tpu.vector_load %arg6[%get3A_813, %get3A_814] {strides = array<i32>} : memref<96x256xf32, #tpu.memory_space<vmem>>, vector<16xf32>,
      %sub3A_816 = arith.subf %get3A_815, %get3A_13 : vector<16xf32>
      %mul3A_817 = arith.mulf %sub3A_816, %sub3A_816 : vector<16xf32>
      %add3A_818 = arith.addf %add3A_778, %mul3A_817 : vector<16xf32>
      %mul3A_819 = arith.constant 16 : i32
      %mul3A_820 = arith.muli %scan3A_42, %mul3A_819 : i32
      %add3A_821 = arith.constant 4 : i32
      %add3A_822 = arith.addi %mul3A_820, %add3A_821 : i32
      %get3A_823 = arith.index_cast %add3A_822 : i32 to index
      %get3A_824 = arith.constant 80 : index
      %get3A_825 = tpu.vector_load %arg6[%get3A_823, %get3A_824] {strides = array<i32>} : memref<96x256xf32, #tpu.memory_space<vmem>>, vector<16xf32>,
      %sub3A_826 = arith.subf %get3A_825, %get3A_15 : vector<16xf32>
      %mul3A_827 = arith.mulf %sub3A_826, %sub3A_826 : vector<16xf32>
      %add3A_828 = arith.addf %add3A_788, %mul3A_827 : vector<16xf32>
      %mul3A_829 = arith.constant 16 : i32
      %mul3A_830 = arith.muli %scan3A_42, %mul3A_829 : i32
      %add3A_831 = arith.constant 4 : i32
      %add3A_832 = arith.addi %mul3A_830, %add3A_831 : i32
      %get3A_833 = arith.index_cast %add3A_832 : i32 to index
      %get3A_834 = arith.constant 96 : index
      %get3A_835 = tpu.vector_load %arg6[%get3A_833, %get3A_834] {strides = array<i32>} : memref<96x256xf32, #tpu.memory_space<vmem>>, vector<16xf32>,
      %sub3A_836 = arith.subf %get3A_835, %get3A_17 : vector<16xf32>
      %mul3A_837 = arith.mulf %sub3A_836, %sub3A_836 : vector<16xf32>
      %add3A_838 = arith.addf %add3A_798, %mul3A_837 : vector<16xf32>
      %mul3A_839 = arith.constant 16 : i32
      %mul3A_840 = arith.muli %scan3A_42, %mul3A_839 : i32
      %add3A_841 = arith.constant 4 : i32
      %add3A_842 = arith.addi %mul3A_840, %add3A_841 : i32
      %get3A_843 = arith.index_cast %add3A_842 : i32 to index
      %get3A_844 = arith.constant 112 : index
      %get3A_845 = tpu.vector_load %arg6[%get3A_843, %get3A_844] {strides = array<i32>} : memref<96x256xf32, #tpu.memory_space<vmem>>, vector<16xf32>,
      %sub3A_846 = arith.subf %get3A_845, %get3A_19 : vector<16xf32>
      %mul3A_847 = arith.mulf %sub3A_846, %sub3A_846 : vector<16xf32>
      %add3A_848 = arith.addf %add3A_808, %mul3A_847 : vector<16xf32>
      %mul3A_849 = arith.constant 16 : i32
      %mul3A_850 = arith.muli %scan3A_42, %mul3A_849 : i32
      %add3A_851 = arith.constant 4 : i32
      %add3A_852 = arith.addi %mul3A_850, %add3A_851 : i32
      %get3A_853 = arith.index_cast %add3A_852 : i32 to index
      %get3A_854 = arith.constant 128 : index
      %get3A_855 = tpu.vector_load %arg6[%get3A_853, %get3A_854] {strides = array<i32>} : memref<96x256xf32, #tpu.memory_space<vmem>>, vector<16xf32>,
      %sub3A_856 = arith.subf %get3A_855, %get3A_21 : vector<16xf32>
      %mul3A_857 = arith.mulf %sub3A_856, %sub3A_856 : vector<16xf32>
      %add3A_858 = arith.addf %add3A_818, %mul3A_857 : vector<16xf32>
      %mul3A_859 = arith.constant 16 : i32
      %mul3A_860 = arith.muli %scan3A_42, %mul3A_859 : i32
      %add3A_861 = arith.constant 4 : i32
      %add3A_862 = arith.addi %mul3A_860, %add3A_861 : i32
      %get3A_863 = arith.index_cast %add3A_862 : i32 to index
      %get3A_864 = arith.constant 144 : index
      %get3A_865 = tpu.vector_load %arg6[%get3A_863, %get3A_864] {strides = array<i32>} : memref<96x256xf32, #tpu.memory_space<vmem>>, vector<16xf32>,
      %sub3A_866 = arith.subf %get3A_865, %get3A_23 : vector<16xf32>
      %mul3A_867 = arith.mulf %sub3A_866, %sub3A_866 : vector<16xf32>
      %add3A_868 = arith.addf %add3A_828, %mul3A_867 : vector<16xf32>
      %mul3A_869 = arith.constant 16 : i32
      %mul3A_870 = arith.muli %scan3A_42, %mul3A_869 : i32
      %add3A_871 = arith.constant 4 : i32
      %add3A_872 = arith.addi %mul3A_870, %add3A_871 : i32
      %get3A_873 = arith.index_cast %add3A_872 : i32 to index
      %get3A_874 = arith.constant 160 : index
      %get3A_875 = tpu.vector_load %arg6[%get3A_873, %get3A_874] {strides = array<i32>} : memref<96x256xf32, #tpu.memory_space<vmem>>, vector<16xf32>,
      %sub3A_876 = arith.subf %get3A_875, %get3A_25 : vector<16xf32>
      %mul3A_877 = arith.mulf %sub3A_876, %sub3A_876 : vector<16xf32>
      %add3A_878 = arith.addf %add3A_838, %mul3A_877 : vector<16xf32>
      %mul3A_879 = arith.constant 16 : i32
      %mul3A_880 = arith.muli %scan3A_42, %mul3A_879 : i32
      %add3A_881 = arith.constant 4 : i32
      %add3A_882 = arith.addi %mul3A_880, %add3A_881 : i32
      %get3A_883 = arith.index_cast %add3A_882 : i32 to index
      %get3A_884 = arith.constant 176 : index
      %get3A_885 = tpu.vector_load %arg6[%get3A_883, %get3A_884] {strides = array<i32>} : memref<96x256xf32, #tpu.memory_space<vmem>>, vector<16xf32>,
      %sub3A_886 = arith.subf %get3A_885, %get3A_27 : vector<16xf32>
      %mul3A_887 = arith.mulf %sub3A_886, %sub3A_886 : vector<16xf32>
      %add3A_888 = arith.addf %add3A_848, %mul3A_887 : vector<16xf32>
      %mul3A_889 = arith.constant 16 : i32
      %mul3A_890 = arith.muli %scan3A_42, %mul3A_889 : i32
      %add3A_891 = arith.constant 4 : i32
      %add3A_892 = arith.addi %mul3A_890, %add3A_891 : i32
      %get3A_893 = arith.index_cast %add3A_892 : i32 to index
      %get3A_894 = arith.constant 192 : index
      %get3A_895 = tpu.vector_load %arg6[%get3A_893, %get3A_894] {strides = array<i32>} : memref<96x256xf32, #tpu.memory_space<vmem>>, vector<16xf32>,
      %sub3A_896 = arith.subf %get3A_895, %get3A_29 : vector<16xf32>
      %mul3A_897 = arith.mulf %sub3A_896, %sub3A_896 : vector<16xf32>
      %add3A_898 = arith.addf %add3A_858, %mul3A_897 : vector<16xf32>
      %mul3A_899 = arith.constant 16 : i32
      %mul3A_900 = arith.muli %scan3A_42, %mul3A_899 : i32
      %add3A_901 = arith.constant 4 : i32
      %add3A_902 = arith.addi %mul3A_900, %add3A_901 : i32
      %get3A_903 = arith.index_cast %add3A_902 : i32 to index
      %get3A_904 = arith.constant 208 : index
      %get3A_905 = tpu.vector_load %arg6[%get3A_903, %get3A_904] {strides = array<i32>} : memref<96x256xf32, #tpu.memory_space<vmem>>, vector<16xf32>,
      %sub3A_906 = arith.subf %get3A_905, %get3A_31 : vector<16xf32>
      %mul3A_907 = arith.mulf %sub3A_906, %sub3A_906 : vector<16xf32>
      %add3A_908 = arith.addf %add3A_868, %mul3A_907 : vector<16xf32>
      %mul3A_909 = arith.constant 16 : i32
      %mul3A_910 = arith.muli %scan3A_42, %mul3A_909 : i32
      %add3A_911 = arith.constant 4 : i32
      %add3A_912 = arith.addi %mul3A_910, %add3A_911 : i32
      %get3A_913 = arith.index_cast %add3A_912 : i32 to index
      %get3A_914 = arith.constant 224 : index
      %get3A_915 = tpu.vector_load %arg6[%get3A_913, %get3A_914] {strides = array<i32>} : memref<96x256xf32, #tpu.memory_space<vmem>>, vector<16xf32>,
      %sub3A_916 = arith.subf %get3A_915, %get3A_33 : vector<16xf32>
      %mul3A_917 = arith.mulf %sub3A_916, %sub3A_916 : vector<16xf32>
      %add3A_918 = arith.addf %add3A_878, %mul3A_917 : vector<16xf32>
      %mul3A_919 = arith.constant 16 : i32
      %mul3A_920 = arith.muli %scan3A_42, %mul3A_919 : i32
      %add3A_921 = arith.constant 4 : i32
      %add3A_922 = arith.addi %mul3A_920, %add3A_921 : i32
      %get3A_923 = arith.index_cast %add3A_922 : i32 to index
      %get3A_924 = arith.constant 240 : index
      %get3A_925 = tpu.vector_load %arg6[%get3A_923, %get3A_924] {strides = array<i32>} : memref<96x256xf32, #tpu.memory_space<vmem>>, vector<16xf32>,
      %sub3A_926 = arith.subf %get3A_925, %get3A_35 : vector<16xf32>
      %mul3A_927 = arith.mulf %sub3A_926, %sub3A_926 : vector<16xf32>
      %add3A_928 = arith.addf %add3A_888, %mul3A_927 : vector<16xf32>
      %add3A_929 = arith.addf %add3A_898, %add3A_908 : vector<16xf32>
      %add3A_930 = arith.addf %add3A_918, %add3A_928 : vector<16xf32>
      %add3A_931 = arith.addf %add3A_929, %add3A_930 : vector<16xf32>
      %reduce_sum3A_932 = arith.constant true
      %reduce_sum3A_933 = vector.broadcast %reduce_sum3A_932 : i1 to vector<16xi1>
      %reduce_sum3A_934 = tpu.scan <sum>, %add3A_931 masked %reduce_sum3A_933 : vector<16xf32>, vector<16xi1> -> vector<16xf32>
      %reduce_sum3A_935 = vector.extract %reduce_sum3A_934[15] : f32 from vector<16xf32>
      %eq3A_936 = arith.constant 4 : i32
      %eq3A_937 = vector.broadcast %eq3A_936 : i32 to vector<16xi32>
      %eq3A_938 = arith.cmpi eq, %iota3A, %eq3A_937 : vector<16xi32>
      %broadcast_in_dim3A_939 = vector.broadcast %reduce_sum3A_935 : f32 to vector<16xf32>
      %select_n3A_940 = arith.select %eq3A_938, %broadcast_in_dim3A_939, %select_n3A_760 : vector<16xi1>, vector<16xf32>
      %broadcast_in_dim3A_941 = arith.constant 0.000000e+00 : f32
      %broadcast_in_dim3A_942 = vector.broadcast %broadcast_in_dim3A_941 : f32 to vector<16xf32>
      %broadcast_in_dim3A_943 = arith.constant 0.000000e+00 : f32
      %broadcast_in_dim3A_944 = vector.broadcast %broadcast_in_dim3A_943 : f32 to vector<16xf32>
      %broadcast_in_dim3A_945 = arith.constant 0.000000e+00 : f32
      %broadcast_in_dim3A_946 = vector.broadcast %broadcast_in_dim3A_945 : f32 to vector<16xf32>
      %broadcast_in_dim3A_947 = arith.constant 0.000000e+00 : f32
      %broadcast_in_dim3A_948 = vector.broadcast %broadcast_in_dim3A_947 : f32 to vector<16xf32>
      %mul3A_949 = arith.constant 16 : i32
      %mul3A_950 = arith.muli %scan3A_42, %mul3A_949 : i32
      %add3A_951 = arith.constant 5 : i32
      %add3A_952 = arith.addi %mul3A_950, %add3A_951 : i32
      %get3A_953 = arith.index_cast %add3A_952 : i32 to index
      %get3A_954 = arith.constant 0 : index
      %get3A_955 = tpu.vector_load %arg6[%get3A_953, %get3A_954] {strides = array<i32>} : memref<96x256xf32, #tpu.memory_space<vmem>>, vector<16xf32>,
      %sub3A_956 = arith.subf %get3A_955, %get3A_5 : vector<16xf32>
      %mul3A_957 = arith.mulf %sub3A_956, %sub3A_956 : vector<16xf32>
      %add3A_958 = arith.addf %broadcast_in_dim3A_942, %mul3A_957 : vector<16xf32>
      %mul3A_959 = arith.constant 16 : i32
      %mul3A_960 = arith.muli %scan3A_42, %mul3A_959 : i32
      %add3A_961 = arith.constant 5 : i32
      %add3A_962 = arith.addi %mul3A_960, %add3A_961 : i32
      %get3A_963 = arith.index_cast %add3A_962 : i32 to index
      %get3A_964 = arith.constant 16 : index
      %get3A_965 = tpu.vector_load %arg6[%get3A_963, %get3A_964] {strides = array<i32>} : memref<96x256xf32, #tpu.memory_space<vmem>>, vector<16xf32>,
      %sub3A_966 = arith.subf %get3A_965, %get3A_7 : vector<16xf32>
      %mul3A_967 = arith.mulf %sub3A_966, %sub3A_966 : vector<16xf32>
      %add3A_968 = arith.addf %broadcast_in_dim3A_944, %mul3A_967 : vector<16xf32>
      %mul3A_969 = arith.constant 16 : i32
      %mul3A_970 = arith.muli %scan3A_42, %mul3A_969 : i32
      %add3A_971 = arith.constant 5 : i32
      %add3A_972 = arith.addi %mul3A_970, %add3A_971 : i32
      %get3A_973 = arith.index_cast %add3A_972 : i32 to index
      %get3A_974 = arith.constant 32 : index
      %get3A_975 = tpu.vector_load %arg6[%get3A_973, %get3A_974] {strides = array<i32>} : memref<96x256xf32, #tpu.memory_space<vmem>>, vector<16xf32>,
      %sub3A_976 = arith.subf %get3A_975, %get3A_9 : vector<16xf32>
      %mul3A_977 = arith.mulf %sub3A_976, %sub3A_976 : vector<16xf32>
      %add3A_978 = arith.addf %broadcast_in_dim3A_946, %mul3A_977 : vector<16xf32>
      %mul3A_979 = arith.constant 16 : i32
      %mul3A_980 = arith.muli %scan3A_42, %mul3A_979 : i32
      %add3A_981 = arith.constant 5 : i32
      %add3A_982 = arith.addi %mul3A_980, %add3A_981 : i32
      %get3A_983 = arith.index_cast %add3A_982 : i32 to index
      %get3A_984 = arith.constant 48 : index
      %get3A_985 = tpu.vector_load %arg6[%get3A_983, %get3A_984] {strides = array<i32>} : memref<96x256xf32, #tpu.memory_space<vmem>>, vector<16xf32>,
      %sub3A_986 = arith.subf %get3A_985, %get3A_11 : vector<16xf32>
      %mul3A_987 = arith.mulf %sub3A_986, %sub3A_986 : vector<16xf32>
      %add3A_988 = arith.addf %broadcast_in_dim3A_948, %mul3A_987 : vector<16xf32>
      %mul3A_989 = arith.constant 16 : i32
      %mul3A_990 = arith.muli %scan3A_42, %mul3A_989 : i32
      %add3A_991 = arith.constant 5 : i32
      %add3A_992 = arith.addi %mul3A_990, %add3A_991 : i32
      %get3A_993 = arith.index_cast %add3A_992 : i32 to index
      %get3A_994 = arith.constant 64 : index
      %get3A_995 = tpu.vector_load %arg6[%get3A_993, %get3A_994] {strides = array<i32>} : memref<96x256xf32, #tpu.memory_space<vmem>>, vector<16xf32>,
      %sub3A_996 = arith.subf %get3A_995, %get3A_13 : vector<16xf32>
      %mul3A_997 = arith.mulf %sub3A_996, %sub3A_996 : vector<16xf32>
      %add3A_998 = arith.addf %add3A_958, %mul3A_997 : vector<16xf32>
      %mul3A_999 = arith.constant 16 : i32
      %mul3A_1000 = arith.muli %scan3A_42, %mul3A_999 : i32
      %add3A_1001 = arith.constant 5 : i32
      %add3A_1002 = arith.addi %mul3A_1000, %add3A_1001 : i32
      %get3A_1003 = arith.index_cast %add3A_1002 : i32 to index
      %get3A_1004 = arith.constant 80 : index
      %get3A_1005 = tpu.vector_load %arg6[%get3A_1003, %get3A_1004] {strides = array<i32>} : memref<96x256xf32, #tpu.memory_space<vmem>>, vector<16xf32>,
      %sub3A_1006 = arith.subf %get3A_1005, %get3A_15 : vector<16xf32>
      %mul3A_1007 = arith.mulf %sub3A_1006, %sub3A_1006 : vector<16xf32>
      %add3A_1008 = arith.addf %add3A_968, %mul3A_1007 : vector<16xf32>
      %mul3A_1009 = arith.constant 16 : i32
      %mul3A_1010 = arith.muli %scan3A_42, %mul3A_1009 : i32
      %add3A_1011 = arith.constant 5 : i32
      %add3A_1012 = arith.addi %mul3A_1010, %add3A_1011 : i32
      %get3A_1013 = arith.index_cast %add3A_1012 : i32 to index
      %get3A_1014 = arith.constant 96 : index
      %get3A_1015 = tpu.vector_load %arg6[%get3A_1013, %get3A_1014] {strides = array<i32>} : memref<96x256xf32, #tpu.memory_space<vmem>>, vector<16xf32>,
      %sub3A_1016 = arith.subf %get3A_1015, %get3A_17 : vector<16xf32>
      %mul3A_1017 = arith.mulf %sub3A_1016, %sub3A_1016 : vector<16xf32>
      %add3A_1018 = arith.addf %add3A_978, %mul3A_1017 : vector<16xf32>
      %mul3A_1019 = arith.constant 16 : i32
      %mul3A_1020 = arith.muli %scan3A_42, %mul3A_1019 : i32
      %add3A_1021 = arith.constant 5 : i32
      %add3A_1022 = arith.addi %mul3A_1020, %add3A_1021 : i32
      %get3A_1023 = arith.index_cast %add3A_1022 : i32 to index
      %get3A_1024 = arith.constant 112 : index
      %get3A_1025 = tpu.vector_load %arg6[%get3A_1023, %get3A_1024] {strides = array<i32>} : memref<96x256xf32, #tpu.memory_space<vmem>>, vector<16xf32>,
      %sub3A_1026 = arith.subf %get3A_1025, %get3A_19 : vector<16xf32>
      %mul3A_1027 = arith.mulf %sub3A_1026, %sub3A_1026 : vector<16xf32>
      %add3A_1028 = arith.addf %add3A_988, %mul3A_1027 : vector<16xf32>
      %mul3A_1029 = arith.constant 16 : i32
      %mul3A_1030 = arith.muli %scan3A_42, %mul3A_1029 : i32
      %add3A_1031 = arith.constant 5 : i32
      %add3A_1032 = arith.addi %mul3A_1030, %add3A_1031 : i32
      %get3A_1033 = arith.index_cast %add3A_1032 : i32 to index
      %get3A_1034 = arith.constant 128 : index
      %get3A_1035 = tpu.vector_load %arg6[%get3A_1033, %get3A_1034] {strides = array<i32>} : memref<96x256xf32, #tpu.memory_space<vmem>>, vector<16xf32>,
      %sub3A_1036 = arith.subf %get3A_1035, %get3A_21 : vector<16xf32>
      %mul3A_1037 = arith.mulf %sub3A_1036, %sub3A_1036 : vector<16xf32>
      %add3A_1038 = arith.addf %add3A_998, %mul3A_1037 : vector<16xf32>
      %mul3A_1039 = arith.constant 16 : i32
      %mul3A_1040 = arith.muli %scan3A_42, %mul3A_1039 : i32
      %add3A_1041 = arith.constant 5 : i32
      %add3A_1042 = arith.addi %mul3A_1040, %add3A_1041 : i32
      %get3A_1043 = arith.index_cast %add3A_1042 : i32 to index
      %get3A_1044 = arith.constant 144 : index
      %get3A_1045 = tpu.vector_load %arg6[%get3A_1043, %get3A_1044] {strides = array<i32>} : memref<96x256xf32, #tpu.memory_space<vmem>>, vector<16xf32>,
      %sub3A_1046 = arith.subf %get3A_1045, %get3A_23 : vector<16xf32>
      %mul3A_1047 = arith.mulf %sub3A_1046, %sub3A_1046 : vector<16xf32>
      %add3A_1048 = arith.addf %add3A_1008, %mul3A_1047 : vector<16xf32>
      %mul3A_1049 = arith.constant 16 : i32
      %mul3A_1050 = arith.muli %scan3A_42, %mul3A_1049 : i32
      %add3A_1051 = arith.constant 5 : i32
      %add3A_1052 = arith.addi %mul3A_1050, %add3A_1051 : i32
      %get3A_1053 = arith.index_cast %add3A_1052 : i32 to index
      %get3A_1054 = arith.constant 160 : index
      %get3A_1055 = tpu.vector_load %arg6[%get3A_1053, %get3A_1054] {strides = array<i32>} : memref<96x256xf32, #tpu.memory_space<vmem>>, vector<16xf32>,
      %sub3A_1056 = arith.subf %get3A_1055, %get3A_25 : vector<16xf32>
      %mul3A_1057 = arith.mulf %sub3A_1056, %sub3A_1056 : vector<16xf32>
      %add3A_1058 = arith.addf %add3A_1018, %mul3A_1057 : vector<16xf32>
      %mul3A_1059 = arith.constant 16 : i32
      %mul3A_1060 = arith.muli %scan3A_42, %mul3A_1059 : i32
      %add3A_1061 = arith.constant 5 : i32
      %add3A_1062 = arith.addi %mul3A_1060, %add3A_1061 : i32
      %get3A_1063 = arith.index_cast %add3A_1062 : i32 to index
      %get3A_1064 = arith.constant 176 : index
      %get3A_1065 = tpu.vector_load %arg6[%get3A_1063, %get3A_1064] {strides = array<i32>} : memref<96x256xf32, #tpu.memory_space<vmem>>, vector<16xf32>,
      %sub3A_1066 = arith.subf %get3A_1065, %get3A_27 : vector<16xf32>
      %mul3A_1067 = arith.mulf %sub3A_1066, %sub3A_1066 : vector<16xf32>
      %add3A_1068 = arith.addf %add3A_1028, %mul3A_1067 : vector<16xf32>
      %mul3A_1069 = arith.constant 16 : i32
      %mul3A_1070 = arith.muli %scan3A_42, %mul3A_1069 : i32
      %add3A_1071 = arith.constant 5 : i32
      %add3A_1072 = arith.addi %mul3A_1070, %add3A_1071 : i32
      %get3A_1073 = arith.index_cast %add3A_1072 : i32 to index
      %get3A_1074 = arith.constant 192 : index
      %get3A_1075 = tpu.vector_load %arg6[%get3A_1073, %get3A_1074] {strides = array<i32>} : memref<96x256xf32, #tpu.memory_space<vmem>>, vector<16xf32>,
      %sub3A_1076 = arith.subf %get3A_1075, %get3A_29 : vector<16xf32>
      %mul3A_1077 = arith.mulf %sub3A_1076, %sub3A_1076 : vector<16xf32>
      %add3A_1078 = arith.addf %add3A_1038, %mul3A_1077 : vector<16xf32>
      %mul3A_1079 = arith.constant 16 : i32
      %mul3A_1080 = arith.muli %scan3A_42, %mul3A_1079 : i32
      %add3A_1081 = arith.constant 5 : i32
      %add3A_1082 = arith.addi %mul3A_1080, %add3A_1081 : i32
      %get3A_1083 = arith.index_cast %add3A_1082 : i32 to index
      %get3A_1084 = arith.constant 208 : index
      %get3A_1085 = tpu.vector_load %arg6[%get3A_1083, %get3A_1084] {strides = array<i32>} : memref<96x256xf32, #tpu.memory_space<vmem>>, vector<16xf32>,
      %sub3A_1086 = arith.subf %get3A_1085, %get3A_31 : vector<16xf32>
      %mul3A_1087 = arith.mulf %sub3A_1086, %sub3A_1086 : vector<16xf32>
      %add3A_1088 = arith.addf %add3A_1048, %mul3A_1087 : vector<16xf32>
      %mul3A_1089 = arith.constant 16 : i32
      %mul3A_1090 = arith.muli %scan3A_42, %mul3A_1089 : i32
      %add3A_1091 = arith.constant 5 : i32
      %add3A_1092 = arith.addi %mul3A_1090, %add3A_1091 : i32
      %get3A_1093 = arith.index_cast %add3A_1092 : i32 to index
      %get3A_1094 = arith.constant 224 : index
      %get3A_1095 = tpu.vector_load %arg6[%get3A_1093, %get3A_1094] {strides = array<i32>} : memref<96x256xf32, #tpu.memory_space<vmem>>, vector<16xf32>,
      %sub3A_1096 = arith.subf %get3A_1095, %get3A_33 : vector<16xf32>
      %mul3A_1097 = arith.mulf %sub3A_1096, %sub3A_1096 : vector<16xf32>
      %add3A_1098 = arith.addf %add3A_1058, %mul3A_1097 : vector<16xf32>
      %mul3A_1099 = arith.constant 16 : i32
      %mul3A_1100 = arith.muli %scan3A_42, %mul3A_1099 : i32
      %add3A_1101 = arith.constant 5 : i32
      %add3A_1102 = arith.addi %mul3A_1100, %add3A_1101 : i32
      %get3A_1103 = arith.index_cast %add3A_1102 : i32 to index
      %get3A_1104 = arith.constant 240 : index
      %get3A_1105 = tpu.vector_load %arg6[%get3A_1103, %get3A_1104] {strides = array<i32>} : memref<96x256xf32, #tpu.memory_space<vmem>>, vector<16xf32>,
      %sub3A_1106 = arith.subf %get3A_1105, %get3A_35 : vector<16xf32>
      %mul3A_1107 = arith.mulf %sub3A_1106, %sub3A_1106 : vector<16xf32>
      %add3A_1108 = arith.addf %add3A_1068, %mul3A_1107 : vector<16xf32>
      %add3A_1109 = arith.addf %add3A_1078, %add3A_1088 : vector<16xf32>
      %add3A_1110 = arith.addf %add3A_1098, %add3A_1108 : vector<16xf32>
      %add3A_1111 = arith.addf %add3A_1109, %add3A_1110 : vector<16xf32>
      %reduce_sum3A_1112 = arith.constant true
      %reduce_sum3A_1113 = vector.broadcast %reduce_sum3A_1112 : i1 to vector<16xi1>
      %reduce_sum3A_1114 = tpu.scan <sum>, %add3A_1111 masked %reduce_sum3A_1113 : vector<16xf32>, vector<16xi1> -> vector<16xf32>
      %reduce_sum3A_1115 = vector.extract %reduce_sum3A_1114[15] : f32 from vector<16xf32>
      %eq3A_1116 = arith.constant 5 : i32
      %eq3A_1117 = vector.broadcast %eq3A_1116 : i32 to vector<16xi32>
      %eq3A_1118 = arith.cmpi eq, %iota3A, %eq3A_1117 : vector<16xi32>
      %broadcast_in_dim3A_1119 = vector.broadcast %reduce_sum3A_1115 : f32 to vector<16xf32>
      %select_n3A_1120 = arith.select %eq3A_1118, %broadcast_in_dim3A_1119, %select_n3A_940 : vector<16xi1>, vector<16xf32>
      %broadcast_in_dim3A_1121 = arith.constant 0.000000e+00 : f32
      %broadcast_in_dim3A_1122 = vector.broadcast %broadcast_in_dim3A_1121 : f32 to vector<16xf32>
      %broadcast_in_dim3A_1123 = arith.constant 0.000000e+00 : f32
      %broadcast_in_dim3A_1124 = vector.broadcast %broadcast_in_dim3A_1123 : f32 to vector<16xf32>
      %broadcast_in_dim3A_1125 = arith.constant 0.000000e+00 : f32
      %broadcast_in_dim3A_1126 = vector.broadcast %broadcast_in_dim3A_1125 : f32 to vector<16xf32>
      %broadcast_in_dim3A_1127 = arith.constant 0.000000e+00 : f32
      %broadcast_in_dim3A_1128 = vector.broadcast %broadcast_in_dim3A_1127 : f32 to vector<16xf32>
      %mul3A_1129 = arith.constant 16 : i32
      %mul3A_1130 = arith.muli %scan3A_42, %mul3A_1129 : i32
      %add3A_1131 = arith.constant 6 : i32
      %add3A_1132 = arith.addi %mul3A_1130, %add3A_1131 : i32
      %get3A_1133 = arith.index_cast %add3A_1132 : i32 to index
      %get3A_1134 = arith.constant 0 : index
      %get3A_1135 = tpu.vector_load %arg6[%get3A_1133, %get3A_1134] {strides = array<i32>} : memref<96x256xf32, #tpu.memory_space<vmem>>, vector<16xf32>,
      %sub3A_1136 = arith.subf %get3A_1135, %get3A_5 : vector<16xf32>
      %mul3A_1137 = arith.mulf %sub3A_1136, %sub3A_1136 : vector<16xf32>
      %add3A_1138 = arith.addf %broadcast_in_dim3A_1122, %mul3A_1137 : vector<16xf32>
      %mul3A_1139 = arith.constant 16 : i32
      %mul3A_1140 = arith.muli %scan3A_42, %mul3A_1139 : i32
      %add3A_1141 = arith.constant 6 : i32
      %add3A_1142 = arith.addi %mul3A_1140, %add3A_1141 : i32
      %get3A_1143 = arith.index_cast %add3A_1142 : i32 to index
      %get3A_1144 = arith.constant 16 : index
      %get3A_1145 = tpu.vector_load %arg6[%get3A_1143, %get3A_1144] {strides = array<i32>} : memref<96x256xf32, #tpu.memory_space<vmem>>, vector<16xf32>,
      %sub3A_1146 = arith.subf %get3A_1145, %get3A_7 : vector<16xf32>
      %mul3A_1147 = arith.mulf %sub3A_1146, %sub3A_1146 : vector<16xf32>
      %add3A_1148 = arith.addf %broadcast_in_dim3A_1124, %mul3A_1147 : vector<16xf32>
      %mul3A_1149 = arith.constant 16 : i32
      %mul3A_1150 = arith.muli %scan3A_42, %mul3A_1149 : i32
      %add3A_1151 = arith.constant 6 : i32
      %add3A_1152 = arith.addi %mul3A_1150, %add3A_1151 : i32
      %get3A_1153 = arith.index_cast %add3A_1152 : i32 to index
      %get3A_1154 = arith.constant 32 : index
      %get3A_1155 = tpu.vector_load %arg6[%get3A_1153, %get3A_1154] {strides = array<i32>} : memref<96x256xf32, #tpu.memory_space<vmem>>, vector<16xf32>,
      %sub3A_1156 = arith.subf %get3A_1155, %get3A_9 : vector<16xf32>
      %mul3A_1157 = arith.mulf %sub3A_1156, %sub3A_1156 : vector<16xf32>
      %add3A_1158 = arith.addf %broadcast_in_dim3A_1126, %mul3A_1157 : vector<16xf32>
      %mul3A_1159 = arith.constant 16 : i32
      %mul3A_1160 = arith.muli %scan3A_42, %mul3A_1159 : i32
      %add3A_1161 = arith.constant 6 : i32
      %add3A_1162 = arith.addi %mul3A_1160, %add3A_1161 : i32
      %get3A_1163 = arith.index_cast %add3A_1162 : i32 to index
      %get3A_1164 = arith.constant 48 : index
      %get3A_1165 = tpu.vector_load %arg6[%get3A_1163, %get3A_1164] {strides = array<i32>} : memref<96x256xf32, #tpu.memory_space<vmem>>, vector<16xf32>,
      %sub3A_1166 = arith.subf %get3A_1165, %get3A_11 : vector<16xf32>
      %mul3A_1167 = arith.mulf %sub3A_1166, %sub3A_1166 : vector<16xf32>
      %add3A_1168 = arith.addf %broadcast_in_dim3A_1128, %mul3A_1167 : vector<16xf32>
      %mul3A_1169 = arith.constant 16 : i32
      %mul3A_1170 = arith.muli %scan3A_42, %mul3A_1169 : i32
      %add3A_1171 = arith.constant 6 : i32
      %add3A_1172 = arith.addi %mul3A_1170, %add3A_1171 : i32
      %get3A_1173 = arith.index_cast %add3A_1172 : i32 to index
      %get3A_1174 = arith.constant 64 : index
      %get3A_1175 = tpu.vector_load %arg6[%get3A_1173, %get3A_1174] {strides = array<i32>} : memref<96x256xf32, #tpu.memory_space<vmem>>, vector<16xf32>,
      %sub3A_1176 = arith.subf %get3A_1175, %get3A_13 : vector<16xf32>
      %mul3A_1177 = arith.mulf %sub3A_1176, %sub3A_1176 : vector<16xf32>
      %add3A_1178 = arith.addf %add3A_1138, %mul3A_1177 : vector<16xf32>
      %mul3A_1179 = arith.constant 16 : i32
      %mul3A_1180 = arith.muli %scan3A_42, %mul3A_1179 : i32
      %add3A_1181 = arith.constant 6 : i32
      %add3A_1182 = arith.addi %mul3A_1180, %add3A_1181 : i32
      %get3A_1183 = arith.index_cast %add3A_1182 : i32 to index
      %get3A_1184 = arith.constant 80 : index
      %get3A_1185 = tpu.vector_load %arg6[%get3A_1183, %get3A_1184] {strides = array<i32>} : memref<96x256xf32, #tpu.memory_space<vmem>>, vector<16xf32>,
      %sub3A_1186 = arith.subf %get3A_1185, %get3A_15 : vector<16xf32>
      %mul3A_1187 = arith.mulf %sub3A_1186, %sub3A_1186 : vector<16xf32>
      %add3A_1188 = arith.addf %add3A_1148, %mul3A_1187 : vector<16xf32>
      %mul3A_1189 = arith.constant 16 : i32
      %mul3A_1190 = arith.muli %scan3A_42, %mul3A_1189 : i32
      %add3A_1191 = arith.constant 6 : i32
      %add3A_1192 = arith.addi %mul3A_1190, %add3A_1191 : i32
      %get3A_1193 = arith.index_cast %add3A_1192 : i32 to index
      %get3A_1194 = arith.constant 96 : index
      %get3A_1195 = tpu.vector_load %arg6[%get3A_1193, %get3A_1194] {strides = array<i32>} : memref<96x256xf32, #tpu.memory_space<vmem>>, vector<16xf32>,
      %sub3A_1196 = arith.subf %get3A_1195, %get3A_17 : vector<16xf32>
      %mul3A_1197 = arith.mulf %sub3A_1196, %sub3A_1196 : vector<16xf32>
      %add3A_1198 = arith.addf %add3A_1158, %mul3A_1197 : vector<16xf32>
      %mul3A_1199 = arith.constant 16 : i32
      %mul3A_1200 = arith.muli %scan3A_42, %mul3A_1199 : i32
      %add3A_1201 = arith.constant 6 : i32
      %add3A_1202 = arith.addi %mul3A_1200, %add3A_1201 : i32
      %get3A_1203 = arith.index_cast %add3A_1202 : i32 to index
      %get3A_1204 = arith.constant 112 : index
      %get3A_1205 = tpu.vector_load %arg6[%get3A_1203, %get3A_1204] {strides = array<i32>} : memref<96x256xf32, #tpu.memory_space<vmem>>, vector<16xf32>,
      %sub3A_1206 = arith.subf %get3A_1205, %get3A_19 : vector<16xf32>
      %mul3A_1207 = arith.mulf %sub3A_1206, %sub3A_1206 : vector<16xf32>
      %add3A_1208 = arith.addf %add3A_1168, %mul3A_1207 : vector<16xf32>
      %mul3A_1209 = arith.constant 16 : i32
      %mul3A_1210 = arith.muli %scan3A_42, %mul3A_1209 : i32
      %add3A_1211 = arith.constant 6 : i32
      %add3A_1212 = arith.addi %mul3A_1210, %add3A_1211 : i32
      %get3A_1213 = arith.index_cast %add3A_1212 : i32 to index
      %get3A_1214 = arith.constant 128 : index
      %get3A_1215 = tpu.vector_load %arg6[%get3A_1213, %get3A_1214] {strides = array<i32>} : memref<96x256xf32, #tpu.memory_space<vmem>>, vector<16xf32>,
      %sub3A_1216 = arith.subf %get3A_1215, %get3A_21 : vector<16xf32>
      %mul3A_1217 = arith.mulf %sub3A_1216, %sub3A_1216 : vector<16xf32>
      %add3A_1218 = arith.addf %add3A_1178, %mul3A_1217 : vector<16xf32>
      %mul3A_1219 = arith.constant 16 : i32
      %mul3A_1220 = arith.muli %scan3A_42, %mul3A_1219 : i32
      %add3A_1221 = arith.constant 6 : i32
      %add3A_1222 = arith.addi %mul3A_1220, %add3A_1221 : i32
      %get3A_1223 = arith.index_cast %add3A_1222 : i32 to index
      %get3A_1224 = arith.constant 144 : index
      %get3A_1225 = tpu.vector_load %arg6[%get3A_1223, %get3A_1224] {strides = array<i32>} : memref<96x256xf32, #tpu.memory_space<vmem>>, vector<16xf32>,
      %sub3A_1226 = arith.subf %get3A_1225, %get3A_23 : vector<16xf32>
      %mul3A_1227 = arith.mulf %sub3A_1226, %sub3A_1226 : vector<16xf32>
      %add3A_1228 = arith.addf %add3A_1188, %mul3A_1227 : vector<16xf32>
      %mul3A_1229 = arith.constant 16 : i32
      %mul3A_1230 = arith.muli %scan3A_42, %mul3A_1229 : i32
      %add3A_1231 = arith.constant 6 : i32
      %add3A_1232 = arith.addi %mul3A_1230, %add3A_1231 : i32
      %get3A_1233 = arith.index_cast %add3A_1232 : i32 to index
      %get3A_1234 = arith.constant 160 : index
      %get3A_1235 = tpu.vector_load %arg6[%get3A_1233, %get3A_1234] {strides = array<i32>} : memref<96x256xf32, #tpu.memory_space<vmem>>, vector<16xf32>,
      %sub3A_1236 = arith.subf %get3A_1235, %get3A_25 : vector<16xf32>
      %mul3A_1237 = arith.mulf %sub3A_1236, %sub3A_1236 : vector<16xf32>
      %add3A_1238 = arith.addf %add3A_1198, %mul3A_1237 : vector<16xf32>
      %mul3A_1239 = arith.constant 16 : i32
      %mul3A_1240 = arith.muli %scan3A_42, %mul3A_1239 : i32
      %add3A_1241 = arith.constant 6 : i32
      %add3A_1242 = arith.addi %mul3A_1240, %add3A_1241 : i32
      %get3A_1243 = arith.index_cast %add3A_1242 : i32 to index
      %get3A_1244 = arith.constant 176 : index
      %get3A_1245 = tpu.vector_load %arg6[%get3A_1243, %get3A_1244] {strides = array<i32>} : memref<96x256xf32, #tpu.memory_space<vmem>>, vector<16xf32>,
      %sub3A_1246 = arith.subf %get3A_1245, %get3A_27 : vector<16xf32>
      %mul3A_1247 = arith.mulf %sub3A_1246, %sub3A_1246 : vector<16xf32>
      %add3A_1248 = arith.addf %add3A_1208, %mul3A_1247 : vector<16xf32>
      %mul3A_1249 = arith.constant 16 : i32
      %mul3A_1250 = arith.muli %scan3A_42, %mul3A_1249 : i32
      %add3A_1251 = arith.constant 6 : i32
      %add3A_1252 = arith.addi %mul3A_1250, %add3A_1251 : i32
      %get3A_1253 = arith.index_cast %add3A_1252 : i32 to index
      %get3A_1254 = arith.constant 192 : index
      %get3A_1255 = tpu.vector_load %arg6[%get3A_1253, %get3A_1254] {strides = array<i32>} : memref<96x256xf32, #tpu.memory_space<vmem>>, vector<16xf32>,
      %sub3A_1256 = arith.subf %get3A_1255, %get3A_29 : vector<16xf32>
      %mul3A_1257 = arith.mulf %sub3A_1256, %sub3A_1256 : vector<16xf32>
      %add3A_1258 = arith.addf %add3A_1218, %mul3A_1257 : vector<16xf32>
      %mul3A_1259 = arith.constant 16 : i32
      %mul3A_1260 = arith.muli %scan3A_42, %mul3A_1259 : i32
      %add3A_1261 = arith.constant 6 : i32
      %add3A_1262 = arith.addi %mul3A_1260, %add3A_1261 : i32
      %get3A_1263 = arith.index_cast %add3A_1262 : i32 to index
      %get3A_1264 = arith.constant 208 : index
      %get3A_1265 = tpu.vector_load %arg6[%get3A_1263, %get3A_1264] {strides = array<i32>} : memref<96x256xf32, #tpu.memory_space<vmem>>, vector<16xf32>,
      %sub3A_1266 = arith.subf %get3A_1265, %get3A_31 : vector<16xf32>
      %mul3A_1267 = arith.mulf %sub3A_1266, %sub3A_1266 : vector<16xf32>
      %add3A_1268 = arith.addf %add3A_1228, %mul3A_1267 : vector<16xf32>
      %mul3A_1269 = arith.constant 16 : i32
      %mul3A_1270 = arith.muli %scan3A_42, %mul3A_1269 : i32
      %add3A_1271 = arith.constant 6 : i32
      %add3A_1272 = arith.addi %mul3A_1270, %add3A_1271 : i32
      %get3A_1273 = arith.index_cast %add3A_1272 : i32 to index
      %get3A_1274 = arith.constant 224 : index
      %get3A_1275 = tpu.vector_load %arg6[%get3A_1273, %get3A_1274] {strides = array<i32>} : memref<96x256xf32, #tpu.memory_space<vmem>>, vector<16xf32>,
      %sub3A_1276 = arith.subf %get3A_1275, %get3A_33 : vector<16xf32>
      %mul3A_1277 = arith.mulf %sub3A_1276, %sub3A_1276 : vector<16xf32>
      %add3A_1278 = arith.addf %add3A_1238, %mul3A_1277 : vector<16xf32>
      %mul3A_1279 = arith.constant 16 : i32
      %mul3A_1280 = arith.muli %scan3A_42, %mul3A_1279 : i32
      %add3A_1281 = arith.constant 6 : i32
      %add3A_1282 = arith.addi %mul3A_1280, %add3A_1281 : i32
      %get3A_1283 = arith.index_cast %add3A_1282 : i32 to index
      %get3A_1284 = arith.constant 240 : index
      %get3A_1285 = tpu.vector_load %arg6[%get3A_1283, %get3A_1284] {strides = array<i32>} : memref<96x256xf32, #tpu.memory_space<vmem>>, vector<16xf32>,
      %sub3A_1286 = arith.subf %get3A_1285, %get3A_35 : vector<16xf32>
      %mul3A_1287 = arith.mulf %sub3A_1286, %sub3A_1286 : vector<16xf32>
      %add3A_1288 = arith.addf %add3A_1248, %mul3A_1287 : vector<16xf32>
      %add3A_1289 = arith.addf %add3A_1258, %add3A_1268 : vector<16xf32>
      %add3A_1290 = arith.addf %add3A_1278, %add3A_1288 : vector<16xf32>
      %add3A_1291 = arith.addf %add3A_1289, %add3A_1290 : vector<16xf32>
      %reduce_sum3A_1292 = arith.constant true
      %reduce_sum3A_1293 = vector.broadcast %reduce_sum3A_1292 : i1 to vector<16xi1>
      %reduce_sum3A_1294 = tpu.scan <sum>, %add3A_1291 masked %reduce_sum3A_1293 : vector<16xf32>, vector<16xi1> -> vector<16xf32>
      %reduce_sum3A_1295 = vector.extract %reduce_sum3A_1294[15] : f32 from vector<16xf32>
      %eq3A_1296 = arith.constant 6 : i32
      %eq3A_1297 = vector.broadcast %eq3A_1296 : i32 to vector<16xi32>
      %eq3A_1298 = arith.cmpi eq, %iota3A, %eq3A_1297 : vector<16xi32>
      %broadcast_in_dim3A_1299 = vector.broadcast %reduce_sum3A_1295 : f32 to vector<16xf32>
      %select_n3A_1300 = arith.select %eq3A_1298, %broadcast_in_dim3A_1299, %select_n3A_1120 : vector<16xi1>, vector<16xf32>
      %broadcast_in_dim3A_1301 = arith.constant 0.000000e+00 : f32
      %broadcast_in_dim3A_1302 = vector.broadcast %broadcast_in_dim3A_1301 : f32 to vector<16xf32>
      %broadcast_in_dim3A_1303 = arith.constant 0.000000e+00 : f32
      %broadcast_in_dim3A_1304 = vector.broadcast %broadcast_in_dim3A_1303 : f32 to vector<16xf32>
      %broadcast_in_dim3A_1305 = arith.constant 0.000000e+00 : f32
      %broadcast_in_dim3A_1306 = vector.broadcast %broadcast_in_dim3A_1305 : f32 to vector<16xf32>
      %broadcast_in_dim3A_1307 = arith.constant 0.000000e+00 : f32
      %broadcast_in_dim3A_1308 = vector.broadcast %broadcast_in_dim3A_1307 : f32 to vector<16xf32>
      %mul3A_1309 = arith.constant 16 : i32
      %mul3A_1310 = arith.muli %scan3A_42, %mul3A_1309 : i32
      %add3A_1311 = arith.constant 7 : i32
      %add3A_1312 = arith.addi %mul3A_1310, %add3A_1311 : i32
      %get3A_1313 = arith.index_cast %add3A_1312 : i32 to index
      %get3A_1314 = arith.constant 0 : index
      %get3A_1315 = tpu.vector_load %arg6[%get3A_1313, %get3A_1314] {strides = array<i32>} : memref<96x256xf32, #tpu.memory_space<vmem>>, vector<16xf32>,
      %sub3A_1316 = arith.subf %get3A_1315, %get3A_5 : vector<16xf32>
      %mul3A_1317 = arith.mulf %sub3A_1316, %sub3A_1316 : vector<16xf32>
      %add3A_1318 = arith.addf %broadcast_in_dim3A_1302, %mul3A_1317 : vector<16xf32>
      %mul3A_1319 = arith.constant 16 : i32
      %mul3A_1320 = arith.muli %scan3A_42, %mul3A_1319 : i32
      %add3A_1321 = arith.constant 7 : i32
      %add3A_1322 = arith.addi %mul3A_1320, %add3A_1321 : i32
      %get3A_1323 = arith.index_cast %add3A_1322 : i32 to index
      %get3A_1324 = arith.constant 16 : index
      %get3A_1325 = tpu.vector_load %arg6[%get3A_1323, %get3A_1324] {strides = array<i32>} : memref<96x256xf32, #tpu.memory_space<vmem>>, vector<16xf32>,
      %sub3A_1326 = arith.subf %get3A_1325, %get3A_7 : vector<16xf32>
      %mul3A_1327 = arith.mulf %sub3A_1326, %sub3A_1326 : vector<16xf32>
      %add3A_1328 = arith.addf %broadcast_in_dim3A_1304, %mul3A_1327 : vector<16xf32>
      %mul3A_1329 = arith.constant 16 : i32
      %mul3A_1330 = arith.muli %scan3A_42, %mul3A_1329 : i32
      %add3A_1331 = arith.constant 7 : i32
      %add3A_1332 = arith.addi %mul3A_1330, %add3A_1331 : i32
      %get3A_1333 = arith.index_cast %add3A_1332 : i32 to index
      %get3A_1334 = arith.constant 32 : index
      %get3A_1335 = tpu.vector_load %arg6[%get3A_1333, %get3A_1334] {strides = array<i32>} : memref<96x256xf32, #tpu.memory_space<vmem>>, vector<16xf32>,
      %sub3A_1336 = arith.subf %get3A_1335, %get3A_9 : vector<16xf32>
      %mul3A_1337 = arith.mulf %sub3A_1336, %sub3A_1336 : vector<16xf32>
      %add3A_1338 = arith.addf %broadcast_in_dim3A_1306, %mul3A_1337 : vector<16xf32>
      %mul3A_1339 = arith.constant 16 : i32
      %mul3A_1340 = arith.muli %scan3A_42, %mul3A_1339 : i32
      %add3A_1341 = arith.constant 7 : i32
      %add3A_1342 = arith.addi %mul3A_1340, %add3A_1341 : i32
      %get3A_1343 = arith.index_cast %add3A_1342 : i32 to index
      %get3A_1344 = arith.constant 48 : index
      %get3A_1345 = tpu.vector_load %arg6[%get3A_1343, %get3A_1344] {strides = array<i32>} : memref<96x256xf32, #tpu.memory_space<vmem>>, vector<16xf32>,
      %sub3A_1346 = arith.subf %get3A_1345, %get3A_11 : vector<16xf32>
      %mul3A_1347 = arith.mulf %sub3A_1346, %sub3A_1346 : vector<16xf32>
      %add3A_1348 = arith.addf %broadcast_in_dim3A_1308, %mul3A_1347 : vector<16xf32>
      %mul3A_1349 = arith.constant 16 : i32
      %mul3A_1350 = arith.muli %scan3A_42, %mul3A_1349 : i32
      %add3A_1351 = arith.constant 7 : i32
      %add3A_1352 = arith.addi %mul3A_1350, %add3A_1351 : i32
      %get3A_1353 = arith.index_cast %add3A_1352 : i32 to index
      %get3A_1354 = arith.constant 64 : index
      %get3A_1355 = tpu.vector_load %arg6[%get3A_1353, %get3A_1354] {strides = array<i32>} : memref<96x256xf32, #tpu.memory_space<vmem>>, vector<16xf32>,
      %sub3A_1356 = arith.subf %get3A_1355, %get3A_13 : vector<16xf32>
      %mul3A_1357 = arith.mulf %sub3A_1356, %sub3A_1356 : vector<16xf32>
      %add3A_1358 = arith.addf %add3A_1318, %mul3A_1357 : vector<16xf32>
      %mul3A_1359 = arith.constant 16 : i32
      %mul3A_1360 = arith.muli %scan3A_42, %mul3A_1359 : i32
      %add3A_1361 = arith.constant 7 : i32
      %add3A_1362 = arith.addi %mul3A_1360, %add3A_1361 : i32
      %get3A_1363 = arith.index_cast %add3A_1362 : i32 to index
      %get3A_1364 = arith.constant 80 : index
      %get3A_1365 = tpu.vector_load %arg6[%get3A_1363, %get3A_1364] {strides = array<i32>} : memref<96x256xf32, #tpu.memory_space<vmem>>, vector<16xf32>,
      %sub3A_1366 = arith.subf %get3A_1365, %get3A_15 : vector<16xf32>
      %mul3A_1367 = arith.mulf %sub3A_1366, %sub3A_1366 : vector<16xf32>
      %add3A_1368 = arith.addf %add3A_1328, %mul3A_1367 : vector<16xf32>
      %mul3A_1369 = arith.constant 16 : i32
      %mul3A_1370 = arith.muli %scan3A_42, %mul3A_1369 : i32
      %add3A_1371 = arith.constant 7 : i32
      %add3A_1372 = arith.addi %mul3A_1370, %add3A_1371 : i32
      %get3A_1373 = arith.index_cast %add3A_1372 : i32 to index
      %get3A_1374 = arith.constant 96 : index
      %get3A_1375 = tpu.vector_load %arg6[%get3A_1373, %get3A_1374] {strides = array<i32>} : memref<96x256xf32, #tpu.memory_space<vmem>>, vector<16xf32>,
      %sub3A_1376 = arith.subf %get3A_1375, %get3A_17 : vector<16xf32>
      %mul3A_1377 = arith.mulf %sub3A_1376, %sub3A_1376 : vector<16xf32>
      %add3A_1378 = arith.addf %add3A_1338, %mul3A_1377 : vector<16xf32>
      %mul3A_1379 = arith.constant 16 : i32
      %mul3A_1380 = arith.muli %scan3A_42, %mul3A_1379 : i32
      %add3A_1381 = arith.constant 7 : i32
      %add3A_1382 = arith.addi %mul3A_1380, %add3A_1381 : i32
      %get3A_1383 = arith.index_cast %add3A_1382 : i32 to index
      %get3A_1384 = arith.constant 112 : index
      %get3A_1385 = tpu.vector_load %arg6[%get3A_1383, %get3A_1384] {strides = array<i32>} : memref<96x256xf32, #tpu.memory_space<vmem>>, vector<16xf32>,
      %sub3A_1386 = arith.subf %get3A_1385, %get3A_19 : vector<16xf32>
      %mul3A_1387 = arith.mulf %sub3A_1386, %sub3A_1386 : vector<16xf32>
      %add3A_1388 = arith.addf %add3A_1348, %mul3A_1387 : vector<16xf32>
      %mul3A_1389 = arith.constant 16 : i32
      %mul3A_1390 = arith.muli %scan3A_42, %mul3A_1389 : i32
      %add3A_1391 = arith.constant 7 : i32
      %add3A_1392 = arith.addi %mul3A_1390, %add3A_1391 : i32
      %get3A_1393 = arith.index_cast %add3A_1392 : i32 to index
      %get3A_1394 = arith.constant 128 : index
      %get3A_1395 = tpu.vector_load %arg6[%get3A_1393, %get3A_1394] {strides = array<i32>} : memref<96x256xf32, #tpu.memory_space<vmem>>, vector<16xf32>,
      %sub3A_1396 = arith.subf %get3A_1395, %get3A_21 : vector<16xf32>
      %mul3A_1397 = arith.mulf %sub3A_1396, %sub3A_1396 : vector<16xf32>
      %add3A_1398 = arith.addf %add3A_1358, %mul3A_1397 : vector<16xf32>
      %mul3A_1399 = arith.constant 16 : i32
      %mul3A_1400 = arith.muli %scan3A_42, %mul3A_1399 : i32
      %add3A_1401 = arith.constant 7 : i32
      %add3A_1402 = arith.addi %mul3A_1400, %add3A_1401 : i32
      %get3A_1403 = arith.index_cast %add3A_1402 : i32 to index
      %get3A_1404 = arith.constant 144 : index
      %get3A_1405 = tpu.vector_load %arg6[%get3A_1403, %get3A_1404] {strides = array<i32>} : memref<96x256xf32, #tpu.memory_space<vmem>>, vector<16xf32>,
      %sub3A_1406 = arith.subf %get3A_1405, %get3A_23 : vector<16xf32>
      %mul3A_1407 = arith.mulf %sub3A_1406, %sub3A_1406 : vector<16xf32>
      %add3A_1408 = arith.addf %add3A_1368, %mul3A_1407 : vector<16xf32>
      %mul3A_1409 = arith.constant 16 : i32
      %mul3A_1410 = arith.muli %scan3A_42, %mul3A_1409 : i32
      %add3A_1411 = arith.constant 7 : i32
      %add3A_1412 = arith.addi %mul3A_1410, %add3A_1411 : i32
      %get3A_1413 = arith.index_cast %add3A_1412 : i32 to index
      %get3A_1414 = arith.constant 160 : index
      %get3A_1415 = tpu.vector_load %arg6[%get3A_1413, %get3A_1414] {strides = array<i32>} : memref<96x256xf32, #tpu.memory_space<vmem>>, vector<16xf32>,
      %sub3A_1416 = arith.subf %get3A_1415, %get3A_25 : vector<16xf32>
      %mul3A_1417 = arith.mulf %sub3A_1416, %sub3A_1416 : vector<16xf32>
      %add3A_1418 = arith.addf %add3A_1378, %mul3A_1417 : vector<16xf32>
      %mul3A_1419 = arith.constant 16 : i32
      %mul3A_1420 = arith.muli %scan3A_42, %mul3A_1419 : i32
      %add3A_1421 = arith.constant 7 : i32
      %add3A_1422 = arith.addi %mul3A_1420, %add3A_1421 : i32
      %get3A_1423 = arith.index_cast %add3A_1422 : i32 to index
      %get3A_1424 = arith.constant 176 : index
      %get3A_1425 = tpu.vector_load %arg6[%get3A_1423, %get3A_1424] {strides = array<i32>} : memref<96x256xf32, #tpu.memory_space<vmem>>, vector<16xf32>,
      %sub3A_1426 = arith.subf %get3A_1425, %get3A_27 : vector<16xf32>
      %mul3A_1427 = arith.mulf %sub3A_1426, %sub3A_1426 : vector<16xf32>
      %add3A_1428 = arith.addf %add3A_1388, %mul3A_1427 : vector<16xf32>
      %mul3A_1429 = arith.constant 16 : i32
      %mul3A_1430 = arith.muli %scan3A_42, %mul3A_1429 : i32
      %add3A_1431 = arith.constant 7 : i32
      %add3A_1432 = arith.addi %mul3A_1430, %add3A_1431 : i32
      %get3A_1433 = arith.index_cast %add3A_1432 : i32 to index
      %get3A_1434 = arith.constant 192 : index
      %get3A_1435 = tpu.vector_load %arg6[%get3A_1433, %get3A_1434] {strides = array<i32>} : memref<96x256xf32, #tpu.memory_space<vmem>>, vector<16xf32>,
      %sub3A_1436 = arith.subf %get3A_1435, %get3A_29 : vector<16xf32>
      %mul3A_1437 = arith.mulf %sub3A_1436, %sub3A_1436 : vector<16xf32>
      %add3A_1438 = arith.addf %add3A_1398, %mul3A_1437 : vector<16xf32>
      %mul3A_1439 = arith.constant 16 : i32
      %mul3A_1440 = arith.muli %scan3A_42, %mul3A_1439 : i32
      %add3A_1441 = arith.constant 7 : i32
      %add3A_1442 = arith.addi %mul3A_1440, %add3A_1441 : i32
      %get3A_1443 = arith.index_cast %add3A_1442 : i32 to index
      %get3A_1444 = arith.constant 208 : index
      %get3A_1445 = tpu.vector_load %arg6[%get3A_1443, %get3A_1444] {strides = array<i32>} : memref<96x256xf32, #tpu.memory_space<vmem>>, vector<16xf32>,
      %sub3A_1446 = arith.subf %get3A_1445, %get3A_31 : vector<16xf32>
      %mul3A_1447 = arith.mulf %sub3A_1446, %sub3A_1446 : vector<16xf32>
      %add3A_1448 = arith.addf %add3A_1408, %mul3A_1447 : vector<16xf32>
      %mul3A_1449 = arith.constant 16 : i32
      %mul3A_1450 = arith.muli %scan3A_42, %mul3A_1449 : i32
      %add3A_1451 = arith.constant 7 : i32
      %add3A_1452 = arith.addi %mul3A_1450, %add3A_1451 : i32
      %get3A_1453 = arith.index_cast %add3A_1452 : i32 to index
      %get3A_1454 = arith.constant 224 : index
      %get3A_1455 = tpu.vector_load %arg6[%get3A_1453, %get3A_1454] {strides = array<i32>} : memref<96x256xf32, #tpu.memory_space<vmem>>, vector<16xf32>,
      %sub3A_1456 = arith.subf %get3A_1455, %get3A_33 : vector<16xf32>
      %mul3A_1457 = arith.mulf %sub3A_1456, %sub3A_1456 : vector<16xf32>
      %add3A_1458 = arith.addf %add3A_1418, %mul3A_1457 : vector<16xf32>
      %mul3A_1459 = arith.constant 16 : i32
      %mul3A_1460 = arith.muli %scan3A_42, %mul3A_1459 : i32
      %add3A_1461 = arith.constant 7 : i32
      %add3A_1462 = arith.addi %mul3A_1460, %add3A_1461 : i32
      %get3A_1463 = arith.index_cast %add3A_1462 : i32 to index
      %get3A_1464 = arith.constant 240 : index
      %get3A_1465 = tpu.vector_load %arg6[%get3A_1463, %get3A_1464] {strides = array<i32>} : memref<96x256xf32, #tpu.memory_space<vmem>>, vector<16xf32>,
      %sub3A_1466 = arith.subf %get3A_1465, %get3A_35 : vector<16xf32>
      %mul3A_1467 = arith.mulf %sub3A_1466, %sub3A_1466 : vector<16xf32>
      %add3A_1468 = arith.addf %add3A_1428, %mul3A_1467 : vector<16xf32>
      %add3A_1469 = arith.addf %add3A_1438, %add3A_1448 : vector<16xf32>
      %add3A_1470 = arith.addf %add3A_1458, %add3A_1468 : vector<16xf32>
      %add3A_1471 = arith.addf %add3A_1469, %add3A_1470 : vector<16xf32>
      %reduce_sum3A_1472 = arith.constant true
      %reduce_sum3A_1473 = vector.broadcast %reduce_sum3A_1472 : i1 to vector<16xi1>
      %reduce_sum3A_1474 = tpu.scan <sum>, %add3A_1471 masked %reduce_sum3A_1473 : vector<16xf32>, vector<16xi1> -> vector<16xf32>
      %reduce_sum3A_1475 = vector.extract %reduce_sum3A_1474[15] : f32 from vector<16xf32>
      %eq3A_1476 = arith.constant 7 : i32
      %eq3A_1477 = vector.broadcast %eq3A_1476 : i32 to vector<16xi32>
      %eq3A_1478 = arith.cmpi eq, %iota3A, %eq3A_1477 : vector<16xi32>
      %broadcast_in_dim3A_1479 = vector.broadcast %reduce_sum3A_1475 : f32 to vector<16xf32>
      %select_n3A_1480 = arith.select %eq3A_1478, %broadcast_in_dim3A_1479, %select_n3A_1300 : vector<16xi1>, vector<16xf32>
      %broadcast_in_dim3A_1481 = arith.constant 0.000000e+00 : f32
      %broadcast_in_dim3A_1482 = vector.broadcast %broadcast_in_dim3A_1481 : f32 to vector<16xf32>
      %broadcast_in_dim3A_1483 = arith.constant 0.000000e+00 : f32
      %broadcast_in_dim3A_1484 = vector.broadcast %broadcast_in_dim3A_1483 : f32 to vector<16xf32>
      %broadcast_in_dim3A_1485 = arith.constant 0.000000e+00 : f32
      %broadcast_in_dim3A_1486 = vector.broadcast %broadcast_in_dim3A_1485 : f32 to vector<16xf32>
      %broadcast_in_dim3A_1487 = arith.constant 0.000000e+00 : f32
      %broadcast_in_dim3A_1488 = vector.broadcast %broadcast_in_dim3A_1487 : f32 to vector<16xf32>
      %mul3A_1489 = arith.constant 16 : i32
      %mul3A_1490 = arith.muli %scan3A_42, %mul3A_1489 : i32
      %add3A_1491 = arith.constant 8 : i32
      %add3A_1492 = arith.addi %mul3A_1490, %add3A_1491 : i32
      %get3A_1493 = arith.index_cast %add3A_1492 : i32 to index
      %get3A_1494 = arith.constant 0 : index
      %get3A_1495 = tpu.vector_load %arg6[%get3A_1493, %get3A_1494] {strides = array<i32>} : memref<96x256xf32, #tpu.memory_space<vmem>>, vector<16xf32>,
      %sub3A_1496 = arith.subf %get3A_1495, %get3A_5 : vector<16xf32>
      %mul3A_1497 = arith.mulf %sub3A_1496, %sub3A_1496 : vector<16xf32>
      %add3A_1498 = arith.addf %broadcast_in_dim3A_1482, %mul3A_1497 : vector<16xf32>
      %mul3A_1499 = arith.constant 16 : i32
      %mul3A_1500 = arith.muli %scan3A_42, %mul3A_1499 : i32
      %add3A_1501 = arith.constant 8 : i32
      %add3A_1502 = arith.addi %mul3A_1500, %add3A_1501 : i32
      %get3A_1503 = arith.index_cast %add3A_1502 : i32 to index
      %get3A_1504 = arith.constant 16 : index
      %get3A_1505 = tpu.vector_load %arg6[%get3A_1503, %get3A_1504] {strides = array<i32>} : memref<96x256xf32, #tpu.memory_space<vmem>>, vector<16xf32>,
      %sub3A_1506 = arith.subf %get3A_1505, %get3A_7 : vector<16xf32>
      %mul3A_1507 = arith.mulf %sub3A_1506, %sub3A_1506 : vector<16xf32>
      %add3A_1508 = arith.addf %broadcast_in_dim3A_1484, %mul3A_1507 : vector<16xf32>
      %mul3A_1509 = arith.constant 16 : i32
      %mul3A_1510 = arith.muli %scan3A_42, %mul3A_1509 : i32
      %add3A_1511 = arith.constant 8 : i32
      %add3A_1512 = arith.addi %mul3A_1510, %add3A_1511 : i32
      %get3A_1513 = arith.index_cast %add3A_1512 : i32 to index
      %get3A_1514 = arith.constant 32 : index
      %get3A_1515 = tpu.vector_load %arg6[%get3A_1513, %get3A_1514] {strides = array<i32>} : memref<96x256xf32, #tpu.memory_space<vmem>>, vector<16xf32>,
      %sub3A_1516 = arith.subf %get3A_1515, %get3A_9 : vector<16xf32>
      %mul3A_1517 = arith.mulf %sub3A_1516, %sub3A_1516 : vector<16xf32>
      %add3A_1518 = arith.addf %broadcast_in_dim3A_1486, %mul3A_1517 : vector<16xf32>
      %mul3A_1519 = arith.constant 16 : i32
      %mul3A_1520 = arith.muli %scan3A_42, %mul3A_1519 : i32
      %add3A_1521 = arith.constant 8 : i32
      %add3A_1522 = arith.addi %mul3A_1520, %add3A_1521 : i32
      %get3A_1523 = arith.index_cast %add3A_1522 : i32 to index
      %get3A_1524 = arith.constant 48 : index
      %get3A_1525 = tpu.vector_load %arg6[%get3A_1523, %get3A_1524] {strides = array<i32>} : memref<96x256xf32, #tpu.memory_space<vmem>>, vector<16xf32>,
      %sub3A_1526 = arith.subf %get3A_1525, %get3A_11 : vector<16xf32>
      %mul3A_1527 = arith.mulf %sub3A_1526, %sub3A_1526 : vector<16xf32>
      %add3A_1528 = arith.addf %broadcast_in_dim3A_1488, %mul3A_1527 : vector<16xf32>
      %mul3A_1529 = arith.constant 16 : i32
      %mul3A_1530 = arith.muli %scan3A_42, %mul3A_1529 : i32
      %add3A_1531 = arith.constant 8 : i32
      %add3A_1532 = arith.addi %mul3A_1530, %add3A_1531 : i32
      %get3A_1533 = arith.index_cast %add3A_1532 : i32 to index
      %get3A_1534 = arith.constant 64 : index
      %get3A_1535 = tpu.vector_load %arg6[%get3A_1533, %get3A_1534] {strides = array<i32>} : memref<96x256xf32, #tpu.memory_space<vmem>>, vector<16xf32>,
      %sub3A_1536 = arith.subf %get3A_1535, %get3A_13 : vector<16xf32>
      %mul3A_1537 = arith.mulf %sub3A_1536, %sub3A_1536 : vector<16xf32>
      %add3A_1538 = arith.addf %add3A_1498, %mul3A_1537 : vector<16xf32>
      %mul3A_1539 = arith.constant 16 : i32
      %mul3A_1540 = arith.muli %scan3A_42, %mul3A_1539 : i32
      %add3A_1541 = arith.constant 8 : i32
      %add3A_1542 = arith.addi %mul3A_1540, %add3A_1541 : i32
      %get3A_1543 = arith.index_cast %add3A_1542 : i32 to index
      %get3A_1544 = arith.constant 80 : index
      %get3A_1545 = tpu.vector_load %arg6[%get3A_1543, %get3A_1544] {strides = array<i32>} : memref<96x256xf32, #tpu.memory_space<vmem>>, vector<16xf32>,
      %sub3A_1546 = arith.subf %get3A_1545, %get3A_15 : vector<16xf32>
      %mul3A_1547 = arith.mulf %sub3A_1546, %sub3A_1546 : vector<16xf32>
      %add3A_1548 = arith.addf %add3A_1508, %mul3A_1547 : vector<16xf32>
      %mul3A_1549 = arith.constant 16 : i32
      %mul3A_1550 = arith.muli %scan3A_42, %mul3A_1549 : i32
      %add3A_1551 = arith.constant 8 : i32
      %add3A_1552 = arith.addi %mul3A_1550, %add3A_1551 : i32
      %get3A_1553 = arith.index_cast %add3A_1552 : i32 to index
      %get3A_1554 = arith.constant 96 : index
      %get3A_1555 = tpu.vector_load %arg6[%get3A_1553, %get3A_1554] {strides = array<i32>} : memref<96x256xf32, #tpu.memory_space<vmem>>, vector<16xf32>,
      %sub3A_1556 = arith.subf %get3A_1555, %get3A_17 : vector<16xf32>
      %mul3A_1557 = arith.mulf %sub3A_1556, %sub3A_1556 : vector<16xf32>
      %add3A_1558 = arith.addf %add3A_1518, %mul3A_1557 : vector<16xf32>
      %mul3A_1559 = arith.constant 16 : i32
      %mul3A_1560 = arith.muli %scan3A_42, %mul3A_1559 : i32
      %add3A_1561 = arith.constant 8 : i32
      %add3A_1562 = arith.addi %mul3A_1560, %add3A_1561 : i32
      %get3A_1563 = arith.index_cast %add3A_1562 : i32 to index
      %get3A_1564 = arith.constant 112 : index
      %get3A_1565 = tpu.vector_load %arg6[%get3A_1563, %get3A_1564] {strides = array<i32>} : memref<96x256xf32, #tpu.memory_space<vmem>>, vector<16xf32>,
      %sub3A_1566 = arith.subf %get3A_1565, %get3A_19 : vector<16xf32>
      %mul3A_1567 = arith.mulf %sub3A_1566, %sub3A_1566 : vector<16xf32>
      %add3A_1568 = arith.addf %add3A_1528, %mul3A_1567 : vector<16xf32>
      %mul3A_1569 = arith.constant 16 : i32
      %mul3A_1570 = arith.muli %scan3A_42, %mul3A_1569 : i32
      %add3A_1571 = arith.constant 8 : i32
      %add3A_1572 = arith.addi %mul3A_1570, %add3A_1571 : i32
      %get3A_1573 = arith.index_cast %add3A_1572 : i32 to index
      %get3A_1574 = arith.constant 128 : index
      %get3A_1575 = tpu.vector_load %arg6[%get3A_1573, %get3A_1574] {strides = array<i32>} : memref<96x256xf32, #tpu.memory_space<vmem>>, vector<16xf32>,
      %sub3A_1576 = arith.subf %get3A_1575, %get3A_21 : vector<16xf32>
      %mul3A_1577 = arith.mulf %sub3A_1576, %sub3A_1576 : vector<16xf32>
      %add3A_1578 = arith.addf %add3A_1538, %mul3A_1577 : vector<16xf32>
      %mul3A_1579 = arith.constant 16 : i32
      %mul3A_1580 = arith.muli %scan3A_42, %mul3A_1579 : i32
      %add3A_1581 = arith.constant 8 : i32
      %add3A_1582 = arith.addi %mul3A_1580, %add3A_1581 : i32
      %get3A_1583 = arith.index_cast %add3A_1582 : i32 to index
      %get3A_1584 = arith.constant 144 : index
      %get3A_1585 = tpu.vector_load %arg6[%get3A_1583, %get3A_1584] {strides = array<i32>} : memref<96x256xf32, #tpu.memory_space<vmem>>, vector<16xf32>,
      %sub3A_1586 = arith.subf %get3A_1585, %get3A_23 : vector<16xf32>
      %mul3A_1587 = arith.mulf %sub3A_1586, %sub3A_1586 : vector<16xf32>
      %add3A_1588 = arith.addf %add3A_1548, %mul3A_1587 : vector<16xf32>
      %mul3A_1589 = arith.constant 16 : i32
      %mul3A_1590 = arith.muli %scan3A_42, %mul3A_1589 : i32
      %add3A_1591 = arith.constant 8 : i32
      %add3A_1592 = arith.addi %mul3A_1590, %add3A_1591 : i32
      %get3A_1593 = arith.index_cast %add3A_1592 : i32 to index
      %get3A_1594 = arith.constant 160 : index
      %get3A_1595 = tpu.vector_load %arg6[%get3A_1593, %get3A_1594] {strides = array<i32>} : memref<96x256xf32, #tpu.memory_space<vmem>>, vector<16xf32>,
      %sub3A_1596 = arith.subf %get3A_1595, %get3A_25 : vector<16xf32>
      %mul3A_1597 = arith.mulf %sub3A_1596, %sub3A_1596 : vector<16xf32>
      %add3A_1598 = arith.addf %add3A_1558, %mul3A_1597 : vector<16xf32>
      %mul3A_1599 = arith.constant 16 : i32
      %mul3A_1600 = arith.muli %scan3A_42, %mul3A_1599 : i32
      %add3A_1601 = arith.constant 8 : i32
      %add3A_1602 = arith.addi %mul3A_1600, %add3A_1601 : i32
      %get3A_1603 = arith.index_cast %add3A_1602 : i32 to index
      %get3A_1604 = arith.constant 176 : index
      %get3A_1605 = tpu.vector_load %arg6[%get3A_1603, %get3A_1604] {strides = array<i32>} : memref<96x256xf32, #tpu.memory_space<vmem>>, vector<16xf32>,
      %sub3A_1606 = arith.subf %get3A_1605, %get3A_27 : vector<16xf32>
      %mul3A_1607 = arith.mulf %sub3A_1606, %sub3A_1606 : vector<16xf32>
      %add3A_1608 = arith.addf %add3A_1568, %mul3A_1607 : vector<16xf32>
      %mul3A_1609 = arith.constant 16 : i32
      %mul3A_1610 = arith.muli %scan3A_42, %mul3A_1609 : i32
      %add3A_1611 = arith.constant 8 : i32
      %add3A_1612 = arith.addi %mul3A_1610, %add3A_1611 : i32
      %get3A_1613 = arith.index_cast %add3A_1612 : i32 to index
      %get3A_1614 = arith.constant 192 : index
      %get3A_1615 = tpu.vector_load %arg6[%get3A_1613, %get3A_1614] {strides = array<i32>} : memref<96x256xf32, #tpu.memory_space<vmem>>, vector<16xf32>,
      %sub3A_1616 = arith.subf %get3A_1615, %get3A_29 : vector<16xf32>
      %mul3A_1617 = arith.mulf %sub3A_1616, %sub3A_1616 : vector<16xf32>
      %add3A_1618 = arith.addf %add3A_1578, %mul3A_1617 : vector<16xf32>
      %mul3A_1619 = arith.constant 16 : i32
      %mul3A_1620 = arith.muli %scan3A_42, %mul3A_1619 : i32
      %add3A_1621 = arith.constant 8 : i32
      %add3A_1622 = arith.addi %mul3A_1620, %add3A_1621 : i32
      %get3A_1623 = arith.index_cast %add3A_1622 : i32 to index
      %get3A_1624 = arith.constant 208 : index
      %get3A_1625 = tpu.vector_load %arg6[%get3A_1623, %get3A_1624] {strides = array<i32>} : memref<96x256xf32, #tpu.memory_space<vmem>>, vector<16xf32>,
      %sub3A_1626 = arith.subf %get3A_1625, %get3A_31 : vector<16xf32>
      %mul3A_1627 = arith.mulf %sub3A_1626, %sub3A_1626 : vector<16xf32>
      %add3A_1628 = arith.addf %add3A_1588, %mul3A_1627 : vector<16xf32>
      %mul3A_1629 = arith.constant 16 : i32
      %mul3A_1630 = arith.muli %scan3A_42, %mul3A_1629 : i32
      %add3A_1631 = arith.constant 8 : i32
      %add3A_1632 = arith.addi %mul3A_1630, %add3A_1631 : i32
      %get3A_1633 = arith.index_cast %add3A_1632 : i32 to index
      %get3A_1634 = arith.constant 224 : index
      %get3A_1635 = tpu.vector_load %arg6[%get3A_1633, %get3A_1634] {strides = array<i32>} : memref<96x256xf32, #tpu.memory_space<vmem>>, vector<16xf32>,
      %sub3A_1636 = arith.subf %get3A_1635, %get3A_33 : vector<16xf32>
      %mul3A_1637 = arith.mulf %sub3A_1636, %sub3A_1636 : vector<16xf32>
      %add3A_1638 = arith.addf %add3A_1598, %mul3A_1637 : vector<16xf32>
      %mul3A_1639 = arith.constant 16 : i32
      %mul3A_1640 = arith.muli %scan3A_42, %mul3A_1639 : i32
      %add3A_1641 = arith.constant 8 : i32
      %add3A_1642 = arith.addi %mul3A_1640, %add3A_1641 : i32
      %get3A_1643 = arith.index_cast %add3A_1642 : i32 to index
      %get3A_1644 = arith.constant 240 : index
      %get3A_1645 = tpu.vector_load %arg6[%get3A_1643, %get3A_1644] {strides = array<i32>} : memref<96x256xf32, #tpu.memory_space<vmem>>, vector<16xf32>,
      %sub3A_1646 = arith.subf %get3A_1645, %get3A_35 : vector<16xf32>
      %mul3A_1647 = arith.mulf %sub3A_1646, %sub3A_1646 : vector<16xf32>
      %add3A_1648 = arith.addf %add3A_1608, %mul3A_1647 : vector<16xf32>
      %add3A_1649 = arith.addf %add3A_1618, %add3A_1628 : vector<16xf32>
      %add3A_1650 = arith.addf %add3A_1638, %add3A_1648 : vector<16xf32>
      %add3A_1651 = arith.addf %add3A_1649, %add3A_1650 : vector<16xf32>
      %reduce_sum3A_1652 = arith.constant true
      %reduce_sum3A_1653 = vector.broadcast %reduce_sum3A_1652 : i1 to vector<16xi1>
      %reduce_sum3A_1654 = tpu.scan <sum>, %add3A_1651 masked %reduce_sum3A_1653 : vector<16xf32>, vector<16xi1> -> vector<16xf32>
      %reduce_sum3A_1655 = vector.extract %reduce_sum3A_1654[15] : f32 from vector<16xf32>
      %eq3A_1656 = arith.constant 8 : i32
      %eq3A_1657 = vector.broadcast %eq3A_1656 : i32 to vector<16xi32>
      %eq3A_1658 = arith.cmpi eq, %iota3A, %eq3A_1657 : vector<16xi32>
      %broadcast_in_dim3A_1659 = vector.broadcast %reduce_sum3A_1655 : f32 to vector<16xf32>
      %select_n3A_1660 = arith.select %eq3A_1658, %broadcast_in_dim3A_1659, %select_n3A_1480 : vector<16xi1>, vector<16xf32>
      %broadcast_in_dim3A_1661 = arith.constant 0.000000e+00 : f32
      %broadcast_in_dim3A_1662 = vector.broadcast %broadcast_in_dim3A_1661 : f32 to vector<16xf32>
      %broadcast_in_dim3A_1663 = arith.constant 0.000000e+00 : f32
      %broadcast_in_dim3A_1664 = vector.broadcast %broadcast_in_dim3A_1663 : f32 to vector<16xf32>
      %broadcast_in_dim3A_1665 = arith.constant 0.000000e+00 : f32
      %broadcast_in_dim3A_1666 = vector.broadcast %broadcast_in_dim3A_1665 : f32 to vector<16xf32>
      %broadcast_in_dim3A_1667 = arith.constant 0.000000e+00 : f32
      %broadcast_in_dim3A_1668 = vector.broadcast %broadcast_in_dim3A_1667 : f32 to vector<16xf32>
      %mul3A_1669 = arith.constant 16 : i32
      %mul3A_1670 = arith.muli %scan3A_42, %mul3A_1669 : i32
      %add3A_1671 = arith.constant 9 : i32
      %add3A_1672 = arith.addi %mul3A_1670, %add3A_1671 : i32
      %get3A_1673 = arith.index_cast %add3A_1672 : i32 to index
      %get3A_1674 = arith.constant 0 : index
      %get3A_1675 = tpu.vector_load %arg6[%get3A_1673, %get3A_1674] {strides = array<i32>} : memref<96x256xf32, #tpu.memory_space<vmem>>, vector<16xf32>,
      %sub3A_1676 = arith.subf %get3A_1675, %get3A_5 : vector<16xf32>
      %mul3A_1677 = arith.mulf %sub3A_1676, %sub3A_1676 : vector<16xf32>
      %add3A_1678 = arith.addf %broadcast_in_dim3A_1662, %mul3A_1677 : vector<16xf32>
      %mul3A_1679 = arith.constant 16 : i32
      %mul3A_1680 = arith.muli %scan3A_42, %mul3A_1679 : i32
      %add3A_1681 = arith.constant 9 : i32
      %add3A_1682 = arith.addi %mul3A_1680, %add3A_1681 : i32
      %get3A_1683 = arith.index_cast %add3A_1682 : i32 to index
      %get3A_1684 = arith.constant 16 : index
      %get3A_1685 = tpu.vector_load %arg6[%get3A_1683, %get3A_1684] {strides = array<i32>} : memref<96x256xf32, #tpu.memory_space<vmem>>, vector<16xf32>,
      %sub3A_1686 = arith.subf %get3A_1685, %get3A_7 : vector<16xf32>
      %mul3A_1687 = arith.mulf %sub3A_1686, %sub3A_1686 : vector<16xf32>
      %add3A_1688 = arith.addf %broadcast_in_dim3A_1664, %mul3A_1687 : vector<16xf32>
      %mul3A_1689 = arith.constant 16 : i32
      %mul3A_1690 = arith.muli %scan3A_42, %mul3A_1689 : i32
      %add3A_1691 = arith.constant 9 : i32
      %add3A_1692 = arith.addi %mul3A_1690, %add3A_1691 : i32
      %get3A_1693 = arith.index_cast %add3A_1692 : i32 to index
      %get3A_1694 = arith.constant 32 : index
      %get3A_1695 = tpu.vector_load %arg6[%get3A_1693, %get3A_1694] {strides = array<i32>} : memref<96x256xf32, #tpu.memory_space<vmem>>, vector<16xf32>,
      %sub3A_1696 = arith.subf %get3A_1695, %get3A_9 : vector<16xf32>
      %mul3A_1697 = arith.mulf %sub3A_1696, %sub3A_1696 : vector<16xf32>
      %add3A_1698 = arith.addf %broadcast_in_dim3A_1666, %mul3A_1697 : vector<16xf32>
      %mul3A_1699 = arith.constant 16 : i32
      %mul3A_1700 = arith.muli %scan3A_42, %mul3A_1699 : i32
      %add3A_1701 = arith.constant 9 : i32
      %add3A_1702 = arith.addi %mul3A_1700, %add3A_1701 : i32
      %get3A_1703 = arith.index_cast %add3A_1702 : i32 to index
      %get3A_1704 = arith.constant 48 : index
      %get3A_1705 = tpu.vector_load %arg6[%get3A_1703, %get3A_1704] {strides = array<i32>} : memref<96x256xf32, #tpu.memory_space<vmem>>, vector<16xf32>,
      %sub3A_1706 = arith.subf %get3A_1705, %get3A_11 : vector<16xf32>
      %mul3A_1707 = arith.mulf %sub3A_1706, %sub3A_1706 : vector<16xf32>
      %add3A_1708 = arith.addf %broadcast_in_dim3A_1668, %mul3A_1707 : vector<16xf32>
      %mul3A_1709 = arith.constant 16 : i32
      %mul3A_1710 = arith.muli %scan3A_42, %mul3A_1709 : i32
      %add3A_1711 = arith.constant 9 : i32
      %add3A_1712 = arith.addi %mul3A_1710, %add3A_1711 : i32
      %get3A_1713 = arith.index_cast %add3A_1712 : i32 to index
      %get3A_1714 = arith.constant 64 : index
      %get3A_1715 = tpu.vector_load %arg6[%get3A_1713, %get3A_1714] {strides = array<i32>} : memref<96x256xf32, #tpu.memory_space<vmem>>, vector<16xf32>,
      %sub3A_1716 = arith.subf %get3A_1715, %get3A_13 : vector<16xf32>
      %mul3A_1717 = arith.mulf %sub3A_1716, %sub3A_1716 : vector<16xf32>
      %add3A_1718 = arith.addf %add3A_1678, %mul3A_1717 : vector<16xf32>
      %mul3A_1719 = arith.constant 16 : i32
      %mul3A_1720 = arith.muli %scan3A_42, %mul3A_1719 : i32
      %add3A_1721 = arith.constant 9 : i32
      %add3A_1722 = arith.addi %mul3A_1720, %add3A_1721 : i32
      %get3A_1723 = arith.index_cast %add3A_1722 : i32 to index
      %get3A_1724 = arith.constant 80 : index
      %get3A_1725 = tpu.vector_load %arg6[%get3A_1723, %get3A_1724] {strides = array<i32>} : memref<96x256xf32, #tpu.memory_space<vmem>>, vector<16xf32>,
      %sub3A_1726 = arith.subf %get3A_1725, %get3A_15 : vector<16xf32>
      %mul3A_1727 = arith.mulf %sub3A_1726, %sub3A_1726 : vector<16xf32>
      %add3A_1728 = arith.addf %add3A_1688, %mul3A_1727 : vector<16xf32>
      %mul3A_1729 = arith.constant 16 : i32
      %mul3A_1730 = arith.muli %scan3A_42, %mul3A_1729 : i32
      %add3A_1731 = arith.constant 9 : i32
      %add3A_1732 = arith.addi %mul3A_1730, %add3A_1731 : i32
      %get3A_1733 = arith.index_cast %add3A_1732 : i32 to index
      %get3A_1734 = arith.constant 96 : index
      %get3A_1735 = tpu.vector_load %arg6[%get3A_1733, %get3A_1734] {strides = array<i32>} : memref<96x256xf32, #tpu.memory_space<vmem>>, vector<16xf32>,
      %sub3A_1736 = arith.subf %get3A_1735, %get3A_17 : vector<16xf32>
      %mul3A_1737 = arith.mulf %sub3A_1736, %sub3A_1736 : vector<16xf32>
      %add3A_1738 = arith.addf %add3A_1698, %mul3A_1737 : vector<16xf32>
      %mul3A_1739 = arith.constant 16 : i32
      %mul3A_1740 = arith.muli %scan3A_42, %mul3A_1739 : i32
      %add3A_1741 = arith.constant 9 : i32
      %add3A_1742 = arith.addi %mul3A_1740, %add3A_1741 : i32
      %get3A_1743 = arith.index_cast %add3A_1742 : i32 to index
      %get3A_1744 = arith.constant 112 : index
      %get3A_1745 = tpu.vector_load %arg6[%get3A_1743, %get3A_1744] {strides = array<i32>} : memref<96x256xf32, #tpu.memory_space<vmem>>, vector<16xf32>,
      %sub3A_1746 = arith.subf %get3A_1745, %get3A_19 : vector<16xf32>
      %mul3A_1747 = arith.mulf %sub3A_1746, %sub3A_1746 : vector<16xf32>
      %add3A_1748 = arith.addf %add3A_1708, %mul3A_1747 : vector<16xf32>
      %mul3A_1749 = arith.constant 16 : i32
      %mul3A_1750 = arith.muli %scan3A_42, %mul3A_1749 : i32
      %add3A_1751 = arith.constant 9 : i32
      %add3A_1752 = arith.addi %mul3A_1750, %add3A_1751 : i32
      %get3A_1753 = arith.index_cast %add3A_1752 : i32 to index
      %get3A_1754 = arith.constant 128 : index
      %get3A_1755 = tpu.vector_load %arg6[%get3A_1753, %get3A_1754] {strides = array<i32>} : memref<96x256xf32, #tpu.memory_space<vmem>>, vector<16xf32>,
      %sub3A_1756 = arith.subf %get3A_1755, %get3A_21 : vector<16xf32>
      %mul3A_1757 = arith.mulf %sub3A_1756, %sub3A_1756 : vector<16xf32>
      %add3A_1758 = arith.addf %add3A_1718, %mul3A_1757 : vector<16xf32>
      %mul3A_1759 = arith.constant 16 : i32
      %mul3A_1760 = arith.muli %scan3A_42, %mul3A_1759 : i32
      %add3A_1761 = arith.constant 9 : i32
      %add3A_1762 = arith.addi %mul3A_1760, %add3A_1761 : i32
      %get3A_1763 = arith.index_cast %add3A_1762 : i32 to index
      %get3A_1764 = arith.constant 144 : index
      %get3A_1765 = tpu.vector_load %arg6[%get3A_1763, %get3A_1764] {strides = array<i32>} : memref<96x256xf32, #tpu.memory_space<vmem>>, vector<16xf32>,
      %sub3A_1766 = arith.subf %get3A_1765, %get3A_23 : vector<16xf32>
      %mul3A_1767 = arith.mulf %sub3A_1766, %sub3A_1766 : vector<16xf32>
      %add3A_1768 = arith.addf %add3A_1728, %mul3A_1767 : vector<16xf32>
      %mul3A_1769 = arith.constant 16 : i32
      %mul3A_1770 = arith.muli %scan3A_42, %mul3A_1769 : i32
      %add3A_1771 = arith.constant 9 : i32
      %add3A_1772 = arith.addi %mul3A_1770, %add3A_1771 : i32
      %get3A_1773 = arith.index_cast %add3A_1772 : i32 to index
      %get3A_1774 = arith.constant 160 : index
      %get3A_1775 = tpu.vector_load %arg6[%get3A_1773, %get3A_1774] {strides = array<i32>} : memref<96x256xf32, #tpu.memory_space<vmem>>, vector<16xf32>,
      %sub3A_1776 = arith.subf %get3A_1775, %get3A_25 : vector<16xf32>
      %mul3A_1777 = arith.mulf %sub3A_1776, %sub3A_1776 : vector<16xf32>
      %add3A_1778 = arith.addf %add3A_1738, %mul3A_1777 : vector<16xf32>
      %mul3A_1779 = arith.constant 16 : i32
      %mul3A_1780 = arith.muli %scan3A_42, %mul3A_1779 : i32
      %add3A_1781 = arith.constant 9 : i32
      %add3A_1782 = arith.addi %mul3A_1780, %add3A_1781 : i32
      %get3A_1783 = arith.index_cast %add3A_1782 : i32 to index
      %get3A_1784 = arith.constant 176 : index
      %get3A_1785 = tpu.vector_load %arg6[%get3A_1783, %get3A_1784] {strides = array<i32>} : memref<96x256xf32, #tpu.memory_space<vmem>>, vector<16xf32>,
      %sub3A_1786 = arith.subf %get3A_1785, %get3A_27 : vector<16xf32>
      %mul3A_1787 = arith.mulf %sub3A_1786, %sub3A_1786 : vector<16xf32>
      %add3A_1788 = arith.addf %add3A_1748, %mul3A_1787 : vector<16xf32>
      %mul3A_1789 = arith.constant 16 : i32
      %mul3A_1790 = arith.muli %scan3A_42, %mul3A_1789 : i32
      %add3A_1791 = arith.constant 9 : i32
      %add3A_1792 = arith.addi %mul3A_1790, %add3A_1791 : i32
      %get3A_1793 = arith.index_cast %add3A_1792 : i32 to index
      %get3A_1794 = arith.constant 192 : index
      %get3A_1795 = tpu.vector_load %arg6[%get3A_1793, %get3A_1794] {strides = array<i32>} : memref<96x256xf32, #tpu.memory_space<vmem>>, vector<16xf32>,
      %sub3A_1796 = arith.subf %get3A_1795, %get3A_29 : vector<16xf32>
      %mul3A_1797 = arith.mulf %sub3A_1796, %sub3A_1796 : vector<16xf32>
      %add3A_1798 = arith.addf %add3A_1758, %mul3A_1797 : vector<16xf32>
      %mul3A_1799 = arith.constant 16 : i32
      %mul3A_1800 = arith.muli %scan3A_42, %mul3A_1799 : i32
      %add3A_1801 = arith.constant 9 : i32
      %add3A_1802 = arith.addi %mul3A_1800, %add3A_1801 : i32
      %get3A_1803 = arith.index_cast %add3A_1802 : i32 to index
      %get3A_1804 = arith.constant 208 : index
      %get3A_1805 = tpu.vector_load %arg6[%get3A_1803, %get3A_1804] {strides = array<i32>} : memref<96x256xf32, #tpu.memory_space<vmem>>, vector<16xf32>,
      %sub3A_1806 = arith.subf %get3A_1805, %get3A_31 : vector<16xf32>
      %mul3A_1807 = arith.mulf %sub3A_1806, %sub3A_1806 : vector<16xf32>
      %add3A_1808 = arith.addf %add3A_1768, %mul3A_1807 : vector<16xf32>
      %mul3A_1809 = arith.constant 16 : i32
      %mul3A_1810 = arith.muli %scan3A_42, %mul3A_1809 : i32
      %add3A_1811 = arith.constant 9 : i32
      %add3A_1812 = arith.addi %mul3A_1810, %add3A_1811 : i32
      %get3A_1813 = arith.index_cast %add3A_1812 : i32 to index
      %get3A_1814 = arith.constant 224 : index
      %get3A_1815 = tpu.vector_load %arg6[%get3A_1813, %get3A_1814] {strides = array<i32>} : memref<96x256xf32, #tpu.memory_space<vmem>>, vector<16xf32>,
      %sub3A_1816 = arith.subf %get3A_1815, %get3A_33 : vector<16xf32>
      %mul3A_1817 = arith.mulf %sub3A_1816, %sub3A_1816 : vector<16xf32>
      %add3A_1818 = arith.addf %add3A_1778, %mul3A_1817 : vector<16xf32>
      %mul3A_1819 = arith.constant 16 : i32
      %mul3A_1820 = arith.muli %scan3A_42, %mul3A_1819 : i32
      %add3A_1821 = arith.constant 9 : i32
      %add3A_1822 = arith.addi %mul3A_1820, %add3A_1821 : i32
      %get3A_1823 = arith.index_cast %add3A_1822 : i32 to index
      %get3A_1824 = arith.constant 240 : index
      %get3A_1825 = tpu.vector_load %arg6[%get3A_1823, %get3A_1824] {strides = array<i32>} : memref<96x256xf32, #tpu.memory_space<vmem>>, vector<16xf32>,
      %sub3A_1826 = arith.subf %get3A_1825, %get3A_35 : vector<16xf32>
      %mul3A_1827 = arith.mulf %sub3A_1826, %sub3A_1826 : vector<16xf32>
      %add3A_1828 = arith.addf %add3A_1788, %mul3A_1827 : vector<16xf32>
      %add3A_1829 = arith.addf %add3A_1798, %add3A_1808 : vector<16xf32>
      %add3A_1830 = arith.addf %add3A_1818, %add3A_1828 : vector<16xf32>
      %add3A_1831 = arith.addf %add3A_1829, %add3A_1830 : vector<16xf32>
      %reduce_sum3A_1832 = arith.constant true
      %reduce_sum3A_1833 = vector.broadcast %reduce_sum3A_1832 : i1 to vector<16xi1>
      %reduce_sum3A_1834 = tpu.scan <sum>, %add3A_1831 masked %reduce_sum3A_1833 : vector<16xf32>, vector<16xi1> -> vector<16xf32>
      %reduce_sum3A_1835 = vector.extract %reduce_sum3A_1834[15] : f32 from vector<16xf32>
      %eq3A_1836 = arith.constant 9 : i32
      %eq3A_1837 = vector.broadcast %eq3A_1836 : i32 to vector<16xi32>
      %eq3A_1838 = arith.cmpi eq, %iota3A, %eq3A_1837 : vector<16xi32>
      %broadcast_in_dim3A_1839 = vector.broadcast %reduce_sum3A_1835 : f32 to vector<16xf32>
      %select_n3A_1840 = arith.select %eq3A_1838, %broadcast_in_dim3A_1839, %select_n3A_1660 : vector<16xi1>, vector<16xf32>
      %broadcast_in_dim3A_1841 = arith.constant 0.000000e+00 : f32
      %broadcast_in_dim3A_1842 = vector.broadcast %broadcast_in_dim3A_1841 : f32 to vector<16xf32>
      %broadcast_in_dim3A_1843 = arith.constant 0.000000e+00 : f32
      %broadcast_in_dim3A_1844 = vector.broadcast %broadcast_in_dim3A_1843 : f32 to vector<16xf32>
      %broadcast_in_dim3A_1845 = arith.constant 0.000000e+00 : f32
      %broadcast_in_dim3A_1846 = vector.broadcast %broadcast_in_dim3A_1845 : f32 to vector<16xf32>
      %broadcast_in_dim3A_1847 = arith.constant 0.000000e+00 : f32
      %broadcast_in_dim3A_1848 = vector.broadcast %broadcast_in_dim3A_1847 : f32 to vector<16xf32>
      %mul3A_1849 = arith.constant 16 : i32
      %mul3A_1850 = arith.muli %scan3A_42, %mul3A_1849 : i32
      %add3A_1851 = arith.constant 10 : i32
      %add3A_1852 = arith.addi %mul3A_1850, %add3A_1851 : i32
      %get3A_1853 = arith.index_cast %add3A_1852 : i32 to index
      %get3A_1854 = arith.constant 0 : index
      %get3A_1855 = tpu.vector_load %arg6[%get3A_1853, %get3A_1854] {strides = array<i32>} : memref<96x256xf32, #tpu.memory_space<vmem>>, vector<16xf32>,
      %sub3A_1856 = arith.subf %get3A_1855, %get3A_5 : vector<16xf32>
      %mul3A_1857 = arith.mulf %sub3A_1856, %sub3A_1856 : vector<16xf32>
      %add3A_1858 = arith.addf %broadcast_in_dim3A_1842, %mul3A_1857 : vector<16xf32>
      %mul3A_1859 = arith.constant 16 : i32
      %mul3A_1860 = arith.muli %scan3A_42, %mul3A_1859 : i32
      %add3A_1861 = arith.constant 10 : i32
      %add3A_1862 = arith.addi %mul3A_1860, %add3A_1861 : i32
      %get3A_1863 = arith.index_cast %add3A_1862 : i32 to index
      %get3A_1864 = arith.constant 16 : index
      %get3A_1865 = tpu.vector_load %arg6[%get3A_1863, %get3A_1864] {strides = array<i32>} : memref<96x256xf32, #tpu.memory_space<vmem>>, vector<16xf32>,
      %sub3A_1866 = arith.subf %get3A_1865, %get3A_7 : vector<16xf32>
      %mul3A_1867 = arith.mulf %sub3A_1866, %sub3A_1866 : vector<16xf32>
      %add3A_1868 = arith.addf %broadcast_in_dim3A_1844, %mul3A_1867 : vector<16xf32>
      %mul3A_1869 = arith.constant 16 : i32
      %mul3A_1870 = arith.muli %scan3A_42, %mul3A_1869 : i32
      %add3A_1871 = arith.constant 10 : i32
      %add3A_1872 = arith.addi %mul3A_1870, %add3A_1871 : i32
      %get3A_1873 = arith.index_cast %add3A_1872 : i32 to index
      %get3A_1874 = arith.constant 32 : index
      %get3A_1875 = tpu.vector_load %arg6[%get3A_1873, %get3A_1874] {strides = array<i32>} : memref<96x256xf32, #tpu.memory_space<vmem>>, vector<16xf32>,
      %sub3A_1876 = arith.subf %get3A_1875, %get3A_9 : vector<16xf32>
      %mul3A_1877 = arith.mulf %sub3A_1876, %sub3A_1876 : vector<16xf32>
      %add3A_1878 = arith.addf %broadcast_in_dim3A_1846, %mul3A_1877 : vector<16xf32>
      %mul3A_1879 = arith.constant 16 : i32
      %mul3A_1880 = arith.muli %scan3A_42, %mul3A_1879 : i32
      %add3A_1881 = arith.constant 10 : i32
      %add3A_1882 = arith.addi %mul3A_1880, %add3A_1881 : i32
      %get3A_1883 = arith.index_cast %add3A_1882 : i32 to index
      %get3A_1884 = arith.constant 48 : index
      %get3A_1885 = tpu.vector_load %arg6[%get3A_1883, %get3A_1884] {strides = array<i32>} : memref<96x256xf32, #tpu.memory_space<vmem>>, vector<16xf32>,
      %sub3A_1886 = arith.subf %get3A_1885, %get3A_11 : vector<16xf32>
      %mul3A_1887 = arith.mulf %sub3A_1886, %sub3A_1886 : vector<16xf32>
      %add3A_1888 = arith.addf %broadcast_in_dim3A_1848, %mul3A_1887 : vector<16xf32>
      %mul3A_1889 = arith.constant 16 : i32
      %mul3A_1890 = arith.muli %scan3A_42, %mul3A_1889 : i32
      %add3A_1891 = arith.constant 10 : i32
      %add3A_1892 = arith.addi %mul3A_1890, %add3A_1891 : i32
      %get3A_1893 = arith.index_cast %add3A_1892 : i32 to index
      %get3A_1894 = arith.constant 64 : index
      %get3A_1895 = tpu.vector_load %arg6[%get3A_1893, %get3A_1894] {strides = array<i32>} : memref<96x256xf32, #tpu.memory_space<vmem>>, vector<16xf32>,
      %sub3A_1896 = arith.subf %get3A_1895, %get3A_13 : vector<16xf32>
      %mul3A_1897 = arith.mulf %sub3A_1896, %sub3A_1896 : vector<16xf32>
      %add3A_1898 = arith.addf %add3A_1858, %mul3A_1897 : vector<16xf32>
      %mul3A_1899 = arith.constant 16 : i32
      %mul3A_1900 = arith.muli %scan3A_42, %mul3A_1899 : i32
      %add3A_1901 = arith.constant 10 : i32
      %add3A_1902 = arith.addi %mul3A_1900, %add3A_1901 : i32
      %get3A_1903 = arith.index_cast %add3A_1902 : i32 to index
      %get3A_1904 = arith.constant 80 : index
      %get3A_1905 = tpu.vector_load %arg6[%get3A_1903, %get3A_1904] {strides = array<i32>} : memref<96x256xf32, #tpu.memory_space<vmem>>, vector<16xf32>,
      %sub3A_1906 = arith.subf %get3A_1905, %get3A_15 : vector<16xf32>
      %mul3A_1907 = arith.mulf %sub3A_1906, %sub3A_1906 : vector<16xf32>
      %add3A_1908 = arith.addf %add3A_1868, %mul3A_1907 : vector<16xf32>
      %mul3A_1909 = arith.constant 16 : i32
      %mul3A_1910 = arith.muli %scan3A_42, %mul3A_1909 : i32
      %add3A_1911 = arith.constant 10 : i32
      %add3A_1912 = arith.addi %mul3A_1910, %add3A_1911 : i32
      %get3A_1913 = arith.index_cast %add3A_1912 : i32 to index
      %get3A_1914 = arith.constant 96 : index
      %get3A_1915 = tpu.vector_load %arg6[%get3A_1913, %get3A_1914] {strides = array<i32>} : memref<96x256xf32, #tpu.memory_space<vmem>>, vector<16xf32>,
      %sub3A_1916 = arith.subf %get3A_1915, %get3A_17 : vector<16xf32>
      %mul3A_1917 = arith.mulf %sub3A_1916, %sub3A_1916 : vector<16xf32>
      %add3A_1918 = arith.addf %add3A_1878, %mul3A_1917 : vector<16xf32>
      %mul3A_1919 = arith.constant 16 : i32
      %mul3A_1920 = arith.muli %scan3A_42, %mul3A_1919 : i32
      %add3A_1921 = arith.constant 10 : i32
      %add3A_1922 = arith.addi %mul3A_1920, %add3A_1921 : i32
      %get3A_1923 = arith.index_cast %add3A_1922 : i32 to index
      %get3A_1924 = arith.constant 112 : index
      %get3A_1925 = tpu.vector_load %arg6[%get3A_1923, %get3A_1924] {strides = array<i32>} : memref<96x256xf32, #tpu.memory_space<vmem>>, vector<16xf32>,
      %sub3A_1926 = arith.subf %get3A_1925, %get3A_19 : vector<16xf32>
      %mul3A_1927 = arith.mulf %sub3A_1926, %sub3A_1926 : vector<16xf32>
      %add3A_1928 = arith.addf %add3A_1888, %mul3A_1927 : vector<16xf32>
      %mul3A_1929 = arith.constant 16 : i32
      %mul3A_1930 = arith.muli %scan3A_42, %mul3A_1929 : i32
      %add3A_1931 = arith.constant 10 : i32
      %add3A_1932 = arith.addi %mul3A_1930, %add3A_1931 : i32
      %get3A_1933 = arith.index_cast %add3A_1932 : i32 to index
      %get3A_1934 = arith.constant 128 : index
      %get3A_1935 = tpu.vector_load %arg6[%get3A_1933, %get3A_1934] {strides = array<i32>} : memref<96x256xf32, #tpu.memory_space<vmem>>, vector<16xf32>,
      %sub3A_1936 = arith.subf %get3A_1935, %get3A_21 : vector<16xf32>
      %mul3A_1937 = arith.mulf %sub3A_1936, %sub3A_1936 : vector<16xf32>
      %add3A_1938 = arith.addf %add3A_1898, %mul3A_1937 : vector<16xf32>
      %mul3A_1939 = arith.constant 16 : i32
      %mul3A_1940 = arith.muli %scan3A_42, %mul3A_1939 : i32
      %add3A_1941 = arith.constant 10 : i32
      %add3A_1942 = arith.addi %mul3A_1940, %add3A_1941 : i32
      %get3A_1943 = arith.index_cast %add3A_1942 : i32 to index
      %get3A_1944 = arith.constant 144 : index
      %get3A_1945 = tpu.vector_load %arg6[%get3A_1943, %get3A_1944] {strides = array<i32>} : memref<96x256xf32, #tpu.memory_space<vmem>>, vector<16xf32>,
      %sub3A_1946 = arith.subf %get3A_1945, %get3A_23 : vector<16xf32>
      %mul3A_1947 = arith.mulf %sub3A_1946, %sub3A_1946 : vector<16xf32>
      %add3A_1948 = arith.addf %add3A_1908, %mul3A_1947 : vector<16xf32>
      %mul3A_1949 = arith.constant 16 : i32
      %mul3A_1950 = arith.muli %scan3A_42, %mul3A_1949 : i32
      %add3A_1951 = arith.constant 10 : i32
      %add3A_1952 = arith.addi %mul3A_1950, %add3A_1951 : i32
      %get3A_1953 = arith.index_cast %add3A_1952 : i32 to index
      %get3A_1954 = arith.constant 160 : index
      %get3A_1955 = tpu.vector_load %arg6[%get3A_1953, %get3A_1954] {strides = array<i32>} : memref<96x256xf32, #tpu.memory_space<vmem>>, vector<16xf32>,
      %sub3A_1956 = arith.subf %get3A_1955, %get3A_25 : vector<16xf32>
      %mul3A_1957 = arith.mulf %sub3A_1956, %sub3A_1956 : vector<16xf32>
      %add3A_1958 = arith.addf %add3A_1918, %mul3A_1957 : vector<16xf32>
      %mul3A_1959 = arith.constant 16 : i32
      %mul3A_1960 = arith.muli %scan3A_42, %mul3A_1959 : i32
      %add3A_1961 = arith.constant 10 : i32
      %add3A_1962 = arith.addi %mul3A_1960, %add3A_1961 : i32
      %get3A_1963 = arith.index_cast %add3A_1962 : i32 to index
      %get3A_1964 = arith.constant 176 : index
      %get3A_1965 = tpu.vector_load %arg6[%get3A_1963, %get3A_1964] {strides = array<i32>} : memref<96x256xf32, #tpu.memory_space<vmem>>, vector<16xf32>,
      %sub3A_1966 = arith.subf %get3A_1965, %get3A_27 : vector<16xf32>
      %mul3A_1967 = arith.mulf %sub3A_1966, %sub3A_1966 : vector<16xf32>
      %add3A_1968 = arith.addf %add3A_1928, %mul3A_1967 : vector<16xf32>
      %mul3A_1969 = arith.constant 16 : i32
      %mul3A_1970 = arith.muli %scan3A_42, %mul3A_1969 : i32
      %add3A_1971 = arith.constant 10 : i32
      %add3A_1972 = arith.addi %mul3A_1970, %add3A_1971 : i32
      %get3A_1973 = arith.index_cast %add3A_1972 : i32 to index
      %get3A_1974 = arith.constant 192 : index
      %get3A_1975 = tpu.vector_load %arg6[%get3A_1973, %get3A_1974] {strides = array<i32>} : memref<96x256xf32, #tpu.memory_space<vmem>>, vector<16xf32>,
      %sub3A_1976 = arith.subf %get3A_1975, %get3A_29 : vector<16xf32>
      %mul3A_1977 = arith.mulf %sub3A_1976, %sub3A_1976 : vector<16xf32>
      %add3A_1978 = arith.addf %add3A_1938, %mul3A_1977 : vector<16xf32>
      %mul3A_1979 = arith.constant 16 : i32
      %mul3A_1980 = arith.muli %scan3A_42, %mul3A_1979 : i32
      %add3A_1981 = arith.constant 10 : i32
      %add3A_1982 = arith.addi %mul3A_1980, %add3A_1981 : i32
      %get3A_1983 = arith.index_cast %add3A_1982 : i32 to index
      %get3A_1984 = arith.constant 208 : index
      %get3A_1985 = tpu.vector_load %arg6[%get3A_1983, %get3A_1984] {strides = array<i32>} : memref<96x256xf32, #tpu.memory_space<vmem>>, vector<16xf32>,
      %sub3A_1986 = arith.subf %get3A_1985, %get3A_31 : vector<16xf32>
      %mul3A_1987 = arith.mulf %sub3A_1986, %sub3A_1986 : vector<16xf32>
      %add3A_1988 = arith.addf %add3A_1948, %mul3A_1987 : vector<16xf32>
      %mul3A_1989 = arith.constant 16 : i32
      %mul3A_1990 = arith.muli %scan3A_42, %mul3A_1989 : i32
      %add3A_1991 = arith.constant 10 : i32
      %add3A_1992 = arith.addi %mul3A_1990, %add3A_1991 : i32
      %get3A_1993 = arith.index_cast %add3A_1992 : i32 to index
      %get3A_1994 = arith.constant 224 : index
      %get3A_1995 = tpu.vector_load %arg6[%get3A_1993, %get3A_1994] {strides = array<i32>} : memref<96x256xf32, #tpu.memory_space<vmem>>, vector<16xf32>,
      %sub3A_1996 = arith.subf %get3A_1995, %get3A_33 : vector<16xf32>
      %mul3A_1997 = arith.mulf %sub3A_1996, %sub3A_1996 : vector<16xf32>
      %add3A_1998 = arith.addf %add3A_1958, %mul3A_1997 : vector<16xf32>
      %mul3A_1999 = arith.constant 16 : i32
      %mul3A_2000 = arith.muli %scan3A_42, %mul3A_1999 : i32
      %add3A_2001 = arith.constant 10 : i32
      %add3A_2002 = arith.addi %mul3A_2000, %add3A_2001 : i32
      %get3A_2003 = arith.index_cast %add3A_2002 : i32 to index
      %get3A_2004 = arith.constant 240 : index
      %get3A_2005 = tpu.vector_load %arg6[%get3A_2003, %get3A_2004] {strides = array<i32>} : memref<96x256xf32, #tpu.memory_space<vmem>>, vector<16xf32>,
      %sub3A_2006 = arith.subf %get3A_2005, %get3A_35 : vector<16xf32>
      %mul3A_2007 = arith.mulf %sub3A_2006, %sub3A_2006 : vector<16xf32>
      %add3A_2008 = arith.addf %add3A_1968, %mul3A_2007 : vector<16xf32>
      %add3A_2009 = arith.addf %add3A_1978, %add3A_1988 : vector<16xf32>
      %add3A_2010 = arith.addf %add3A_1998, %add3A_2008 : vector<16xf32>
      %add3A_2011 = arith.addf %add3A_2009, %add3A_2010 : vector<16xf32>
      %reduce_sum3A_2012 = arith.constant true
      %reduce_sum3A_2013 = vector.broadcast %reduce_sum3A_2012 : i1 to vector<16xi1>
      %reduce_sum3A_2014 = tpu.scan <sum>, %add3A_2011 masked %reduce_sum3A_2013 : vector<16xf32>, vector<16xi1> -> vector<16xf32>
      %reduce_sum3A_2015 = vector.extract %reduce_sum3A_2014[15] : f32 from vector<16xf32>
      %eq3A_2016 = arith.constant 10 : i32
      %eq3A_2017 = vector.broadcast %eq3A_2016 : i32 to vector<16xi32>
      %eq3A_2018 = arith.cmpi eq, %iota3A, %eq3A_2017 : vector<16xi32>
      %broadcast_in_dim3A_2019 = vector.broadcast %reduce_sum3A_2015 : f32 to vector<16xf32>
      %select_n3A_2020 = arith.select %eq3A_2018, %broadcast_in_dim3A_2019, %select_n3A_1840 : vector<16xi1>, vector<16xf32>
      %broadcast_in_dim3A_2021 = arith.constant 0.000000e+00 : f32
      %broadcast_in_dim3A_2022 = vector.broadcast %broadcast_in_dim3A_2021 : f32 to vector<16xf32>
      %broadcast_in_dim3A_2023 = arith.constant 0.000000e+00 : f32
      %broadcast_in_dim3A_2024 = vector.broadcast %broadcast_in_dim3A_2023 : f32 to vector<16xf32>
      %broadcast_in_dim3A_2025 = arith.constant 0.000000e+00 : f32
      %broadcast_in_dim3A_2026 = vector.broadcast %broadcast_in_dim3A_2025 : f32 to vector<16xf32>
      %broadcast_in_dim3A_2027 = arith.constant 0.000000e+00 : f32
      %broadcast_in_dim3A_2028 = vector.broadcast %broadcast_in_dim3A_2027 : f32 to vector<16xf32>
      %mul3A_2029 = arith.constant 16 : i32
      %mul3A_2030 = arith.muli %scan3A_42, %mul3A_2029 : i32
      %add3A_2031 = arith.constant 11 : i32
      %add3A_2032 = arith.addi %mul3A_2030, %add3A_2031 : i32
      %get3A_2033 = arith.index_cast %add3A_2032 : i32 to index
      %get3A_2034 = arith.constant 0 : index
      %get3A_2035 = tpu.vector_load %arg6[%get3A_2033, %get3A_2034] {strides = array<i32>} : memref<96x256xf32, #tpu.memory_space<vmem>>, vector<16xf32>,
      %sub3A_2036 = arith.subf %get3A_2035, %get3A_5 : vector<16xf32>
      %mul3A_2037 = arith.mulf %sub3A_2036, %sub3A_2036 : vector<16xf32>
      %add3A_2038 = arith.addf %broadcast_in_dim3A_2022, %mul3A_2037 : vector<16xf32>
      %mul3A_2039 = arith.constant 16 : i32
      %mul3A_2040 = arith.muli %scan3A_42, %mul3A_2039 : i32
      %add3A_2041 = arith.constant 11 : i32
      %add3A_2042 = arith.addi %mul3A_2040, %add3A_2041 : i32
      %get3A_2043 = arith.index_cast %add3A_2042 : i32 to index
      %get3A_2044 = arith.constant 16 : index
      %get3A_2045 = tpu.vector_load %arg6[%get3A_2043, %get3A_2044] {strides = array<i32>} : memref<96x256xf32, #tpu.memory_space<vmem>>, vector<16xf32>,
      %sub3A_2046 = arith.subf %get3A_2045, %get3A_7 : vector<16xf32>
      %mul3A_2047 = arith.mulf %sub3A_2046, %sub3A_2046 : vector<16xf32>
      %add3A_2048 = arith.addf %broadcast_in_dim3A_2024, %mul3A_2047 : vector<16xf32>
      %mul3A_2049 = arith.constant 16 : i32
      %mul3A_2050 = arith.muli %scan3A_42, %mul3A_2049 : i32
      %add3A_2051 = arith.constant 11 : i32
      %add3A_2052 = arith.addi %mul3A_2050, %add3A_2051 : i32
      %get3A_2053 = arith.index_cast %add3A_2052 : i32 to index
      %get3A_2054 = arith.constant 32 : index
      %get3A_2055 = tpu.vector_load %arg6[%get3A_2053, %get3A_2054] {strides = array<i32>} : memref<96x256xf32, #tpu.memory_space<vmem>>, vector<16xf32>,
      %sub3A_2056 = arith.subf %get3A_2055, %get3A_9 : vector<16xf32>
      %mul3A_2057 = arith.mulf %sub3A_2056, %sub3A_2056 : vector<16xf32>
      %add3A_2058 = arith.addf %broadcast_in_dim3A_2026, %mul3A_2057 : vector<16xf32>
      %mul3A_2059 = arith.constant 16 : i32
      %mul3A_2060 = arith.muli %scan3A_42, %mul3A_2059 : i32
      %add3A_2061 = arith.constant 11 : i32
      %add3A_2062 = arith.addi %mul3A_2060, %add3A_2061 : i32
      %get3A_2063 = arith.index_cast %add3A_2062 : i32 to index
      %get3A_2064 = arith.constant 48 : index
      %get3A_2065 = tpu.vector_load %arg6[%get3A_2063, %get3A_2064] {strides = array<i32>} : memref<96x256xf32, #tpu.memory_space<vmem>>, vector<16xf32>,
      %sub3A_2066 = arith.subf %get3A_2065, %get3A_11 : vector<16xf32>
      %mul3A_2067 = arith.mulf %sub3A_2066, %sub3A_2066 : vector<16xf32>
      %add3A_2068 = arith.addf %broadcast_in_dim3A_2028, %mul3A_2067 : vector<16xf32>
      %mul3A_2069 = arith.constant 16 : i32
      %mul3A_2070 = arith.muli %scan3A_42, %mul3A_2069 : i32
      %add3A_2071 = arith.constant 11 : i32
      %add3A_2072 = arith.addi %mul3A_2070, %add3A_2071 : i32
      %get3A_2073 = arith.index_cast %add3A_2072 : i32 to index
      %get3A_2074 = arith.constant 64 : index
      %get3A_2075 = tpu.vector_load %arg6[%get3A_2073, %get3A_2074] {strides = array<i32>} : memref<96x256xf32, #tpu.memory_space<vmem>>, vector<16xf32>,
      %sub3A_2076 = arith.subf %get3A_2075, %get3A_13 : vector<16xf32>
      %mul3A_2077 = arith.mulf %sub3A_2076, %sub3A_2076 : vector<16xf32>
      %add3A_2078 = arith.addf %add3A_2038, %mul3A_2077 : vector<16xf32>
      %mul3A_2079 = arith.constant 16 : i32
      %mul3A_2080 = arith.muli %scan3A_42, %mul3A_2079 : i32
      %add3A_2081 = arith.constant 11 : i32
      %add3A_2082 = arith.addi %mul3A_2080, %add3A_2081 : i32
      %get3A_2083 = arith.index_cast %add3A_2082 : i32 to index
      %get3A_2084 = arith.constant 80 : index
      %get3A_2085 = tpu.vector_load %arg6[%get3A_2083, %get3A_2084] {strides = array<i32>} : memref<96x256xf32, #tpu.memory_space<vmem>>, vector<16xf32>,
      %sub3A_2086 = arith.subf %get3A_2085, %get3A_15 : vector<16xf32>
      %mul3A_2087 = arith.mulf %sub3A_2086, %sub3A_2086 : vector<16xf32>
      %add3A_2088 = arith.addf %add3A_2048, %mul3A_2087 : vector<16xf32>
      %mul3A_2089 = arith.constant 16 : i32
      %mul3A_2090 = arith.muli %scan3A_42, %mul3A_2089 : i32
      %add3A_2091 = arith.constant 11 : i32
      %add3A_2092 = arith.addi %mul3A_2090, %add3A_2091 : i32
      %get3A_2093 = arith.index_cast %add3A_2092 : i32 to index
      %get3A_2094 = arith.constant 96 : index
      %get3A_2095 = tpu.vector_load %arg6[%get3A_2093, %get3A_2094] {strides = array<i32>} : memref<96x256xf32, #tpu.memory_space<vmem>>, vector<16xf32>,
      %sub3A_2096 = arith.subf %get3A_2095, %get3A_17 : vector<16xf32>
      %mul3A_2097 = arith.mulf %sub3A_2096, %sub3A_2096 : vector<16xf32>
      %add3A_2098 = arith.addf %add3A_2058, %mul3A_2097 : vector<16xf32>
      %mul3A_2099 = arith.constant 16 : i32
      %mul3A_2100 = arith.muli %scan3A_42, %mul3A_2099 : i32
      %add3A_2101 = arith.constant 11 : i32
      %add3A_2102 = arith.addi %mul3A_2100, %add3A_2101 : i32
      %get3A_2103 = arith.index_cast %add3A_2102 : i32 to index
      %get3A_2104 = arith.constant 112 : index
      %get3A_2105 = tpu.vector_load %arg6[%get3A_2103, %get3A_2104] {strides = array<i32>} : memref<96x256xf32, #tpu.memory_space<vmem>>, vector<16xf32>,
      %sub3A_2106 = arith.subf %get3A_2105, %get3A_19 : vector<16xf32>
      %mul3A_2107 = arith.mulf %sub3A_2106, %sub3A_2106 : vector<16xf32>
      %add3A_2108 = arith.addf %add3A_2068, %mul3A_2107 : vector<16xf32>
      %mul3A_2109 = arith.constant 16 : i32
      %mul3A_2110 = arith.muli %scan3A_42, %mul3A_2109 : i32
      %add3A_2111 = arith.constant 11 : i32
      %add3A_2112 = arith.addi %mul3A_2110, %add3A_2111 : i32
      %get3A_2113 = arith.index_cast %add3A_2112 : i32 to index
      %get3A_2114 = arith.constant 128 : index
      %get3A_2115 = tpu.vector_load %arg6[%get3A_2113, %get3A_2114] {strides = array<i32>} : memref<96x256xf32, #tpu.memory_space<vmem>>, vector<16xf32>,
      %sub3A_2116 = arith.subf %get3A_2115, %get3A_21 : vector<16xf32>
      %mul3A_2117 = arith.mulf %sub3A_2116, %sub3A_2116 : vector<16xf32>
      %add3A_2118 = arith.addf %add3A_2078, %mul3A_2117 : vector<16xf32>
      %mul3A_2119 = arith.constant 16 : i32
      %mul3A_2120 = arith.muli %scan3A_42, %mul3A_2119 : i32
      %add3A_2121 = arith.constant 11 : i32
      %add3A_2122 = arith.addi %mul3A_2120, %add3A_2121 : i32
      %get3A_2123 = arith.index_cast %add3A_2122 : i32 to index
      %get3A_2124 = arith.constant 144 : index
      %get3A_2125 = tpu.vector_load %arg6[%get3A_2123, %get3A_2124] {strides = array<i32>} : memref<96x256xf32, #tpu.memory_space<vmem>>, vector<16xf32>,
      %sub3A_2126 = arith.subf %get3A_2125, %get3A_23 : vector<16xf32>
      %mul3A_2127 = arith.mulf %sub3A_2126, %sub3A_2126 : vector<16xf32>
      %add3A_2128 = arith.addf %add3A_2088, %mul3A_2127 : vector<16xf32>
      %mul3A_2129 = arith.constant 16 : i32
      %mul3A_2130 = arith.muli %scan3A_42, %mul3A_2129 : i32
      %add3A_2131 = arith.constant 11 : i32
      %add3A_2132 = arith.addi %mul3A_2130, %add3A_2131 : i32
      %get3A_2133 = arith.index_cast %add3A_2132 : i32 to index
      %get3A_2134 = arith.constant 160 : index
      %get3A_2135 = tpu.vector_load %arg6[%get3A_2133, %get3A_2134] {strides = array<i32>} : memref<96x256xf32, #tpu.memory_space<vmem>>, vector<16xf32>,
      %sub3A_2136 = arith.subf %get3A_2135, %get3A_25 : vector<16xf32>
      %mul3A_2137 = arith.mulf %sub3A_2136, %sub3A_2136 : vector<16xf32>
      %add3A_2138 = arith.addf %add3A_2098, %mul3A_2137 : vector<16xf32>
      %mul3A_2139 = arith.constant 16 : i32
      %mul3A_2140 = arith.muli %scan3A_42, %mul3A_2139 : i32
      %add3A_2141 = arith.constant 11 : i32
      %add3A_2142 = arith.addi %mul3A_2140, %add3A_2141 : i32
      %get3A_2143 = arith.index_cast %add3A_2142 : i32 to index
      %get3A_2144 = arith.constant 176 : index
      %get3A_2145 = tpu.vector_load %arg6[%get3A_2143, %get3A_2144] {strides = array<i32>} : memref<96x256xf32, #tpu.memory_space<vmem>>, vector<16xf32>,
      %sub3A_2146 = arith.subf %get3A_2145, %get3A_27 : vector<16xf32>
      %mul3A_2147 = arith.mulf %sub3A_2146, %sub3A_2146 : vector<16xf32>
      %add3A_2148 = arith.addf %add3A_2108, %mul3A_2147 : vector<16xf32>
      %mul3A_2149 = arith.constant 16 : i32
      %mul3A_2150 = arith.muli %scan3A_42, %mul3A_2149 : i32
      %add3A_2151 = arith.constant 11 : i32
      %add3A_2152 = arith.addi %mul3A_2150, %add3A_2151 : i32
      %get3A_2153 = arith.index_cast %add3A_2152 : i32 to index
      %get3A_2154 = arith.constant 192 : index
      %get3A_2155 = tpu.vector_load %arg6[%get3A_2153, %get3A_2154] {strides = array<i32>} : memref<96x256xf32, #tpu.memory_space<vmem>>, vector<16xf32>,
      %sub3A_2156 = arith.subf %get3A_2155, %get3A_29 : vector<16xf32>
      %mul3A_2157 = arith.mulf %sub3A_2156, %sub3A_2156 : vector<16xf32>
      %add3A_2158 = arith.addf %add3A_2118, %mul3A_2157 : vector<16xf32>
      %mul3A_2159 = arith.constant 16 : i32
      %mul3A_2160 = arith.muli %scan3A_42, %mul3A_2159 : i32
      %add3A_2161 = arith.constant 11 : i32
      %add3A_2162 = arith.addi %mul3A_2160, %add3A_2161 : i32
      %get3A_2163 = arith.index_cast %add3A_2162 : i32 to index
      %get3A_2164 = arith.constant 208 : index
      %get3A_2165 = tpu.vector_load %arg6[%get3A_2163, %get3A_2164] {strides = array<i32>} : memref<96x256xf32, #tpu.memory_space<vmem>>, vector<16xf32>,
      %sub3A_2166 = arith.subf %get3A_2165, %get3A_31 : vector<16xf32>
      %mul3A_2167 = arith.mulf %sub3A_2166, %sub3A_2166 : vector<16xf32>
      %add3A_2168 = arith.addf %add3A_2128, %mul3A_2167 : vector<16xf32>
      %mul3A_2169 = arith.constant 16 : i32
      %mul3A_2170 = arith.muli %scan3A_42, %mul3A_2169 : i32
      %add3A_2171 = arith.constant 11 : i32
      %add3A_2172 = arith.addi %mul3A_2170, %add3A_2171 : i32
      %get3A_2173 = arith.index_cast %add3A_2172 : i32 to index
      %get3A_2174 = arith.constant 224 : index
      %get3A_2175 = tpu.vector_load %arg6[%get3A_2173, %get3A_2174] {strides = array<i32>} : memref<96x256xf32, #tpu.memory_space<vmem>>, vector<16xf32>,
      %sub3A_2176 = arith.subf %get3A_2175, %get3A_33 : vector<16xf32>
      %mul3A_2177 = arith.mulf %sub3A_2176, %sub3A_2176 : vector<16xf32>
      %add3A_2178 = arith.addf %add3A_2138, %mul3A_2177 : vector<16xf32>
      %mul3A_2179 = arith.constant 16 : i32
      %mul3A_2180 = arith.muli %scan3A_42, %mul3A_2179 : i32
      %add3A_2181 = arith.constant 11 : i32
      %add3A_2182 = arith.addi %mul3A_2180, %add3A_2181 : i32
      %get3A_2183 = arith.index_cast %add3A_2182 : i32 to index
      %get3A_2184 = arith.constant 240 : index
      %get3A_2185 = tpu.vector_load %arg6[%get3A_2183, %get3A_2184] {strides = array<i32>} : memref<96x256xf32, #tpu.memory_space<vmem>>, vector<16xf32>,
      %sub3A_2186 = arith.subf %get3A_2185, %get3A_35 : vector<16xf32>
      %mul3A_2187 = arith.mulf %sub3A_2186, %sub3A_2186 : vector<16xf32>
      %add3A_2188 = arith.addf %add3A_2148, %mul3A_2187 : vector<16xf32>
      %add3A_2189 = arith.addf %add3A_2158, %add3A_2168 : vector<16xf32>
      %add3A_2190 = arith.addf %add3A_2178, %add3A_2188 : vector<16xf32>
      %add3A_2191 = arith.addf %add3A_2189, %add3A_2190 : vector<16xf32>
      %reduce_sum3A_2192 = arith.constant true
      %reduce_sum3A_2193 = vector.broadcast %reduce_sum3A_2192 : i1 to vector<16xi1>
      %reduce_sum3A_2194 = tpu.scan <sum>, %add3A_2191 masked %reduce_sum3A_2193 : vector<16xf32>, vector<16xi1> -> vector<16xf32>
      %reduce_sum3A_2195 = vector.extract %reduce_sum3A_2194[15] : f32 from vector<16xf32>
      %eq3A_2196 = arith.constant 11 : i32
      %eq3A_2197 = vector.broadcast %eq3A_2196 : i32 to vector<16xi32>
      %eq3A_2198 = arith.cmpi eq, %iota3A, %eq3A_2197 : vector<16xi32>
      %broadcast_in_dim3A_2199 = vector.broadcast %reduce_sum3A_2195 : f32 to vector<16xf32>
      %select_n3A_2200 = arith.select %eq3A_2198, %broadcast_in_dim3A_2199, %select_n3A_2020 : vector<16xi1>, vector<16xf32>
      %broadcast_in_dim3A_2201 = arith.constant 0.000000e+00 : f32
      %broadcast_in_dim3A_2202 = vector.broadcast %broadcast_in_dim3A_2201 : f32 to vector<16xf32>
      %broadcast_in_dim3A_2203 = arith.constant 0.000000e+00 : f32
      %broadcast_in_dim3A_2204 = vector.broadcast %broadcast_in_dim3A_2203 : f32 to vector<16xf32>
      %broadcast_in_dim3A_2205 = arith.constant 0.000000e+00 : f32
      %broadcast_in_dim3A_2206 = vector.broadcast %broadcast_in_dim3A_2205 : f32 to vector<16xf32>
      %broadcast_in_dim3A_2207 = arith.constant 0.000000e+00 : f32
      %broadcast_in_dim3A_2208 = vector.broadcast %broadcast_in_dim3A_2207 : f32 to vector<16xf32>
      %mul3A_2209 = arith.constant 16 : i32
      %mul3A_2210 = arith.muli %scan3A_42, %mul3A_2209 : i32
      %add3A_2211 = arith.constant 12 : i32
      %add3A_2212 = arith.addi %mul3A_2210, %add3A_2211 : i32
      %get3A_2213 = arith.index_cast %add3A_2212 : i32 to index
      %get3A_2214 = arith.constant 0 : index
      %get3A_2215 = tpu.vector_load %arg6[%get3A_2213, %get3A_2214] {strides = array<i32>} : memref<96x256xf32, #tpu.memory_space<vmem>>, vector<16xf32>,
      %sub3A_2216 = arith.subf %get3A_2215, %get3A_5 : vector<16xf32>
      %mul3A_2217 = arith.mulf %sub3A_2216, %sub3A_2216 : vector<16xf32>
      %add3A_2218 = arith.addf %broadcast_in_dim3A_2202, %mul3A_2217 : vector<16xf32>
      %mul3A_2219 = arith.constant 16 : i32
      %mul3A_2220 = arith.muli %scan3A_42, %mul3A_2219 : i32
      %add3A_2221 = arith.constant 12 : i32
      %add3A_2222 = arith.addi %mul3A_2220, %add3A_2221 : i32
      %get3A_2223 = arith.index_cast %add3A_2222 : i32 to index
      %get3A_2224 = arith.constant 16 : index
      %get3A_2225 = tpu.vector_load %arg6[%get3A_2223, %get3A_2224] {strides = array<i32>} : memref<96x256xf32, #tpu.memory_space<vmem>>, vector<16xf32>,
      %sub3A_2226 = arith.subf %get3A_2225, %get3A_7 : vector<16xf32>
      %mul3A_2227 = arith.mulf %sub3A_2226, %sub3A_2226 : vector<16xf32>
      %add3A_2228 = arith.addf %broadcast_in_dim3A_2204, %mul3A_2227 : vector<16xf32>
      %mul3A_2229 = arith.constant 16 : i32
      %mul3A_2230 = arith.muli %scan3A_42, %mul3A_2229 : i32
      %add3A_2231 = arith.constant 12 : i32
      %add3A_2232 = arith.addi %mul3A_2230, %add3A_2231 : i32
      %get3A_2233 = arith.index_cast %add3A_2232 : i32 to index
      %get3A_2234 = arith.constant 32 : index
      %get3A_2235 = tpu.vector_load %arg6[%get3A_2233, %get3A_2234] {strides = array<i32>} : memref<96x256xf32, #tpu.memory_space<vmem>>, vector<16xf32>,
      %sub3A_2236 = arith.subf %get3A_2235, %get3A_9 : vector<16xf32>
      %mul3A_2237 = arith.mulf %sub3A_2236, %sub3A_2236 : vector<16xf32>
      %add3A_2238 = arith.addf %broadcast_in_dim3A_2206, %mul3A_2237 : vector<16xf32>
      %mul3A_2239 = arith.constant 16 : i32
      %mul3A_2240 = arith.muli %scan3A_42, %mul3A_2239 : i32
      %add3A_2241 = arith.constant 12 : i32
      %add3A_2242 = arith.addi %mul3A_2240, %add3A_2241 : i32
      %get3A_2243 = arith.index_cast %add3A_2242 : i32 to index
      %get3A_2244 = arith.constant 48 : index
      %get3A_2245 = tpu.vector_load %arg6[%get3A_2243, %get3A_2244] {strides = array<i32>} : memref<96x256xf32, #tpu.memory_space<vmem>>, vector<16xf32>,
      %sub3A_2246 = arith.subf %get3A_2245, %get3A_11 : vector<16xf32>
      %mul3A_2247 = arith.mulf %sub3A_2246, %sub3A_2246 : vector<16xf32>
      %add3A_2248 = arith.addf %broadcast_in_dim3A_2208, %mul3A_2247 : vector<16xf32>
      %mul3A_2249 = arith.constant 16 : i32
      %mul3A_2250 = arith.muli %scan3A_42, %mul3A_2249 : i32
      %add3A_2251 = arith.constant 12 : i32
      %add3A_2252 = arith.addi %mul3A_2250, %add3A_2251 : i32
      %get3A_2253 = arith.index_cast %add3A_2252 : i32 to index
      %get3A_2254 = arith.constant 64 : index
      %get3A_2255 = tpu.vector_load %arg6[%get3A_2253, %get3A_2254] {strides = array<i32>} : memref<96x256xf32, #tpu.memory_space<vmem>>, vector<16xf32>,
      %sub3A_2256 = arith.subf %get3A_2255, %get3A_13 : vector<16xf32>
      %mul3A_2257 = arith.mulf %sub3A_2256, %sub3A_2256 : vector<16xf32>
      %add3A_2258 = arith.addf %add3A_2218, %mul3A_2257 : vector<16xf32>
      %mul3A_2259 = arith.constant 16 : i32
      %mul3A_2260 = arith.muli %scan3A_42, %mul3A_2259 : i32
      %add3A_2261 = arith.constant 12 : i32
      %add3A_2262 = arith.addi %mul3A_2260, %add3A_2261 : i32
      %get3A_2263 = arith.index_cast %add3A_2262 : i32 to index
      %get3A_2264 = arith.constant 80 : index
      %get3A_2265 = tpu.vector_load %arg6[%get3A_2263, %get3A_2264] {strides = array<i32>} : memref<96x256xf32, #tpu.memory_space<vmem>>, vector<16xf32>,
      %sub3A_2266 = arith.subf %get3A_2265, %get3A_15 : vector<16xf32>
      %mul3A_2267 = arith.mulf %sub3A_2266, %sub3A_2266 : vector<16xf32>
      %add3A_2268 = arith.addf %add3A_2228, %mul3A_2267 : vector<16xf32>
      %mul3A_2269 = arith.constant 16 : i32
      %mul3A_2270 = arith.muli %scan3A_42, %mul3A_2269 : i32
      %add3A_2271 = arith.constant 12 : i32
      %add3A_2272 = arith.addi %mul3A_2270, %add3A_2271 : i32
      %get3A_2273 = arith.index_cast %add3A_2272 : i32 to index
      %get3A_2274 = arith.constant 96 : index
      %get3A_2275 = tpu.vector_load %arg6[%get3A_2273, %get3A_2274] {strides = array<i32>} : memref<96x256xf32, #tpu.memory_space<vmem>>, vector<16xf32>,
      %sub3A_2276 = arith.subf %get3A_2275, %get3A_17 : vector<16xf32>
      %mul3A_2277 = arith.mulf %sub3A_2276, %sub3A_2276 : vector<16xf32>
      %add3A_2278 = arith.addf %add3A_2238, %mul3A_2277 : vector<16xf32>
      %mul3A_2279 = arith.constant 16 : i32
      %mul3A_2280 = arith.muli %scan3A_42, %mul3A_2279 : i32
      %add3A_2281 = arith.constant 12 : i32
      %add3A_2282 = arith.addi %mul3A_2280, %add3A_2281 : i32
      %get3A_2283 = arith.index_cast %add3A_2282 : i32 to index
      %get3A_2284 = arith.constant 112 : index
      %get3A_2285 = tpu.vector_load %arg6[%get3A_2283, %get3A_2284] {strides = array<i32>} : memref<96x256xf32, #tpu.memory_space<vmem>>, vector<16xf32>,
      %sub3A_2286 = arith.subf %get3A_2285, %get3A_19 : vector<16xf32>
      %mul3A_2287 = arith.mulf %sub3A_2286, %sub3A_2286 : vector<16xf32>
      %add3A_2288 = arith.addf %add3A_2248, %mul3A_2287 : vector<16xf32>
      %mul3A_2289 = arith.constant 16 : i32
      %mul3A_2290 = arith.muli %scan3A_42, %mul3A_2289 : i32
      %add3A_2291 = arith.constant 12 : i32
      %add3A_2292 = arith.addi %mul3A_2290, %add3A_2291 : i32
      %get3A_2293 = arith.index_cast %add3A_2292 : i32 to index
      %get3A_2294 = arith.constant 128 : index
      %get3A_2295 = tpu.vector_load %arg6[%get3A_2293, %get3A_2294] {strides = array<i32>} : memref<96x256xf32, #tpu.memory_space<vmem>>, vector<16xf32>,
      %sub3A_2296 = arith.subf %get3A_2295, %get3A_21 : vector<16xf32>
      %mul3A_2297 = arith.mulf %sub3A_2296, %sub3A_2296 : vector<16xf32>
      %add3A_2298 = arith.addf %add3A_2258, %mul3A_2297 : vector<16xf32>
      %mul3A_2299 = arith.constant 16 : i32
      %mul3A_2300 = arith.muli %scan3A_42, %mul3A_2299 : i32
      %add3A_2301 = arith.constant 12 : i32
      %add3A_2302 = arith.addi %mul3A_2300, %add3A_2301 : i32
      %get3A_2303 = arith.index_cast %add3A_2302 : i32 to index
      %get3A_2304 = arith.constant 144 : index
      %get3A_2305 = tpu.vector_load %arg6[%get3A_2303, %get3A_2304] {strides = array<i32>} : memref<96x256xf32, #tpu.memory_space<vmem>>, vector<16xf32>,
      %sub3A_2306 = arith.subf %get3A_2305, %get3A_23 : vector<16xf32>
      %mul3A_2307 = arith.mulf %sub3A_2306, %sub3A_2306 : vector<16xf32>
      %add3A_2308 = arith.addf %add3A_2268, %mul3A_2307 : vector<16xf32>
      %mul3A_2309 = arith.constant 16 : i32
      %mul3A_2310 = arith.muli %scan3A_42, %mul3A_2309 : i32
      %add3A_2311 = arith.constant 12 : i32
      %add3A_2312 = arith.addi %mul3A_2310, %add3A_2311 : i32
      %get3A_2313 = arith.index_cast %add3A_2312 : i32 to index
      %get3A_2314 = arith.constant 160 : index
      %get3A_2315 = tpu.vector_load %arg6[%get3A_2313, %get3A_2314] {strides = array<i32>} : memref<96x256xf32, #tpu.memory_space<vmem>>, vector<16xf32>,
      %sub3A_2316 = arith.subf %get3A_2315, %get3A_25 : vector<16xf32>
      %mul3A_2317 = arith.mulf %sub3A_2316, %sub3A_2316 : vector<16xf32>
      %add3A_2318 = arith.addf %add3A_2278, %mul3A_2317 : vector<16xf32>
      %mul3A_2319 = arith.constant 16 : i32
      %mul3A_2320 = arith.muli %scan3A_42, %mul3A_2319 : i32
      %add3A_2321 = arith.constant 12 : i32
      %add3A_2322 = arith.addi %mul3A_2320, %add3A_2321 : i32
      %get3A_2323 = arith.index_cast %add3A_2322 : i32 to index
      %get3A_2324 = arith.constant 176 : index
      %get3A_2325 = tpu.vector_load %arg6[%get3A_2323, %get3A_2324] {strides = array<i32>} : memref<96x256xf32, #tpu.memory_space<vmem>>, vector<16xf32>,
      %sub3A_2326 = arith.subf %get3A_2325, %get3A_27 : vector<16xf32>
      %mul3A_2327 = arith.mulf %sub3A_2326, %sub3A_2326 : vector<16xf32>
      %add3A_2328 = arith.addf %add3A_2288, %mul3A_2327 : vector<16xf32>
      %mul3A_2329 = arith.constant 16 : i32
      %mul3A_2330 = arith.muli %scan3A_42, %mul3A_2329 : i32
      %add3A_2331 = arith.constant 12 : i32
      %add3A_2332 = arith.addi %mul3A_2330, %add3A_2331 : i32
      %get3A_2333 = arith.index_cast %add3A_2332 : i32 to index
      %get3A_2334 = arith.constant 192 : index
      %get3A_2335 = tpu.vector_load %arg6[%get3A_2333, %get3A_2334] {strides = array<i32>} : memref<96x256xf32, #tpu.memory_space<vmem>>, vector<16xf32>,
      %sub3A_2336 = arith.subf %get3A_2335, %get3A_29 : vector<16xf32>
      %mul3A_2337 = arith.mulf %sub3A_2336, %sub3A_2336 : vector<16xf32>
      %add3A_2338 = arith.addf %add3A_2298, %mul3A_2337 : vector<16xf32>
      %mul3A_2339 = arith.constant 16 : i32
      %mul3A_2340 = arith.muli %scan3A_42, %mul3A_2339 : i32
      %add3A_2341 = arith.constant 12 : i32
      %add3A_2342 = arith.addi %mul3A_2340, %add3A_2341 : i32
      %get3A_2343 = arith.index_cast %add3A_2342 : i32 to index
      %get3A_2344 = arith.constant 208 : index
      %get3A_2345 = tpu.vector_load %arg6[%get3A_2343, %get3A_2344] {strides = array<i32>} : memref<96x256xf32, #tpu.memory_space<vmem>>, vector<16xf32>,
      %sub3A_2346 = arith.subf %get3A_2345, %get3A_31 : vector<16xf32>
      %mul3A_2347 = arith.mulf %sub3A_2346, %sub3A_2346 : vector<16xf32>
      %add3A_2348 = arith.addf %add3A_2308, %mul3A_2347 : vector<16xf32>
      %mul3A_2349 = arith.constant 16 : i32
      %mul3A_2350 = arith.muli %scan3A_42, %mul3A_2349 : i32
      %add3A_2351 = arith.constant 12 : i32
      %add3A_2352 = arith.addi %mul3A_2350, %add3A_2351 : i32
      %get3A_2353 = arith.index_cast %add3A_2352 : i32 to index
      %get3A_2354 = arith.constant 224 : index
      %get3A_2355 = tpu.vector_load %arg6[%get3A_2353, %get3A_2354] {strides = array<i32>} : memref<96x256xf32, #tpu.memory_space<vmem>>, vector<16xf32>,
      %sub3A_2356 = arith.subf %get3A_2355, %get3A_33 : vector<16xf32>
      %mul3A_2357 = arith.mulf %sub3A_2356, %sub3A_2356 : vector<16xf32>
      %add3A_2358 = arith.addf %add3A_2318, %mul3A_2357 : vector<16xf32>
      %mul3A_2359 = arith.constant 16 : i32
      %mul3A_2360 = arith.muli %scan3A_42, %mul3A_2359 : i32
      %add3A_2361 = arith.constant 12 : i32
      %add3A_2362 = arith.addi %mul3A_2360, %add3A_2361 : i32
      %get3A_2363 = arith.index_cast %add3A_2362 : i32 to index
      %get3A_2364 = arith.constant 240 : index
      %get3A_2365 = tpu.vector_load %arg6[%get3A_2363, %get3A_2364] {strides = array<i32>} : memref<96x256xf32, #tpu.memory_space<vmem>>, vector<16xf32>,
      %sub3A_2366 = arith.subf %get3A_2365, %get3A_35 : vector<16xf32>
      %mul3A_2367 = arith.mulf %sub3A_2366, %sub3A_2366 : vector<16xf32>
      %add3A_2368 = arith.addf %add3A_2328, %mul3A_2367 : vector<16xf32>
      %add3A_2369 = arith.addf %add3A_2338, %add3A_2348 : vector<16xf32>
      %add3A_2370 = arith.addf %add3A_2358, %add3A_2368 : vector<16xf32>
      %add3A_2371 = arith.addf %add3A_2369, %add3A_2370 : vector<16xf32>
      %reduce_sum3A_2372 = arith.constant true
      %reduce_sum3A_2373 = vector.broadcast %reduce_sum3A_2372 : i1 to vector<16xi1>
      %reduce_sum3A_2374 = tpu.scan <sum>, %add3A_2371 masked %reduce_sum3A_2373 : vector<16xf32>, vector<16xi1> -> vector<16xf32>
      %reduce_sum3A_2375 = vector.extract %reduce_sum3A_2374[15] : f32 from vector<16xf32>
      %eq3A_2376 = arith.constant 12 : i32
      %eq3A_2377 = vector.broadcast %eq3A_2376 : i32 to vector<16xi32>
      %eq3A_2378 = arith.cmpi eq, %iota3A, %eq3A_2377 : vector<16xi32>
      %broadcast_in_dim3A_2379 = vector.broadcast %reduce_sum3A_2375 : f32 to vector<16xf32>
      %select_n3A_2380 = arith.select %eq3A_2378, %broadcast_in_dim3A_2379, %select_n3A_2200 : vector<16xi1>, vector<16xf32>
      %broadcast_in_dim3A_2381 = arith.constant 0.000000e+00 : f32
      %broadcast_in_dim3A_2382 = vector.broadcast %broadcast_in_dim3A_2381 : f32 to vector<16xf32>
      %broadcast_in_dim3A_2383 = arith.constant 0.000000e+00 : f32
      %broadcast_in_dim3A_2384 = vector.broadcast %broadcast_in_dim3A_2383 : f32 to vector<16xf32>
      %broadcast_in_dim3A_2385 = arith.constant 0.000000e+00 : f32
      %broadcast_in_dim3A_2386 = vector.broadcast %broadcast_in_dim3A_2385 : f32 to vector<16xf32>
      %broadcast_in_dim3A_2387 = arith.constant 0.000000e+00 : f32
      %broadcast_in_dim3A_2388 = vector.broadcast %broadcast_in_dim3A_2387 : f32 to vector<16xf32>
      %mul3A_2389 = arith.constant 16 : i32
      %mul3A_2390 = arith.muli %scan3A_42, %mul3A_2389 : i32
      %add3A_2391 = arith.constant 13 : i32
      %add3A_2392 = arith.addi %mul3A_2390, %add3A_2391 : i32
      %get3A_2393 = arith.index_cast %add3A_2392 : i32 to index
      %get3A_2394 = arith.constant 0 : index
      %get3A_2395 = tpu.vector_load %arg6[%get3A_2393, %get3A_2394] {strides = array<i32>} : memref<96x256xf32, #tpu.memory_space<vmem>>, vector<16xf32>,
      %sub3A_2396 = arith.subf %get3A_2395, %get3A_5 : vector<16xf32>
      %mul3A_2397 = arith.mulf %sub3A_2396, %sub3A_2396 : vector<16xf32>
      %add3A_2398 = arith.addf %broadcast_in_dim3A_2382, %mul3A_2397 : vector<16xf32>
      %mul3A_2399 = arith.constant 16 : i32
      %mul3A_2400 = arith.muli %scan3A_42, %mul3A_2399 : i32
      %add3A_2401 = arith.constant 13 : i32
      %add3A_2402 = arith.addi %mul3A_2400, %add3A_2401 : i32
      %get3A_2403 = arith.index_cast %add3A_2402 : i32 to index
      %get3A_2404 = arith.constant 16 : index
      %get3A_2405 = tpu.vector_load %arg6[%get3A_2403, %get3A_2404] {strides = array<i32>} : memref<96x256xf32, #tpu.memory_space<vmem>>, vector<16xf32>,
      %sub3A_2406 = arith.subf %get3A_2405, %get3A_7 : vector<16xf32>
      %mul3A_2407 = arith.mulf %sub3A_2406, %sub3A_2406 : vector<16xf32>
      %add3A_2408 = arith.addf %broadcast_in_dim3A_2384, %mul3A_2407 : vector<16xf32>
      %mul3A_2409 = arith.constant 16 : i32
      %mul3A_2410 = arith.muli %scan3A_42, %mul3A_2409 : i32
      %add3A_2411 = arith.constant 13 : i32
      %add3A_2412 = arith.addi %mul3A_2410, %add3A_2411 : i32
      %get3A_2413 = arith.index_cast %add3A_2412 : i32 to index
      %get3A_2414 = arith.constant 32 : index
      %get3A_2415 = tpu.vector_load %arg6[%get3A_2413, %get3A_2414] {strides = array<i32>} : memref<96x256xf32, #tpu.memory_space<vmem>>, vector<16xf32>,
      %sub3A_2416 = arith.subf %get3A_2415, %get3A_9 : vector<16xf32>
      %mul3A_2417 = arith.mulf %sub3A_2416, %sub3A_2416 : vector<16xf32>
      %add3A_2418 = arith.addf %broadcast_in_dim3A_2386, %mul3A_2417 : vector<16xf32>
      %mul3A_2419 = arith.constant 16 : i32
      %mul3A_2420 = arith.muli %scan3A_42, %mul3A_2419 : i32
      %add3A_2421 = arith.constant 13 : i32
      %add3A_2422 = arith.addi %mul3A_2420, %add3A_2421 : i32
      %get3A_2423 = arith.index_cast %add3A_2422 : i32 to index
      %get3A_2424 = arith.constant 48 : index
      %get3A_2425 = tpu.vector_load %arg6[%get3A_2423, %get3A_2424] {strides = array<i32>} : memref<96x256xf32, #tpu.memory_space<vmem>>, vector<16xf32>,
      %sub3A_2426 = arith.subf %get3A_2425, %get3A_11 : vector<16xf32>
      %mul3A_2427 = arith.mulf %sub3A_2426, %sub3A_2426 : vector<16xf32>
      %add3A_2428 = arith.addf %broadcast_in_dim3A_2388, %mul3A_2427 : vector<16xf32>
      %mul3A_2429 = arith.constant 16 : i32
      %mul3A_2430 = arith.muli %scan3A_42, %mul3A_2429 : i32
      %add3A_2431 = arith.constant 13 : i32
      %add3A_2432 = arith.addi %mul3A_2430, %add3A_2431 : i32
      %get3A_2433 = arith.index_cast %add3A_2432 : i32 to index
      %get3A_2434 = arith.constant 64 : index
      %get3A_2435 = tpu.vector_load %arg6[%get3A_2433, %get3A_2434] {strides = array<i32>} : memref<96x256xf32, #tpu.memory_space<vmem>>, vector<16xf32>,
      %sub3A_2436 = arith.subf %get3A_2435, %get3A_13 : vector<16xf32>
      %mul3A_2437 = arith.mulf %sub3A_2436, %sub3A_2436 : vector<16xf32>
      %add3A_2438 = arith.addf %add3A_2398, %mul3A_2437 : vector<16xf32>
      %mul3A_2439 = arith.constant 16 : i32
      %mul3A_2440 = arith.muli %scan3A_42, %mul3A_2439 : i32
      %add3A_2441 = arith.constant 13 : i32
      %add3A_2442 = arith.addi %mul3A_2440, %add3A_2441 : i32
      %get3A_2443 = arith.index_cast %add3A_2442 : i32 to index
      %get3A_2444 = arith.constant 80 : index
      %get3A_2445 = tpu.vector_load %arg6[%get3A_2443, %get3A_2444] {strides = array<i32>} : memref<96x256xf32, #tpu.memory_space<vmem>>, vector<16xf32>,
      %sub3A_2446 = arith.subf %get3A_2445, %get3A_15 : vector<16xf32>
      %mul3A_2447 = arith.mulf %sub3A_2446, %sub3A_2446 : vector<16xf32>
      %add3A_2448 = arith.addf %add3A_2408, %mul3A_2447 : vector<16xf32>
      %mul3A_2449 = arith.constant 16 : i32
      %mul3A_2450 = arith.muli %scan3A_42, %mul3A_2449 : i32
      %add3A_2451 = arith.constant 13 : i32
      %add3A_2452 = arith.addi %mul3A_2450, %add3A_2451 : i32
      %get3A_2453 = arith.index_cast %add3A_2452 : i32 to index
      %get3A_2454 = arith.constant 96 : index
      %get3A_2455 = tpu.vector_load %arg6[%get3A_2453, %get3A_2454] {strides = array<i32>} : memref<96x256xf32, #tpu.memory_space<vmem>>, vector<16xf32>,
      %sub3A_2456 = arith.subf %get3A_2455, %get3A_17 : vector<16xf32>
      %mul3A_2457 = arith.mulf %sub3A_2456, %sub3A_2456 : vector<16xf32>
      %add3A_2458 = arith.addf %add3A_2418, %mul3A_2457 : vector<16xf32>
      %mul3A_2459 = arith.constant 16 : i32
      %mul3A_2460 = arith.muli %scan3A_42, %mul3A_2459 : i32
      %add3A_2461 = arith.constant 13 : i32
      %add3A_2462 = arith.addi %mul3A_2460, %add3A_2461 : i32
      %get3A_2463 = arith.index_cast %add3A_2462 : i32 to index
      %get3A_2464 = arith.constant 112 : index
      %get3A_2465 = tpu.vector_load %arg6[%get3A_2463, %get3A_2464] {strides = array<i32>} : memref<96x256xf32, #tpu.memory_space<vmem>>, vector<16xf32>,
      %sub3A_2466 = arith.subf %get3A_2465, %get3A_19 : vector<16xf32>
      %mul3A_2467 = arith.mulf %sub3A_2466, %sub3A_2466 : vector<16xf32>
      %add3A_2468 = arith.addf %add3A_2428, %mul3A_2467 : vector<16xf32>
      %mul3A_2469 = arith.constant 16 : i32
      %mul3A_2470 = arith.muli %scan3A_42, %mul3A_2469 : i32
      %add3A_2471 = arith.constant 13 : i32
      %add3A_2472 = arith.addi %mul3A_2470, %add3A_2471 : i32
      %get3A_2473 = arith.index_cast %add3A_2472 : i32 to index
      %get3A_2474 = arith.constant 128 : index
      %get3A_2475 = tpu.vector_load %arg6[%get3A_2473, %get3A_2474] {strides = array<i32>} : memref<96x256xf32, #tpu.memory_space<vmem>>, vector<16xf32>,
      %sub3A_2476 = arith.subf %get3A_2475, %get3A_21 : vector<16xf32>
      %mul3A_2477 = arith.mulf %sub3A_2476, %sub3A_2476 : vector<16xf32>
      %add3A_2478 = arith.addf %add3A_2438, %mul3A_2477 : vector<16xf32>
      %mul3A_2479 = arith.constant 16 : i32
      %mul3A_2480 = arith.muli %scan3A_42, %mul3A_2479 : i32
      %add3A_2481 = arith.constant 13 : i32
      %add3A_2482 = arith.addi %mul3A_2480, %add3A_2481 : i32
      %get3A_2483 = arith.index_cast %add3A_2482 : i32 to index
      %get3A_2484 = arith.constant 144 : index
      %get3A_2485 = tpu.vector_load %arg6[%get3A_2483, %get3A_2484] {strides = array<i32>} : memref<96x256xf32, #tpu.memory_space<vmem>>, vector<16xf32>,
      %sub3A_2486 = arith.subf %get3A_2485, %get3A_23 : vector<16xf32>
      %mul3A_2487 = arith.mulf %sub3A_2486, %sub3A_2486 : vector<16xf32>
      %add3A_2488 = arith.addf %add3A_2448, %mul3A_2487 : vector<16xf32>
      %mul3A_2489 = arith.constant 16 : i32
      %mul3A_2490 = arith.muli %scan3A_42, %mul3A_2489 : i32
      %add3A_2491 = arith.constant 13 : i32
      %add3A_2492 = arith.addi %mul3A_2490, %add3A_2491 : i32
      %get3A_2493 = arith.index_cast %add3A_2492 : i32 to index
      %get3A_2494 = arith.constant 160 : index
      %get3A_2495 = tpu.vector_load %arg6[%get3A_2493, %get3A_2494] {strides = array<i32>} : memref<96x256xf32, #tpu.memory_space<vmem>>, vector<16xf32>,
      %sub3A_2496 = arith.subf %get3A_2495, %get3A_25 : vector<16xf32>
      %mul3A_2497 = arith.mulf %sub3A_2496, %sub3A_2496 : vector<16xf32>
      %add3A_2498 = arith.addf %add3A_2458, %mul3A_2497 : vector<16xf32>
      %mul3A_2499 = arith.constant 16 : i32
      %mul3A_2500 = arith.muli %scan3A_42, %mul3A_2499 : i32
      %add3A_2501 = arith.constant 13 : i32
      %add3A_2502 = arith.addi %mul3A_2500, %add3A_2501 : i32
      %get3A_2503 = arith.index_cast %add3A_2502 : i32 to index
      %get3A_2504 = arith.constant 176 : index
      %get3A_2505 = tpu.vector_load %arg6[%get3A_2503, %get3A_2504] {strides = array<i32>} : memref<96x256xf32, #tpu.memory_space<vmem>>, vector<16xf32>,
      %sub3A_2506 = arith.subf %get3A_2505, %get3A_27 : vector<16xf32>
      %mul3A_2507 = arith.mulf %sub3A_2506, %sub3A_2506 : vector<16xf32>
      %add3A_2508 = arith.addf %add3A_2468, %mul3A_2507 : vector<16xf32>
      %mul3A_2509 = arith.constant 16 : i32
      %mul3A_2510 = arith.muli %scan3A_42, %mul3A_2509 : i32
      %add3A_2511 = arith.constant 13 : i32
      %add3A_2512 = arith.addi %mul3A_2510, %add3A_2511 : i32
      %get3A_2513 = arith.index_cast %add3A_2512 : i32 to index
      %get3A_2514 = arith.constant 192 : index
      %get3A_2515 = tpu.vector_load %arg6[%get3A_2513, %get3A_2514] {strides = array<i32>} : memref<96x256xf32, #tpu.memory_space<vmem>>, vector<16xf32>,
      %sub3A_2516 = arith.subf %get3A_2515, %get3A_29 : vector<16xf32>
      %mul3A_2517 = arith.mulf %sub3A_2516, %sub3A_2516 : vector<16xf32>
      %add3A_2518 = arith.addf %add3A_2478, %mul3A_2517 : vector<16xf32>
      %mul3A_2519 = arith.constant 16 : i32
      %mul3A_2520 = arith.muli %scan3A_42, %mul3A_2519 : i32
      %add3A_2521 = arith.constant 13 : i32
      %add3A_2522 = arith.addi %mul3A_2520, %add3A_2521 : i32
      %get3A_2523 = arith.index_cast %add3A_2522 : i32 to index
      %get3A_2524 = arith.constant 208 : index
      %get3A_2525 = tpu.vector_load %arg6[%get3A_2523, %get3A_2524] {strides = array<i32>} : memref<96x256xf32, #tpu.memory_space<vmem>>, vector<16xf32>,
      %sub3A_2526 = arith.subf %get3A_2525, %get3A_31 : vector<16xf32>
      %mul3A_2527 = arith.mulf %sub3A_2526, %sub3A_2526 : vector<16xf32>
      %add3A_2528 = arith.addf %add3A_2488, %mul3A_2527 : vector<16xf32>
      %mul3A_2529 = arith.constant 16 : i32
      %mul3A_2530 = arith.muli %scan3A_42, %mul3A_2529 : i32
      %add3A_2531 = arith.constant 13 : i32
      %add3A_2532 = arith.addi %mul3A_2530, %add3A_2531 : i32
      %get3A_2533 = arith.index_cast %add3A_2532 : i32 to index
      %get3A_2534 = arith.constant 224 : index
      %get3A_2535 = tpu.vector_load %arg6[%get3A_2533, %get3A_2534] {strides = array<i32>} : memref<96x256xf32, #tpu.memory_space<vmem>>, vector<16xf32>,
      %sub3A_2536 = arith.subf %get3A_2535, %get3A_33 : vector<16xf32>
      %mul3A_2537 = arith.mulf %sub3A_2536, %sub3A_2536 : vector<16xf32>
      %add3A_2538 = arith.addf %add3A_2498, %mul3A_2537 : vector<16xf32>
      %mul3A_2539 = arith.constant 16 : i32
      %mul3A_2540 = arith.muli %scan3A_42, %mul3A_2539 : i32
      %add3A_2541 = arith.constant 13 : i32
      %add3A_2542 = arith.addi %mul3A_2540, %add3A_2541 : i32
      %get3A_2543 = arith.index_cast %add3A_2542 : i32 to index
      %get3A_2544 = arith.constant 240 : index
      %get3A_2545 = tpu.vector_load %arg6[%get3A_2543, %get3A_2544] {strides = array<i32>} : memref<96x256xf32, #tpu.memory_space<vmem>>, vector<16xf32>,
      %sub3A_2546 = arith.subf %get3A_2545, %get3A_35 : vector<16xf32>
      %mul3A_2547 = arith.mulf %sub3A_2546, %sub3A_2546 : vector<16xf32>
      %add3A_2548 = arith.addf %add3A_2508, %mul3A_2547 : vector<16xf32>
      %add3A_2549 = arith.addf %add3A_2518, %add3A_2528 : vector<16xf32>
      %add3A_2550 = arith.addf %add3A_2538, %add3A_2548 : vector<16xf32>
      %add3A_2551 = arith.addf %add3A_2549, %add3A_2550 : vector<16xf32>
      %reduce_sum3A_2552 = arith.constant true
      %reduce_sum3A_2553 = vector.broadcast %reduce_sum3A_2552 : i1 to vector<16xi1>
      %reduce_sum3A_2554 = tpu.scan <sum>, %add3A_2551 masked %reduce_sum3A_2553 : vector<16xf32>, vector<16xi1> -> vector<16xf32>
      %reduce_sum3A_2555 = vector.extract %reduce_sum3A_2554[15] : f32 from vector<16xf32>
      %eq3A_2556 = arith.constant 13 : i32
      %eq3A_2557 = vector.broadcast %eq3A_2556 : i32 to vector<16xi32>
      %eq3A_2558 = arith.cmpi eq, %iota3A, %eq3A_2557 : vector<16xi32>
      %broadcast_in_dim3A_2559 = vector.broadcast %reduce_sum3A_2555 : f32 to vector<16xf32>
      %select_n3A_2560 = arith.select %eq3A_2558, %broadcast_in_dim3A_2559, %select_n3A_2380 : vector<16xi1>, vector<16xf32>
      %broadcast_in_dim3A_2561 = arith.constant 0.000000e+00 : f32
      %broadcast_in_dim3A_2562 = vector.broadcast %broadcast_in_dim3A_2561 : f32 to vector<16xf32>
      %broadcast_in_dim3A_2563 = arith.constant 0.000000e+00 : f32
      %broadcast_in_dim3A_2564 = vector.broadcast %broadcast_in_dim3A_2563 : f32 to vector<16xf32>
      %broadcast_in_dim3A_2565 = arith.constant 0.000000e+00 : f32
      %broadcast_in_dim3A_2566 = vector.broadcast %broadcast_in_dim3A_2565 : f32 to vector<16xf32>
      %broadcast_in_dim3A_2567 = arith.constant 0.000000e+00 : f32
      %broadcast_in_dim3A_2568 = vector.broadcast %broadcast_in_dim3A_2567 : f32 to vector<16xf32>
      %mul3A_2569 = arith.constant 16 : i32
      %mul3A_2570 = arith.muli %scan3A_42, %mul3A_2569 : i32
      %add3A_2571 = arith.constant 14 : i32
      %add3A_2572 = arith.addi %mul3A_2570, %add3A_2571 : i32
      %get3A_2573 = arith.index_cast %add3A_2572 : i32 to index
      %get3A_2574 = arith.constant 0 : index
      %get3A_2575 = tpu.vector_load %arg6[%get3A_2573, %get3A_2574] {strides = array<i32>} : memref<96x256xf32, #tpu.memory_space<vmem>>, vector<16xf32>,
      %sub3A_2576 = arith.subf %get3A_2575, %get3A_5 : vector<16xf32>
      %mul3A_2577 = arith.mulf %sub3A_2576, %sub3A_2576 : vector<16xf32>
      %add3A_2578 = arith.addf %broadcast_in_dim3A_2562, %mul3A_2577 : vector<16xf32>
      %mul3A_2579 = arith.constant 16 : i32
      %mul3A_2580 = arith.muli %scan3A_42, %mul3A_2579 : i32
      %add3A_2581 = arith.constant 14 : i32
      %add3A_2582 = arith.addi %mul3A_2580, %add3A_2581 : i32
      %get3A_2583 = arith.index_cast %add3A_2582 : i32 to index
      %get3A_2584 = arith.constant 16 : index
      %get3A_2585 = tpu.vector_load %arg6[%get3A_2583, %get3A_2584] {strides = array<i32>} : memref<96x256xf32, #tpu.memory_space<vmem>>, vector<16xf32>,
      %sub3A_2586 = arith.subf %get3A_2585, %get3A_7 : vector<16xf32>
      %mul3A_2587 = arith.mulf %sub3A_2586, %sub3A_2586 : vector<16xf32>
      %add3A_2588 = arith.addf %broadcast_in_dim3A_2564, %mul3A_2587 : vector<16xf32>
      %mul3A_2589 = arith.constant 16 : i32
      %mul3A_2590 = arith.muli %scan3A_42, %mul3A_2589 : i32
      %add3A_2591 = arith.constant 14 : i32
      %add3A_2592 = arith.addi %mul3A_2590, %add3A_2591 : i32
      %get3A_2593 = arith.index_cast %add3A_2592 : i32 to index
      %get3A_2594 = arith.constant 32 : index
      %get3A_2595 = tpu.vector_load %arg6[%get3A_2593, %get3A_2594] {strides = array<i32>} : memref<96x256xf32, #tpu.memory_space<vmem>>, vector<16xf32>,
      %sub3A_2596 = arith.subf %get3A_2595, %get3A_9 : vector<16xf32>
      %mul3A_2597 = arith.mulf %sub3A_2596, %sub3A_2596 : vector<16xf32>
      %add3A_2598 = arith.addf %broadcast_in_dim3A_2566, %mul3A_2597 : vector<16xf32>
      %mul3A_2599 = arith.constant 16 : i32
      %mul3A_2600 = arith.muli %scan3A_42, %mul3A_2599 : i32
      %add3A_2601 = arith.constant 14 : i32
      %add3A_2602 = arith.addi %mul3A_2600, %add3A_2601 : i32
      %get3A_2603 = arith.index_cast %add3A_2602 : i32 to index
      %get3A_2604 = arith.constant 48 : index
      %get3A_2605 = tpu.vector_load %arg6[%get3A_2603, %get3A_2604] {strides = array<i32>} : memref<96x256xf32, #tpu.memory_space<vmem>>, vector<16xf32>,
      %sub3A_2606 = arith.subf %get3A_2605, %get3A_11 : vector<16xf32>
      %mul3A_2607 = arith.mulf %sub3A_2606, %sub3A_2606 : vector<16xf32>
      %add3A_2608 = arith.addf %broadcast_in_dim3A_2568, %mul3A_2607 : vector<16xf32>
      %mul3A_2609 = arith.constant 16 : i32
      %mul3A_2610 = arith.muli %scan3A_42, %mul3A_2609 : i32
      %add3A_2611 = arith.constant 14 : i32
      %add3A_2612 = arith.addi %mul3A_2610, %add3A_2611 : i32
      %get3A_2613 = arith.index_cast %add3A_2612 : i32 to index
      %get3A_2614 = arith.constant 64 : index
      %get3A_2615 = tpu.vector_load %arg6[%get3A_2613, %get3A_2614] {strides = array<i32>} : memref<96x256xf32, #tpu.memory_space<vmem>>, vector<16xf32>,
      %sub3A_2616 = arith.subf %get3A_2615, %get3A_13 : vector<16xf32>
      %mul3A_2617 = arith.mulf %sub3A_2616, %sub3A_2616 : vector<16xf32>
      %add3A_2618 = arith.addf %add3A_2578, %mul3A_2617 : vector<16xf32>
      %mul3A_2619 = arith.constant 16 : i32
      %mul3A_2620 = arith.muli %scan3A_42, %mul3A_2619 : i32
      %add3A_2621 = arith.constant 14 : i32
      %add3A_2622 = arith.addi %mul3A_2620, %add3A_2621 : i32
      %get3A_2623 = arith.index_cast %add3A_2622 : i32 to index
      %get3A_2624 = arith.constant 80 : index
      %get3A_2625 = tpu.vector_load %arg6[%get3A_2623, %get3A_2624] {strides = array<i32>} : memref<96x256xf32, #tpu.memory_space<vmem>>, vector<16xf32>,
      %sub3A_2626 = arith.subf %get3A_2625, %get3A_15 : vector<16xf32>
      %mul3A_2627 = arith.mulf %sub3A_2626, %sub3A_2626 : vector<16xf32>
      %add3A_2628 = arith.addf %add3A_2588, %mul3A_2627 : vector<16xf32>
      %mul3A_2629 = arith.constant 16 : i32
      %mul3A_2630 = arith.muli %scan3A_42, %mul3A_2629 : i32
      %add3A_2631 = arith.constant 14 : i32
      %add3A_2632 = arith.addi %mul3A_2630, %add3A_2631 : i32
      %get3A_2633 = arith.index_cast %add3A_2632 : i32 to index
      %get3A_2634 = arith.constant 96 : index
      %get3A_2635 = tpu.vector_load %arg6[%get3A_2633, %get3A_2634] {strides = array<i32>} : memref<96x256xf32, #tpu.memory_space<vmem>>, vector<16xf32>,
      %sub3A_2636 = arith.subf %get3A_2635, %get3A_17 : vector<16xf32>
      %mul3A_2637 = arith.mulf %sub3A_2636, %sub3A_2636 : vector<16xf32>
      %add3A_2638 = arith.addf %add3A_2598, %mul3A_2637 : vector<16xf32>
      %mul3A_2639 = arith.constant 16 : i32
      %mul3A_2640 = arith.muli %scan3A_42, %mul3A_2639 : i32
      %add3A_2641 = arith.constant 14 : i32
      %add3A_2642 = arith.addi %mul3A_2640, %add3A_2641 : i32
      %get3A_2643 = arith.index_cast %add3A_2642 : i32 to index
      %get3A_2644 = arith.constant 112 : index
      %get3A_2645 = tpu.vector_load %arg6[%get3A_2643, %get3A_2644] {strides = array<i32>} : memref<96x256xf32, #tpu.memory_space<vmem>>, vector<16xf32>,
      %sub3A_2646 = arith.subf %get3A_2645, %get3A_19 : vector<16xf32>
      %mul3A_2647 = arith.mulf %sub3A_2646, %sub3A_2646 : vector<16xf32>
      %add3A_2648 = arith.addf %add3A_2608, %mul3A_2647 : vector<16xf32>
      %mul3A_2649 = arith.constant 16 : i32
      %mul3A_2650 = arith.muli %scan3A_42, %mul3A_2649 : i32
      %add3A_2651 = arith.constant 14 : i32
      %add3A_2652 = arith.addi %mul3A_2650, %add3A_2651 : i32
      %get3A_2653 = arith.index_cast %add3A_2652 : i32 to index
      %get3A_2654 = arith.constant 128 : index
      %get3A_2655 = tpu.vector_load %arg6[%get3A_2653, %get3A_2654] {strides = array<i32>} : memref<96x256xf32, #tpu.memory_space<vmem>>, vector<16xf32>,
      %sub3A_2656 = arith.subf %get3A_2655, %get3A_21 : vector<16xf32>
      %mul3A_2657 = arith.mulf %sub3A_2656, %sub3A_2656 : vector<16xf32>
      %add3A_2658 = arith.addf %add3A_2618, %mul3A_2657 : vector<16xf32>
      %mul3A_2659 = arith.constant 16 : i32
      %mul3A_2660 = arith.muli %scan3A_42, %mul3A_2659 : i32
      %add3A_2661 = arith.constant 14 : i32
      %add3A_2662 = arith.addi %mul3A_2660, %add3A_2661 : i32
      %get3A_2663 = arith.index_cast %add3A_2662 : i32 to index
      %get3A_2664 = arith.constant 144 : index
      %get3A_2665 = tpu.vector_load %arg6[%get3A_2663, %get3A_2664] {strides = array<i32>} : memref<96x256xf32, #tpu.memory_space<vmem>>, vector<16xf32>,
      %sub3A_2666 = arith.subf %get3A_2665, %get3A_23 : vector<16xf32>
      %mul3A_2667 = arith.mulf %sub3A_2666, %sub3A_2666 : vector<16xf32>
      %add3A_2668 = arith.addf %add3A_2628, %mul3A_2667 : vector<16xf32>
      %mul3A_2669 = arith.constant 16 : i32
      %mul3A_2670 = arith.muli %scan3A_42, %mul3A_2669 : i32
      %add3A_2671 = arith.constant 14 : i32
      %add3A_2672 = arith.addi %mul3A_2670, %add3A_2671 : i32
      %get3A_2673 = arith.index_cast %add3A_2672 : i32 to index
      %get3A_2674 = arith.constant 160 : index
      %get3A_2675 = tpu.vector_load %arg6[%get3A_2673, %get3A_2674] {strides = array<i32>} : memref<96x256xf32, #tpu.memory_space<vmem>>, vector<16xf32>,
      %sub3A_2676 = arith.subf %get3A_2675, %get3A_25 : vector<16xf32>
      %mul3A_2677 = arith.mulf %sub3A_2676, %sub3A_2676 : vector<16xf32>
      %add3A_2678 = arith.addf %add3A_2638, %mul3A_2677 : vector<16xf32>
      %mul3A_2679 = arith.constant 16 : i32
      %mul3A_2680 = arith.muli %scan3A_42, %mul3A_2679 : i32
      %add3A_2681 = arith.constant 14 : i32
      %add3A_2682 = arith.addi %mul3A_2680, %add3A_2681 : i32
      %get3A_2683 = arith.index_cast %add3A_2682 : i32 to index
      %get3A_2684 = arith.constant 176 : index
      %get3A_2685 = tpu.vector_load %arg6[%get3A_2683, %get3A_2684] {strides = array<i32>} : memref<96x256xf32, #tpu.memory_space<vmem>>, vector<16xf32>,
      %sub3A_2686 = arith.subf %get3A_2685, %get3A_27 : vector<16xf32>
      %mul3A_2687 = arith.mulf %sub3A_2686, %sub3A_2686 : vector<16xf32>
      %add3A_2688 = arith.addf %add3A_2648, %mul3A_2687 : vector<16xf32>
      %mul3A_2689 = arith.constant 16 : i32
      %mul3A_2690 = arith.muli %scan3A_42, %mul3A_2689 : i32
      %add3A_2691 = arith.constant 14 : i32
      %add3A_2692 = arith.addi %mul3A_2690, %add3A_2691 : i32
      %get3A_2693 = arith.index_cast %add3A_2692 : i32 to index
      %get3A_2694 = arith.constant 192 : index
      %get3A_2695 = tpu.vector_load %arg6[%get3A_2693, %get3A_2694] {strides = array<i32>} : memref<96x256xf32, #tpu.memory_space<vmem>>, vector<16xf32>,
      %sub3A_2696 = arith.subf %get3A_2695, %get3A_29 : vector<16xf32>
      %mul3A_2697 = arith.mulf %sub3A_2696, %sub3A_2696 : vector<16xf32>
      %add3A_2698 = arith.addf %add3A_2658, %mul3A_2697 : vector<16xf32>
      %mul3A_2699 = arith.constant 16 : i32
      %mul3A_2700 = arith.muli %scan3A_42, %mul3A_2699 : i32
      %add3A_2701 = arith.constant 14 : i32
      %add3A_2702 = arith.addi %mul3A_2700, %add3A_2701 : i32
      %get3A_2703 = arith.index_cast %add3A_2702 : i32 to index
      %get3A_2704 = arith.constant 208 : index
      %get3A_2705 = tpu.vector_load %arg6[%get3A_2703, %get3A_2704] {strides = array<i32>} : memref<96x256xf32, #tpu.memory_space<vmem>>, vector<16xf32>,
      %sub3A_2706 = arith.subf %get3A_2705, %get3A_31 : vector<16xf32>
      %mul3A_2707 = arith.mulf %sub3A_2706, %sub3A_2706 : vector<16xf32>
      %add3A_2708 = arith.addf %add3A_2668, %mul3A_2707 : vector<16xf32>
      %mul3A_2709 = arith.constant 16 : i32
      %mul3A_2710 = arith.muli %scan3A_42, %mul3A_2709 : i32
      %add3A_2711 = arith.constant 14 : i32
      %add3A_2712 = arith.addi %mul3A_2710, %add3A_2711 : i32
      %get3A_2713 = arith.index_cast %add3A_2712 : i32 to index
      %get3A_2714 = arith.constant 224 : index
      %get3A_2715 = tpu.vector_load %arg6[%get3A_2713, %get3A_2714] {strides = array<i32>} : memref<96x256xf32, #tpu.memory_space<vmem>>, vector<16xf32>,
      %sub3A_2716 = arith.subf %get3A_2715, %get3A_33 : vector<16xf32>
      %mul3A_2717 = arith.mulf %sub3A_2716, %sub3A_2716 : vector<16xf32>
      %add3A_2718 = arith.addf %add3A_2678, %mul3A_2717 : vector<16xf32>
      %mul3A_2719 = arith.constant 16 : i32
      %mul3A_2720 = arith.muli %scan3A_42, %mul3A_2719 : i32
      %add3A_2721 = arith.constant 14 : i32
      %add3A_2722 = arith.addi %mul3A_2720, %add3A_2721 : i32
      %get3A_2723 = arith.index_cast %add3A_2722 : i32 to index
      %get3A_2724 = arith.constant 240 : index
      %get3A_2725 = tpu.vector_load %arg6[%get3A_2723, %get3A_2724] {strides = array<i32>} : memref<96x256xf32, #tpu.memory_space<vmem>>, vector<16xf32>,
      %sub3A_2726 = arith.subf %get3A_2725, %get3A_35 : vector<16xf32>
      %mul3A_2727 = arith.mulf %sub3A_2726, %sub3A_2726 : vector<16xf32>
      %add3A_2728 = arith.addf %add3A_2688, %mul3A_2727 : vector<16xf32>
      %add3A_2729 = arith.addf %add3A_2698, %add3A_2708 : vector<16xf32>
      %add3A_2730 = arith.addf %add3A_2718, %add3A_2728 : vector<16xf32>
      %add3A_2731 = arith.addf %add3A_2729, %add3A_2730 : vector<16xf32>
      %reduce_sum3A_2732 = arith.constant true
      %reduce_sum3A_2733 = vector.broadcast %reduce_sum3A_2732 : i1 to vector<16xi1>
      %reduce_sum3A_2734 = tpu.scan <sum>, %add3A_2731 masked %reduce_sum3A_2733 : vector<16xf32>, vector<16xi1> -> vector<16xf32>
      %reduce_sum3A_2735 = vector.extract %reduce_sum3A_2734[15] : f32 from vector<16xf32>
      %eq3A_2736 = arith.constant 14 : i32
      %eq3A_2737 = vector.broadcast %eq3A_2736 : i32 to vector<16xi32>
      %eq3A_2738 = arith.cmpi eq, %iota3A, %eq3A_2737 : vector<16xi32>
      %broadcast_in_dim3A_2739 = vector.broadcast %reduce_sum3A_2735 : f32 to vector<16xf32>
      %select_n3A_2740 = arith.select %eq3A_2738, %broadcast_in_dim3A_2739, %select_n3A_2560 : vector<16xi1>, vector<16xf32>
      %broadcast_in_dim3A_2741 = arith.constant 0.000000e+00 : f32
      %broadcast_in_dim3A_2742 = vector.broadcast %broadcast_in_dim3A_2741 : f32 to vector<16xf32>
      %broadcast_in_dim3A_2743 = arith.constant 0.000000e+00 : f32
      %broadcast_in_dim3A_2744 = vector.broadcast %broadcast_in_dim3A_2743 : f32 to vector<16xf32>
      %broadcast_in_dim3A_2745 = arith.constant 0.000000e+00 : f32
      %broadcast_in_dim3A_2746 = vector.broadcast %broadcast_in_dim3A_2745 : f32 to vector<16xf32>
      %broadcast_in_dim3A_2747 = arith.constant 0.000000e+00 : f32
      %broadcast_in_dim3A_2748 = vector.broadcast %broadcast_in_dim3A_2747 : f32 to vector<16xf32>
      %mul3A_2749 = arith.constant 16 : i32
      %mul3A_2750 = arith.muli %scan3A_42, %mul3A_2749 : i32
      %add3A_2751 = arith.constant 15 : i32
      %add3A_2752 = arith.addi %mul3A_2750, %add3A_2751 : i32
      %get3A_2753 = arith.index_cast %add3A_2752 : i32 to index
      %get3A_2754 = arith.constant 0 : index
      %get3A_2755 = tpu.vector_load %arg6[%get3A_2753, %get3A_2754] {strides = array<i32>} : memref<96x256xf32, #tpu.memory_space<vmem>>, vector<16xf32>,
      %sub3A_2756 = arith.subf %get3A_2755, %get3A_5 : vector<16xf32>
      %mul3A_2757 = arith.mulf %sub3A_2756, %sub3A_2756 : vector<16xf32>
      %add3A_2758 = arith.addf %broadcast_in_dim3A_2742, %mul3A_2757 : vector<16xf32>
      %mul3A_2759 = arith.constant 16 : i32
      %mul3A_2760 = arith.muli %scan3A_42, %mul3A_2759 : i32
      %add3A_2761 = arith.constant 15 : i32
      %add3A_2762 = arith.addi %mul3A_2760, %add3A_2761 : i32
      %get3A_2763 = arith.index_cast %add3A_2762 : i32 to index
      %get3A_2764 = arith.constant 16 : index
      %get3A_2765 = tpu.vector_load %arg6[%get3A_2763, %get3A_2764] {strides = array<i32>} : memref<96x256xf32, #tpu.memory_space<vmem>>, vector<16xf32>,
      %sub3A_2766 = arith.subf %get3A_2765, %get3A_7 : vector<16xf32>
      %mul3A_2767 = arith.mulf %sub3A_2766, %sub3A_2766 : vector<16xf32>
      %add3A_2768 = arith.addf %broadcast_in_dim3A_2744, %mul3A_2767 : vector<16xf32>
      %mul3A_2769 = arith.constant 16 : i32
      %mul3A_2770 = arith.muli %scan3A_42, %mul3A_2769 : i32
      %add3A_2771 = arith.constant 15 : i32
      %add3A_2772 = arith.addi %mul3A_2770, %add3A_2771 : i32
      %get3A_2773 = arith.index_cast %add3A_2772 : i32 to index
      %get3A_2774 = arith.constant 32 : index
      %get3A_2775 = tpu.vector_load %arg6[%get3A_2773, %get3A_2774] {strides = array<i32>} : memref<96x256xf32, #tpu.memory_space<vmem>>, vector<16xf32>,
      %sub3A_2776 = arith.subf %get3A_2775, %get3A_9 : vector<16xf32>
      %mul3A_2777 = arith.mulf %sub3A_2776, %sub3A_2776 : vector<16xf32>
      %add3A_2778 = arith.addf %broadcast_in_dim3A_2746, %mul3A_2777 : vector<16xf32>
      %mul3A_2779 = arith.constant 16 : i32
      %mul3A_2780 = arith.muli %scan3A_42, %mul3A_2779 : i32
      %add3A_2781 = arith.constant 15 : i32
      %add3A_2782 = arith.addi %mul3A_2780, %add3A_2781 : i32
      %get3A_2783 = arith.index_cast %add3A_2782 : i32 to index
      %get3A_2784 = arith.constant 48 : index
      %get3A_2785 = tpu.vector_load %arg6[%get3A_2783, %get3A_2784] {strides = array<i32>} : memref<96x256xf32, #tpu.memory_space<vmem>>, vector<16xf32>,
      %sub3A_2786 = arith.subf %get3A_2785, %get3A_11 : vector<16xf32>
      %mul3A_2787 = arith.mulf %sub3A_2786, %sub3A_2786 : vector<16xf32>
      %add3A_2788 = arith.addf %broadcast_in_dim3A_2748, %mul3A_2787 : vector<16xf32>
      %mul3A_2789 = arith.constant 16 : i32
      %mul3A_2790 = arith.muli %scan3A_42, %mul3A_2789 : i32
      %add3A_2791 = arith.constant 15 : i32
      %add3A_2792 = arith.addi %mul3A_2790, %add3A_2791 : i32
      %get3A_2793 = arith.index_cast %add3A_2792 : i32 to index
      %get3A_2794 = arith.constant 64 : index
      %get3A_2795 = tpu.vector_load %arg6[%get3A_2793, %get3A_2794] {strides = array<i32>} : memref<96x256xf32, #tpu.memory_space<vmem>>, vector<16xf32>,
      %sub3A_2796 = arith.subf %get3A_2795, %get3A_13 : vector<16xf32>
      %mul3A_2797 = arith.mulf %sub3A_2796, %sub3A_2796 : vector<16xf32>
      %add3A_2798 = arith.addf %add3A_2758, %mul3A_2797 : vector<16xf32>
      %mul3A_2799 = arith.constant 16 : i32
      %mul3A_2800 = arith.muli %scan3A_42, %mul3A_2799 : i32
      %add3A_2801 = arith.constant 15 : i32
      %add3A_2802 = arith.addi %mul3A_2800, %add3A_2801 : i32
      %get3A_2803 = arith.index_cast %add3A_2802 : i32 to index
      %get3A_2804 = arith.constant 80 : index
      %get3A_2805 = tpu.vector_load %arg6[%get3A_2803, %get3A_2804] {strides = array<i32>} : memref<96x256xf32, #tpu.memory_space<vmem>>, vector<16xf32>,
      %sub3A_2806 = arith.subf %get3A_2805, %get3A_15 : vector<16xf32>
      %mul3A_2807 = arith.mulf %sub3A_2806, %sub3A_2806 : vector<16xf32>
      %add3A_2808 = arith.addf %add3A_2768, %mul3A_2807 : vector<16xf32>
      %mul3A_2809 = arith.constant 16 : i32
      %mul3A_2810 = arith.muli %scan3A_42, %mul3A_2809 : i32
      %add3A_2811 = arith.constant 15 : i32
      %add3A_2812 = arith.addi %mul3A_2810, %add3A_2811 : i32
      %get3A_2813 = arith.index_cast %add3A_2812 : i32 to index
      %get3A_2814 = arith.constant 96 : index
      %get3A_2815 = tpu.vector_load %arg6[%get3A_2813, %get3A_2814] {strides = array<i32>} : memref<96x256xf32, #tpu.memory_space<vmem>>, vector<16xf32>,
      %sub3A_2816 = arith.subf %get3A_2815, %get3A_17 : vector<16xf32>
      %mul3A_2817 = arith.mulf %sub3A_2816, %sub3A_2816 : vector<16xf32>
      %add3A_2818 = arith.addf %add3A_2778, %mul3A_2817 : vector<16xf32>
      %mul3A_2819 = arith.constant 16 : i32
      %mul3A_2820 = arith.muli %scan3A_42, %mul3A_2819 : i32
      %add3A_2821 = arith.constant 15 : i32
      %add3A_2822 = arith.addi %mul3A_2820, %add3A_2821 : i32
      %get3A_2823 = arith.index_cast %add3A_2822 : i32 to index
      %get3A_2824 = arith.constant 112 : index
      %get3A_2825 = tpu.vector_load %arg6[%get3A_2823, %get3A_2824] {strides = array<i32>} : memref<96x256xf32, #tpu.memory_space<vmem>>, vector<16xf32>,
      %sub3A_2826 = arith.subf %get3A_2825, %get3A_19 : vector<16xf32>
      %mul3A_2827 = arith.mulf %sub3A_2826, %sub3A_2826 : vector<16xf32>
      %add3A_2828 = arith.addf %add3A_2788, %mul3A_2827 : vector<16xf32>
      %mul3A_2829 = arith.constant 16 : i32
      %mul3A_2830 = arith.muli %scan3A_42, %mul3A_2829 : i32
      %add3A_2831 = arith.constant 15 : i32
      %add3A_2832 = arith.addi %mul3A_2830, %add3A_2831 : i32
      %get3A_2833 = arith.index_cast %add3A_2832 : i32 to index
      %get3A_2834 = arith.constant 128 : index
      %get3A_2835 = tpu.vector_load %arg6[%get3A_2833, %get3A_2834] {strides = array<i32>} : memref<96x256xf32, #tpu.memory_space<vmem>>, vector<16xf32>,
      %sub3A_2836 = arith.subf %get3A_2835, %get3A_21 : vector<16xf32>
      %mul3A_2837 = arith.mulf %sub3A_2836, %sub3A_2836 : vector<16xf32>
      %add3A_2838 = arith.addf %add3A_2798, %mul3A_2837 : vector<16xf32>
      %mul3A_2839 = arith.constant 16 : i32
      %mul3A_2840 = arith.muli %scan3A_42, %mul3A_2839 : i32
      %add3A_2841 = arith.constant 15 : i32
      %add3A_2842 = arith.addi %mul3A_2840, %add3A_2841 : i32
      %get3A_2843 = arith.index_cast %add3A_2842 : i32 to index
      %get3A_2844 = arith.constant 144 : index
      %get3A_2845 = tpu.vector_load %arg6[%get3A_2843, %get3A_2844] {strides = array<i32>} : memref<96x256xf32, #tpu.memory_space<vmem>>, vector<16xf32>,
      %sub3A_2846 = arith.subf %get3A_2845, %get3A_23 : vector<16xf32>
      %mul3A_2847 = arith.mulf %sub3A_2846, %sub3A_2846 : vector<16xf32>
      %add3A_2848 = arith.addf %add3A_2808, %mul3A_2847 : vector<16xf32>
      %mul3A_2849 = arith.constant 16 : i32
      %mul3A_2850 = arith.muli %scan3A_42, %mul3A_2849 : i32
      %add3A_2851 = arith.constant 15 : i32
      %add3A_2852 = arith.addi %mul3A_2850, %add3A_2851 : i32
      %get3A_2853 = arith.index_cast %add3A_2852 : i32 to index
      %get3A_2854 = arith.constant 160 : index
      %get3A_2855 = tpu.vector_load %arg6[%get3A_2853, %get3A_2854] {strides = array<i32>} : memref<96x256xf32, #tpu.memory_space<vmem>>, vector<16xf32>,
      %sub3A_2856 = arith.subf %get3A_2855, %get3A_25 : vector<16xf32>
      %mul3A_2857 = arith.mulf %sub3A_2856, %sub3A_2856 : vector<16xf32>
      %add3A_2858 = arith.addf %add3A_2818, %mul3A_2857 : vector<16xf32>
      %mul3A_2859 = arith.constant 16 : i32
      %mul3A_2860 = arith.muli %scan3A_42, %mul3A_2859 : i32
      %add3A_2861 = arith.constant 15 : i32
      %add3A_2862 = arith.addi %mul3A_2860, %add3A_2861 : i32
      %get3A_2863 = arith.index_cast %add3A_2862 : i32 to index
      %get3A_2864 = arith.constant 176 : index
      %get3A_2865 = tpu.vector_load %arg6[%get3A_2863, %get3A_2864] {strides = array<i32>} : memref<96x256xf32, #tpu.memory_space<vmem>>, vector<16xf32>,
      %sub3A_2866 = arith.subf %get3A_2865, %get3A_27 : vector<16xf32>
      %mul3A_2867 = arith.mulf %sub3A_2866, %sub3A_2866 : vector<16xf32>
      %add3A_2868 = arith.addf %add3A_2828, %mul3A_2867 : vector<16xf32>
      %mul3A_2869 = arith.constant 16 : i32
      %mul3A_2870 = arith.muli %scan3A_42, %mul3A_2869 : i32
      %add3A_2871 = arith.constant 15 : i32
      %add3A_2872 = arith.addi %mul3A_2870, %add3A_2871 : i32
      %get3A_2873 = arith.index_cast %add3A_2872 : i32 to index
      %get3A_2874 = arith.constant 192 : index
      %get3A_2875 = tpu.vector_load %arg6[%get3A_2873, %get3A_2874] {strides = array<i32>} : memref<96x256xf32, #tpu.memory_space<vmem>>, vector<16xf32>,
      %sub3A_2876 = arith.subf %get3A_2875, %get3A_29 : vector<16xf32>
      %mul3A_2877 = arith.mulf %sub3A_2876, %sub3A_2876 : vector<16xf32>
      %add3A_2878 = arith.addf %add3A_2838, %mul3A_2877 : vector<16xf32>
      %mul3A_2879 = arith.constant 16 : i32
      %mul3A_2880 = arith.muli %scan3A_42, %mul3A_2879 : i32
      %add3A_2881 = arith.constant 15 : i32
      %add3A_2882 = arith.addi %mul3A_2880, %add3A_2881 : i32
      %get3A_2883 = arith.index_cast %add3A_2882 : i32 to index
      %get3A_2884 = arith.constant 208 : index
      %get3A_2885 = tpu.vector_load %arg6[%get3A_2883, %get3A_2884] {strides = array<i32>} : memref<96x256xf32, #tpu.memory_space<vmem>>, vector<16xf32>,
      %sub3A_2886 = arith.subf %get3A_2885, %get3A_31 : vector<16xf32>
      %mul3A_2887 = arith.mulf %sub3A_2886, %sub3A_2886 : vector<16xf32>
      %add3A_2888 = arith.addf %add3A_2848, %mul3A_2887 : vector<16xf32>
      %mul3A_2889 = arith.constant 16 : i32
      %mul3A_2890 = arith.muli %scan3A_42, %mul3A_2889 : i32
      %add3A_2891 = arith.constant 15 : i32
      %add3A_2892 = arith.addi %mul3A_2890, %add3A_2891 : i32
      %get3A_2893 = arith.index_cast %add3A_2892 : i32 to index
      %get3A_2894 = arith.constant 224 : index
      %get3A_2895 = tpu.vector_load %arg6[%get3A_2893, %get3A_2894] {strides = array<i32>} : memref<96x256xf32, #tpu.memory_space<vmem>>, vector<16xf32>,
      %sub3A_2896 = arith.subf %get3A_2895, %get3A_33 : vector<16xf32>
      %mul3A_2897 = arith.mulf %sub3A_2896, %sub3A_2896 : vector<16xf32>
      %add3A_2898 = arith.addf %add3A_2858, %mul3A_2897 : vector<16xf32>
      %mul3A_2899 = arith.constant 16 : i32
      %mul3A_2900 = arith.muli %scan3A_42, %mul3A_2899 : i32
      %add3A_2901 = arith.constant 15 : i32
      %add3A_2902 = arith.addi %mul3A_2900, %add3A_2901 : i32
      %get3A_2903 = arith.index_cast %add3A_2902 : i32 to index
      %get3A_2904 = arith.constant 240 : index
      %get3A_2905 = tpu.vector_load %arg6[%get3A_2903, %get3A_2904] {strides = array<i32>} : memref<96x256xf32, #tpu.memory_space<vmem>>, vector<16xf32>,
      %sub3A_2906 = arith.subf %get3A_2905, %get3A_35 : vector<16xf32>
      %mul3A_2907 = arith.mulf %sub3A_2906, %sub3A_2906 : vector<16xf32>
      %add3A_2908 = arith.addf %add3A_2868, %mul3A_2907 : vector<16xf32>
      %add3A_2909 = arith.addf %add3A_2878, %add3A_2888 : vector<16xf32>
      %add3A_2910 = arith.addf %add3A_2898, %add3A_2908 : vector<16xf32>
      %add3A_2911 = arith.addf %add3A_2909, %add3A_2910 : vector<16xf32>
      %reduce_sum3A_2912 = arith.constant true
      %reduce_sum3A_2913 = vector.broadcast %reduce_sum3A_2912 : i1 to vector<16xi1>
      %reduce_sum3A_2914 = tpu.scan <sum>, %add3A_2911 masked %reduce_sum3A_2913 : vector<16xf32>, vector<16xi1> -> vector<16xf32>
      %reduce_sum3A_2915 = vector.extract %reduce_sum3A_2914[15] : f32 from vector<16xf32>
      %eq3A_2916 = arith.constant 15 : i32
      %eq3A_2917 = vector.broadcast %eq3A_2916 : i32 to vector<16xi32>
      %eq3A_2918 = arith.cmpi eq, %iota3A, %eq3A_2917 : vector<16xi32>
      %broadcast_in_dim3A_2919 = vector.broadcast %reduce_sum3A_2915 : f32 to vector<16xf32>
      %select_n3A_2920 = arith.select %eq3A_2918, %broadcast_in_dim3A_2919, %select_n3A_2740 : vector<16xi1>, vector<16xf32>
      %mul3A_2921 = arith.constant 16 : i32
      %mul3A_2922 = arith.muli %scan3A_42, %mul3A_2921 : i32
      %swap3A = arith.index_cast %mul3A_2922 : i32 to index
      %swap3A_2923 = tpu.vector_load %arg7[%swap3A] {strides = array<i32>} : memref<96xf32, #tpu.memory_space<vmem>>, vector<16xf32>,
      tpu.vector_store %arg7[%swap3A], %select_n3A_2920 {strides = array<i32>} : memref<96xf32, #tpu.memory_space<vmem>>, vector<16xf32>,
      %scan3A_2924 = arith.constant 0 : i32
      scf.yield %scan3A_2924 : i32
    }
    %scan3A_41 = arith.constant 6 : i32
    "tpu.region"() ({
      %run_scoped3A = tpu.sem_alloc : memref<!tpu.dma_semaphore, #tpu.memory_space<semaphore_mem>>
      %dma_start3A = tpu.memref_slice %arg4[%mul3A_2] : memref<3072xf32, #tpu.memory_space<hbm>> -> memref<96xf32, #tpu.memory_space<hbm>>
      %dma_start3A_42 = tpu.memref_slice %arg4[%mul3A_2] : memref<3072xf32, #tpu.memory_space<hbm>> -> memref<96xf32, #tpu.memory_space<hbm>>
      tpu.enqueue_dma source(%arg7 : memref<96xf32, #tpu.memory_space<vmem>>) target(%dma_start3A_42 : memref<96xf32, #tpu.memory_space<hbm>>) target_semaphore(%run_scoped3A : memref<!tpu.dma_semaphore, #tpu.memory_space<semaphore_mem>>)
      %dma_wait3A = tpu.memref_slice %arg4[%mul3A_2] : memref<3072xf32, #tpu.memory_space<hbm>> -> memref<96xf32, #tpu.memory_space<hbm>>
      %dma_wait3A_43 = tpu.memref_slice %arg4[%mul3A_2] : memref<3072xf32, #tpu.memory_space<hbm>> -> memref<96xf32, #tpu.memory_space<hbm>>
      tpu.wait_dma2 semaphore(%run_scoped3A : memref<!tpu.dma_semaphore, #tpu.memory_space<semaphore_mem>>) src(%arg7 : memref<96xf32, #tpu.memory_space<vmem>>) dst(%dma_wait3A_43 : memref<96xf32, #tpu.memory_space<hbm>>)
      tpu.yield
    }) : () -> ()
    return
  }
}

module attributes {stable_mosaic.version = 14 : i64} {
  func.func @_sel_body(%arg0: memref<1xi32, #tpu.memory_space<smem>>, %arg1: memref<10x128xf32, #tpu.memory_space<vmem>>, %arg2: memref<10x128xf32, #tpu.memory_space<vmem>>, %arg3: memref<10x128xf32, #tpu.memory_space<vmem>>, %arg4: memref<10x128xf32, #tpu.memory_space<vmem>>, %arg5: memref<24x128xf32, #tpu.memory_space<vmem>>, %arg6: memref<8192x8192xf32, #tpu.memory_space<any>>, %arg7: memref<1xi32, #tpu.memory_space<smem>>, %arg8: memref<8x8192xf32, #tpu.memory_space<vmem>>, %arg9: memref<!tpu.dma_semaphore, #tpu.memory_space<semaphore_mem>>) attributes {dimension_semantics = [], scalar_prefetch = 0 : i64, scratch_operands = 2 : i64, tpu.core_type = #tpu.core_type<tc>} {
    %get3A = arith.constant 0 : index
    %get3A_0 = memref.load %arg0[%get3A] : memref<1xi32, #tpu.memory_space<smem>>
    %dma_start3A = arith.constant 0 : i32
    %dma_start3A_1 = arith.constant 0 : i32
    %dma_start3A_2 = tpu.memref_slice %arg8[%dma_start3A, %dma_start3A_1] : memref<8x8192xf32, #tpu.memory_space<vmem>> -> memref<1x8192xf32, #tpu.memory_space<vmem>>
    %dma_start3A_3 = arith.constant 0 : i32
    %dma_start3A_4 = tpu.memref_slice %arg6[%get3A_0, %dma_start3A_3] : memref<8192x8192xf32, #tpu.memory_space<any>> -> memref<1x8192xf32, #tpu.memory_space<any>>
    tpu.enqueue_dma source(%dma_start3A_4 : memref<1x8192xf32, #tpu.memory_space<any>>) target(%dma_start3A_2 : memref<1x8192xf32, #tpu.memory_space<vmem>>) target_semaphore(%arg9 : memref<!tpu.dma_semaphore, #tpu.memory_space<semaphore_mem>>)
    %get3A_5 = arith.constant 0 : index
    %get3A_6 = arith.constant 0 : index
    %get3A_7 = vector.load %arg1[%get3A_5, %get3A_6] : memref<10x128xf32, #tpu.memory_space<vmem>>, vector<10x128xf32>
    %get3A_8 = arith.constant 0 : index
    %get3A_9 = arith.constant 0 : index
    %get3A_10 = vector.load %arg2[%get3A_8, %get3A_9] : memref<10x128xf32, #tpu.memory_space<vmem>>, vector<10x128xf32>
    %get3A_11 = arith.constant 0 : index
    %get3A_12 = arith.constant 0 : index
    %get3A_13 = vector.load %arg3[%get3A_11, %get3A_12] : memref<10x128xf32, #tpu.memory_space<vmem>>, vector<10x128xf32>
    %get3A_14 = arith.constant 0 : index
    %get3A_15 = arith.constant 0 : index
    %get3A_16 = vector.load %arg4[%get3A_14, %get3A_15] : memref<10x128xf32, #tpu.memory_space<vmem>>, vector<10x128xf32>
    %get3A_17 = arith.constant 0 : index
    %get3A_18 = arith.constant 0 : index
    %get3A_19 = vector.load %arg5[%get3A_17, %get3A_18] : memref<24x128xf32, #tpu.memory_space<vmem>>, vector<24x128xf32>
    %concatenate3A = tpu.concatenate %get3A_7, %get3A_10, %get3A_13, %get3A_16, %get3A_19 in 0 : vector<10x128xf32>, vector<10x128xf32>, vector<10x128xf32>, vector<10x128xf32>, vector<24x128xf32> -> vector<64x128xf32>
    %iota3A = tpu.iota {dimensions = array<i32: 0>} : vector<64x128xi32>
    %iota3A_20 = tpu.iota {dimensions = array<i32: 1>} : vector<64x128xi32>
    %mul3A = arith.constant 128 : i32
    %mul3A_21 = vector.broadcast %mul3A : i32 to vector<64x128xi32>
    %mul3A_22 = arith.muli %iota3A, %mul3A_21 : vector<64x128xi32>
    %add3A = arith.addi %mul3A_22, %iota3A_20 : vector<64x128xi32>
    %reduce_min3A = vector.shape_cast %concatenate3A : vector<64x128xf32> to vector<1x64x128xf32>
    %reduce_min3A_23 = arith.constant dense<0x7F800000> : vector<1xf32>
    %reduce_min3A_24 = vector.multi_reduction <minimumf>, %reduce_min3A, %reduce_min3A_23 [1, 2] : vector<1x64x128xf32> to vector<1xf32>
    %reduce_min3A_25 = vector.shape_cast %reduce_min3A_24 : vector<1xf32> to vector<1x1x1xf32>
    %reduce_min3A_26 = vector.extract %reduce_min3A_25[0, 0, 0] : f32 from vector<1x1x1xf32>
    %eq3A = vector.broadcast %reduce_min3A_26 : f32 to vector<64x128xf32>
    %eq3A_27 = arith.cmpf oeq, %concatenate3A, %eq3A : vector<64x128xf32>
    %jit3A = arith.constant 1073741824 : i32
    %broadcast_in_dim3A = vector.broadcast %jit3A : i32 to vector<64x128xi32>
    %select_n3A = arith.select %eq3A_27, %add3A, %broadcast_in_dim3A : vector<64x128xi1>, vector<64x128xi32>
    %reduce_min3A_28 = vector.shape_cast %select_n3A : vector<64x128xi32> to vector<1x64x128xi32>
    %reduce_min3A_29 = arith.constant dense<2147483647> : vector<1xi32>
    %reduce_min3A_30 = vector.multi_reduction <minsi>, %reduce_min3A_28, %reduce_min3A_29 [1, 2] : vector<1x64x128xi32> to vector<1xi32>
    %reduce_min3A_31 = vector.shape_cast %reduce_min3A_30 : vector<1xi32> to vector<1x1x1xi32>
    %reduce_min3A_32 = vector.extract %reduce_min3A_31[0, 0, 0] : i32 from vector<1x1x1xi32>
    %dma_start3A_33 = arith.constant 1 : i32
    %dma_start3A_34 = arith.constant 0 : i32
    %dma_start3A_35 = tpu.memref_slice %arg8[%dma_start3A_33, %dma_start3A_34] : memref<8x8192xf32, #tpu.memory_space<vmem>> -> memref<1x8192xf32, #tpu.memory_space<vmem>>
    %dma_start3A_36 = arith.constant 0 : i32
    %dma_start3A_37 = tpu.memref_slice %arg6[%reduce_min3A_32, %dma_start3A_36] : memref<8192x8192xf32, #tpu.memory_space<any>> -> memref<1x8192xf32, #tpu.memory_space<any>>
    tpu.enqueue_dma source(%dma_start3A_37 : memref<1x8192xf32, #tpu.memory_space<any>>) target(%dma_start3A_35 : memref<1x8192xf32, #tpu.memory_space<vmem>>) target_semaphore(%arg9 : memref<!tpu.dma_semaphore, #tpu.memory_space<semaphore_mem>>)
    %eq3A_38 = vector.broadcast %reduce_min3A_32 : i32 to vector<64x128xi32>
    %eq3A_39 = arith.cmpi eq, %add3A, %eq3A_38 : vector<64x128xi32>
    %jit3A_40 = arith.constant 0x7F800000 : f32
    %broadcast_in_dim3A_41 = vector.broadcast %jit3A_40 : f32 to vector<64x128xf32>
    %select_n3A_42 = arith.select %eq3A_39, %broadcast_in_dim3A_41, %concatenate3A : vector<64x128xi1>, vector<64x128xf32>
    %reduce_min3A_43 = vector.shape_cast %select_n3A_42 : vector<64x128xf32> to vector<1x64x128xf32>
    %reduce_min3A_44 = arith.constant dense<0x7F800000> : vector<1xf32>
    %reduce_min3A_45 = vector.multi_reduction <minimumf>, %reduce_min3A_43, %reduce_min3A_44 [1, 2] : vector<1x64x128xf32> to vector<1xf32>
    %reduce_min3A_46 = vector.shape_cast %reduce_min3A_45 : vector<1xf32> to vector<1x1x1xf32>
    %reduce_min3A_47 = vector.extract %reduce_min3A_46[0, 0, 0] : f32 from vector<1x1x1xf32>
    %eq3A_48 = vector.broadcast %reduce_min3A_47 : f32 to vector<64x128xf32>
    %eq3A_49 = arith.cmpf oeq, %select_n3A_42, %eq3A_48 : vector<64x128xf32>
    %jit3A_50 = arith.constant 1073741824 : i32
    %broadcast_in_dim3A_51 = vector.broadcast %jit3A_50 : i32 to vector<64x128xi32>
    %select_n3A_52 = arith.select %eq3A_49, %add3A, %broadcast_in_dim3A_51 : vector<64x128xi1>, vector<64x128xi32>
    %reduce_min3A_53 = vector.shape_cast %select_n3A_52 : vector<64x128xi32> to vector<1x64x128xi32>
    %reduce_min3A_54 = arith.constant dense<2147483647> : vector<1xi32>
    %reduce_min3A_55 = vector.multi_reduction <minsi>, %reduce_min3A_53, %reduce_min3A_54 [1, 2] : vector<1x64x128xi32> to vector<1xi32>
    %reduce_min3A_56 = vector.shape_cast %reduce_min3A_55 : vector<1xi32> to vector<1x1x1xi32>
    %reduce_min3A_57 = vector.extract %reduce_min3A_56[0, 0, 0] : i32 from vector<1x1x1xi32>
    %dma_start3A_58 = arith.constant 2 : i32
    %dma_start3A_59 = arith.constant 0 : i32
    %dma_start3A_60 = tpu.memref_slice %arg8[%dma_start3A_58, %dma_start3A_59] : memref<8x8192xf32, #tpu.memory_space<vmem>> -> memref<1x8192xf32, #tpu.memory_space<vmem>>
    %dma_start3A_61 = arith.constant 0 : i32
    %dma_start3A_62 = tpu.memref_slice %arg6[%reduce_min3A_57, %dma_start3A_61] : memref<8192x8192xf32, #tpu.memory_space<any>> -> memref<1x8192xf32, #tpu.memory_space<any>>
    tpu.enqueue_dma source(%dma_start3A_62 : memref<1x8192xf32, #tpu.memory_space<any>>) target(%dma_start3A_60 : memref<1x8192xf32, #tpu.memory_space<vmem>>) target_semaphore(%arg9 : memref<!tpu.dma_semaphore, #tpu.memory_space<semaphore_mem>>)
    %eq3A_63 = vector.broadcast %reduce_min3A_57 : i32 to vector<64x128xi32>
    %eq3A_64 = arith.cmpi eq, %add3A, %eq3A_63 : vector<64x128xi32>
    %jit3A_65 = arith.constant 0x7F800000 : f32
    %broadcast_in_dim3A_66 = vector.broadcast %jit3A_65 : f32 to vector<64x128xf32>
    %select_n3A_67 = arith.select %eq3A_64, %broadcast_in_dim3A_66, %select_n3A_42 : vector<64x128xi1>, vector<64x128xf32>
    %reduce_min3A_68 = vector.shape_cast %select_n3A_67 : vector<64x128xf32> to vector<1x64x128xf32>
    %reduce_min3A_69 = arith.constant dense<0x7F800000> : vector<1xf32>
    %reduce_min3A_70 = vector.multi_reduction <minimumf>, %reduce_min3A_68, %reduce_min3A_69 [1, 2] : vector<1x64x128xf32> to vector<1xf32>
    %reduce_min3A_71 = vector.shape_cast %reduce_min3A_70 : vector<1xf32> to vector<1x1x1xf32>
    %reduce_min3A_72 = vector.extract %reduce_min3A_71[0, 0, 0] : f32 from vector<1x1x1xf32>
    %eq3A_73 = vector.broadcast %reduce_min3A_72 : f32 to vector<64x128xf32>
    %eq3A_74 = arith.cmpf oeq, %select_n3A_67, %eq3A_73 : vector<64x128xf32>
    %jit3A_75 = arith.constant 1073741824 : i32
    %broadcast_in_dim3A_76 = vector.broadcast %jit3A_75 : i32 to vector<64x128xi32>
    %select_n3A_77 = arith.select %eq3A_74, %add3A, %broadcast_in_dim3A_76 : vector<64x128xi1>, vector<64x128xi32>
    %reduce_min3A_78 = vector.shape_cast %select_n3A_77 : vector<64x128xi32> to vector<1x64x128xi32>
    %reduce_min3A_79 = arith.constant dense<2147483647> : vector<1xi32>
    %reduce_min3A_80 = vector.multi_reduction <minsi>, %reduce_min3A_78, %reduce_min3A_79 [1, 2] : vector<1x64x128xi32> to vector<1xi32>
    %reduce_min3A_81 = vector.shape_cast %reduce_min3A_80 : vector<1xi32> to vector<1x1x1xi32>
    %reduce_min3A_82 = vector.extract %reduce_min3A_81[0, 0, 0] : i32 from vector<1x1x1xi32>
    %dma_start3A_83 = arith.constant 3 : i32
    %dma_start3A_84 = arith.constant 0 : i32
    %dma_start3A_85 = tpu.memref_slice %arg8[%dma_start3A_83, %dma_start3A_84] : memref<8x8192xf32, #tpu.memory_space<vmem>> -> memref<1x8192xf32, #tpu.memory_space<vmem>>
    %dma_start3A_86 = arith.constant 0 : i32
    %dma_start3A_87 = tpu.memref_slice %arg6[%reduce_min3A_82, %dma_start3A_86] : memref<8192x8192xf32, #tpu.memory_space<any>> -> memref<1x8192xf32, #tpu.memory_space<any>>
    tpu.enqueue_dma source(%dma_start3A_87 : memref<1x8192xf32, #tpu.memory_space<any>>) target(%dma_start3A_85 : memref<1x8192xf32, #tpu.memory_space<vmem>>) target_semaphore(%arg9 : memref<!tpu.dma_semaphore, #tpu.memory_space<semaphore_mem>>)
    %eq3A_88 = vector.broadcast %reduce_min3A_82 : i32 to vector<64x128xi32>
    %eq3A_89 = arith.cmpi eq, %add3A, %eq3A_88 : vector<64x128xi32>
    %jit3A_90 = arith.constant 0x7F800000 : f32
    %broadcast_in_dim3A_91 = vector.broadcast %jit3A_90 : f32 to vector<64x128xf32>
    %select_n3A_92 = arith.select %eq3A_89, %broadcast_in_dim3A_91, %select_n3A_67 : vector<64x128xi1>, vector<64x128xf32>
    %reduce_min3A_93 = vector.shape_cast %select_n3A_92 : vector<64x128xf32> to vector<1x64x128xf32>
    %reduce_min3A_94 = arith.constant dense<0x7F800000> : vector<1xf32>
    %reduce_min3A_95 = vector.multi_reduction <minimumf>, %reduce_min3A_93, %reduce_min3A_94 [1, 2] : vector<1x64x128xf32> to vector<1xf32>
    %reduce_min3A_96 = vector.shape_cast %reduce_min3A_95 : vector<1xf32> to vector<1x1x1xf32>
    %reduce_min3A_97 = vector.extract %reduce_min3A_96[0, 0, 0] : f32 from vector<1x1x1xf32>
    %eq3A_98 = vector.broadcast %reduce_min3A_97 : f32 to vector<64x128xf32>
    %eq3A_99 = arith.cmpf oeq, %select_n3A_92, %eq3A_98 : vector<64x128xf32>
    %jit3A_100 = arith.constant 1073741824 : i32
    %broadcast_in_dim3A_101 = vector.broadcast %jit3A_100 : i32 to vector<64x128xi32>
    %select_n3A_102 = arith.select %eq3A_99, %add3A, %broadcast_in_dim3A_101 : vector<64x128xi1>, vector<64x128xi32>
    %reduce_min3A_103 = vector.shape_cast %select_n3A_102 : vector<64x128xi32> to vector<1x64x128xi32>
    %reduce_min3A_104 = arith.constant dense<2147483647> : vector<1xi32>
    %reduce_min3A_105 = vector.multi_reduction <minsi>, %reduce_min3A_103, %reduce_min3A_104 [1, 2] : vector<1x64x128xi32> to vector<1xi32>
    %reduce_min3A_106 = vector.shape_cast %reduce_min3A_105 : vector<1xi32> to vector<1x1x1xi32>
    %reduce_min3A_107 = vector.extract %reduce_min3A_106[0, 0, 0] : i32 from vector<1x1x1xi32>
    %dma_start3A_108 = arith.constant 4 : i32
    %dma_start3A_109 = arith.constant 0 : i32
    %dma_start3A_110 = tpu.memref_slice %arg8[%dma_start3A_108, %dma_start3A_109] : memref<8x8192xf32, #tpu.memory_space<vmem>> -> memref<1x8192xf32, #tpu.memory_space<vmem>>
    %dma_start3A_111 = arith.constant 0 : i32
    %dma_start3A_112 = tpu.memref_slice %arg6[%reduce_min3A_107, %dma_start3A_111] : memref<8192x8192xf32, #tpu.memory_space<any>> -> memref<1x8192xf32, #tpu.memory_space<any>>
    tpu.enqueue_dma source(%dma_start3A_112 : memref<1x8192xf32, #tpu.memory_space<any>>) target(%dma_start3A_110 : memref<1x8192xf32, #tpu.memory_space<vmem>>) target_semaphore(%arg9 : memref<!tpu.dma_semaphore, #tpu.memory_space<semaphore_mem>>)
    %eq3A_113 = vector.broadcast %reduce_min3A_107 : i32 to vector<64x128xi32>
    %eq3A_114 = arith.cmpi eq, %add3A, %eq3A_113 : vector<64x128xi32>
    %jit3A_115 = arith.constant 0x7F800000 : f32
    %broadcast_in_dim3A_116 = vector.broadcast %jit3A_115 : f32 to vector<64x128xf32>
    %select_n3A_117 = arith.select %eq3A_114, %broadcast_in_dim3A_116, %select_n3A_92 : vector<64x128xi1>, vector<64x128xf32>
    %reduce_min3A_118 = vector.shape_cast %select_n3A_117 : vector<64x128xf32> to vector<1x64x128xf32>
    %reduce_min3A_119 = arith.constant dense<0x7F800000> : vector<1xf32>
    %reduce_min3A_120 = vector.multi_reduction <minimumf>, %reduce_min3A_118, %reduce_min3A_119 [1, 2] : vector<1x64x128xf32> to vector<1xf32>
    %reduce_min3A_121 = vector.shape_cast %reduce_min3A_120 : vector<1xf32> to vector<1x1x1xf32>
    %reduce_min3A_122 = vector.extract %reduce_min3A_121[0, 0, 0] : f32 from vector<1x1x1xf32>
    %eq3A_123 = vector.broadcast %reduce_min3A_122 : f32 to vector<64x128xf32>
    %eq3A_124 = arith.cmpf oeq, %select_n3A_117, %eq3A_123 : vector<64x128xf32>
    %jit3A_125 = arith.constant 1073741824 : i32
    %broadcast_in_dim3A_126 = vector.broadcast %jit3A_125 : i32 to vector<64x128xi32>
    %select_n3A_127 = arith.select %eq3A_124, %add3A, %broadcast_in_dim3A_126 : vector<64x128xi1>, vector<64x128xi32>
    %reduce_min3A_128 = vector.shape_cast %select_n3A_127 : vector<64x128xi32> to vector<1x64x128xi32>
    %reduce_min3A_129 = arith.constant dense<2147483647> : vector<1xi32>
    %reduce_min3A_130 = vector.multi_reduction <minsi>, %reduce_min3A_128, %reduce_min3A_129 [1, 2] : vector<1x64x128xi32> to vector<1xi32>
    %reduce_min3A_131 = vector.shape_cast %reduce_min3A_130 : vector<1xi32> to vector<1x1x1xi32>
    %reduce_min3A_132 = vector.extract %reduce_min3A_131[0, 0, 0] : i32 from vector<1x1x1xi32>
    %dma_start3A_133 = arith.constant 5 : i32
    %dma_start3A_134 = arith.constant 0 : i32
    %dma_start3A_135 = tpu.memref_slice %arg8[%dma_start3A_133, %dma_start3A_134] : memref<8x8192xf32, #tpu.memory_space<vmem>> -> memref<1x8192xf32, #tpu.memory_space<vmem>>
    %dma_start3A_136 = arith.constant 0 : i32
    %dma_start3A_137 = tpu.memref_slice %arg6[%reduce_min3A_132, %dma_start3A_136] : memref<8192x8192xf32, #tpu.memory_space<any>> -> memref<1x8192xf32, #tpu.memory_space<any>>
    tpu.enqueue_dma source(%dma_start3A_137 : memref<1x8192xf32, #tpu.memory_space<any>>) target(%dma_start3A_135 : memref<1x8192xf32, #tpu.memory_space<vmem>>) target_semaphore(%arg9 : memref<!tpu.dma_semaphore, #tpu.memory_space<semaphore_mem>>)
    %dma_wait3A = arith.constant 0 : i32
    %dma_wait3A_138 = arith.constant 0 : i32
    %dma_wait3A_139 = tpu.memref_slice %arg8[%dma_wait3A, %dma_wait3A_138] : memref<8x8192xf32, #tpu.memory_space<vmem>> -> memref<1x8192xf32, #tpu.memory_space<vmem>>
    %dma_wait3A_140 = arith.constant 0 : i32
    %dma_wait3A_141 = arith.constant 0 : i32
    %dma_wait3A_142 = tpu.memref_slice %arg6[%dma_wait3A_140, %dma_wait3A_141] : memref<8192x8192xf32, #tpu.memory_space<any>> -> memref<1x8192xf32, #tpu.memory_space<any>>
    tpu.wait_dma2 semaphore(%arg9 : memref<!tpu.dma_semaphore, #tpu.memory_space<semaphore_mem>>) src(%dma_wait3A_142 : memref<1x8192xf32, #tpu.memory_space<any>>) dst(%dma_wait3A_139 : memref<1x8192xf32, #tpu.memory_space<vmem>>)
    %dma_wait3A_143 = arith.constant 1 : i32
    %dma_wait3A_144 = arith.constant 0 : i32
    %dma_wait3A_145 = tpu.memref_slice %arg8[%dma_wait3A_143, %dma_wait3A_144] : memref<8x8192xf32, #tpu.memory_space<vmem>> -> memref<1x8192xf32, #tpu.memory_space<vmem>>
    %dma_wait3A_146 = arith.constant 0 : i32
    %dma_wait3A_147 = arith.constant 0 : i32
    %dma_wait3A_148 = tpu.memref_slice %arg6[%dma_wait3A_146, %dma_wait3A_147] : memref<8192x8192xf32, #tpu.memory_space<any>> -> memref<1x8192xf32, #tpu.memory_space<any>>
    tpu.wait_dma2 semaphore(%arg9 : memref<!tpu.dma_semaphore, #tpu.memory_space<semaphore_mem>>) src(%dma_wait3A_148 : memref<1x8192xf32, #tpu.memory_space<any>>) dst(%dma_wait3A_145 : memref<1x8192xf32, #tpu.memory_space<vmem>>)
    %dma_wait3A_149 = arith.constant 2 : i32
    %dma_wait3A_150 = arith.constant 0 : i32
    %dma_wait3A_151 = tpu.memref_slice %arg8[%dma_wait3A_149, %dma_wait3A_150] : memref<8x8192xf32, #tpu.memory_space<vmem>> -> memref<1x8192xf32, #tpu.memory_space<vmem>>
    %dma_wait3A_152 = arith.constant 0 : i32
    %dma_wait3A_153 = arith.constant 0 : i32
    %dma_wait3A_154 = tpu.memref_slice %arg6[%dma_wait3A_152, %dma_wait3A_153] : memref<8192x8192xf32, #tpu.memory_space<any>> -> memref<1x8192xf32, #tpu.memory_space<any>>
    tpu.wait_dma2 semaphore(%arg9 : memref<!tpu.dma_semaphore, #tpu.memory_space<semaphore_mem>>) src(%dma_wait3A_154 : memref<1x8192xf32, #tpu.memory_space<any>>) dst(%dma_wait3A_151 : memref<1x8192xf32, #tpu.memory_space<vmem>>)
    %dma_wait3A_155 = arith.constant 3 : i32
    %dma_wait3A_156 = arith.constant 0 : i32
    %dma_wait3A_157 = tpu.memref_slice %arg8[%dma_wait3A_155, %dma_wait3A_156] : memref<8x8192xf32, #tpu.memory_space<vmem>> -> memref<1x8192xf32, #tpu.memory_space<vmem>>
    %dma_wait3A_158 = arith.constant 0 : i32
    %dma_wait3A_159 = arith.constant 0 : i32
    %dma_wait3A_160 = tpu.memref_slice %arg6[%dma_wait3A_158, %dma_wait3A_159] : memref<8192x8192xf32, #tpu.memory_space<any>> -> memref<1x8192xf32, #tpu.memory_space<any>>
    tpu.wait_dma2 semaphore(%arg9 : memref<!tpu.dma_semaphore, #tpu.memory_space<semaphore_mem>>) src(%dma_wait3A_160 : memref<1x8192xf32, #tpu.memory_space<any>>) dst(%dma_wait3A_157 : memref<1x8192xf32, #tpu.memory_space<vmem>>)
    %dma_wait3A_161 = arith.constant 4 : i32
    %dma_wait3A_162 = arith.constant 0 : i32
    %dma_wait3A_163 = tpu.memref_slice %arg8[%dma_wait3A_161, %dma_wait3A_162] : memref<8x8192xf32, #tpu.memory_space<vmem>> -> memref<1x8192xf32, #tpu.memory_space<vmem>>
    %dma_wait3A_164 = arith.constant 0 : i32
    %dma_wait3A_165 = arith.constant 0 : i32
    %dma_wait3A_166 = tpu.memref_slice %arg6[%dma_wait3A_164, %dma_wait3A_165] : memref<8192x8192xf32, #tpu.memory_space<any>> -> memref<1x8192xf32, #tpu.memory_space<any>>
    tpu.wait_dma2 semaphore(%arg9 : memref<!tpu.dma_semaphore, #tpu.memory_space<semaphore_mem>>) src(%dma_wait3A_166 : memref<1x8192xf32, #tpu.memory_space<any>>) dst(%dma_wait3A_163 : memref<1x8192xf32, #tpu.memory_space<vmem>>)
    %dma_wait3A_167 = arith.constant 5 : i32
    %dma_wait3A_168 = arith.constant 0 : i32
    %dma_wait3A_169 = tpu.memref_slice %arg8[%dma_wait3A_167, %dma_wait3A_168] : memref<8x8192xf32, #tpu.memory_space<vmem>> -> memref<1x8192xf32, #tpu.memory_space<vmem>>
    %dma_wait3A_170 = arith.constant 0 : i32
    %dma_wait3A_171 = arith.constant 0 : i32
    %dma_wait3A_172 = tpu.memref_slice %arg6[%dma_wait3A_170, %dma_wait3A_171] : memref<8192x8192xf32, #tpu.memory_space<any>> -> memref<1x8192xf32, #tpu.memory_space<any>>
    tpu.wait_dma2 semaphore(%arg9 : memref<!tpu.dma_semaphore, #tpu.memory_space<semaphore_mem>>) src(%dma_wait3A_172 : memref<1x8192xf32, #tpu.memory_space<any>>) dst(%dma_wait3A_169 : memref<1x8192xf32, #tpu.memory_space<vmem>>)
    %get3A_173 = arith.constant 0 : index
    %get3A_174 = arith.constant 0 : index
    %get3A_175 = vector.load %arg8[%get3A_173, %get3A_174] : memref<8x8192xf32, #tpu.memory_space<vmem>>, vector<1x8192xf32>
    %get3A_176 = arith.constant 1 : index
    %get3A_177 = arith.constant 0 : index
    %get3A_178 = vector.load %arg8[%get3A_176, %get3A_177] : memref<8x8192xf32, #tpu.memory_space<vmem>>, vector<1x8192xf32>
    %sub3A = arith.subf %get3A_175, %get3A_178 : vector<1x8192xf32>
    %abs3A = math.absf %sub3A : vector<1x8192xf32>
    %reduce_sum3A = vector.shape_cast %abs3A : vector<1x8192xf32> to vector<1x1x8192xf32>
    %reduce_sum3A_179 = arith.constant dense<0.000000e+00> : vector<1xf32>
    %reduce_sum3A_180 = vector.multi_reduction <add>, %reduce_sum3A, %reduce_sum3A_179 [1, 2] : vector<1x1x8192xf32> to vector<1xf32>
    %reduce_sum3A_181 = vector.shape_cast %reduce_sum3A_180 : vector<1xf32> to vector<1x1x1xf32>
    %reduce_sum3A_182 = vector.extract %reduce_sum3A_181[0, 0, 0] : f32 from vector<1x1x1xf32>
    %div3A = arith.constant 8.192000e+03 : f32
    %div3A_183 = arith.divf %reduce_sum3A_182, %div3A : f32
    %neg3A = arith.constant 0.000000e+00 : f32
    %neg3A_184 = arith.subf %neg3A, %reduce_min3A_26 : f32
    %mul3A_185 = arith.constant 1.000000e-01 : f32
    %mul3A_186 = arith.mulf %mul3A_185, %div3A_183 : f32
    %add3A_187 = arith.addf %neg3A_184, %mul3A_186 : f32
    %eq3A_188 = arith.cmpi eq, %reduce_min3A_32, %get3A_0 : i32
    %jit3A_189 = arith.constant 0xFF800000 : f32
    %select_n3A_190 = arith.select %eq3A_188, %jit3A_189, %add3A_187 : f32
    %get3A_191 = arith.constant 2 : index
    %get3A_192 = arith.constant 0 : index
    %get3A_193 = vector.load %arg8[%get3A_191, %get3A_192] : memref<8x8192xf32, #tpu.memory_space<vmem>>, vector<1x8192xf32>
    %sub3A_194 = arith.subf %get3A_175, %get3A_193 : vector<1x8192xf32>
    %abs3A_195 = math.absf %sub3A_194 : vector<1x8192xf32>
    %reduce_sum3A_196 = vector.shape_cast %abs3A_195 : vector<1x8192xf32> to vector<1x1x8192xf32>
    %reduce_sum3A_197 = arith.constant dense<0.000000e+00> : vector<1xf32>
    %reduce_sum3A_198 = vector.multi_reduction <add>, %reduce_sum3A_196, %reduce_sum3A_197 [1, 2] : vector<1x1x8192xf32> to vector<1xf32>
    %reduce_sum3A_199 = vector.shape_cast %reduce_sum3A_198 : vector<1xf32> to vector<1x1x1xf32>
    %reduce_sum3A_200 = vector.extract %reduce_sum3A_199[0, 0, 0] : f32 from vector<1x1x1xf32>
    %div3A_201 = arith.constant 8.192000e+03 : f32
    %div3A_202 = arith.divf %reduce_sum3A_200, %div3A_201 : f32
    %neg3A_203 = arith.constant 0.000000e+00 : f32
    %neg3A_204 = arith.subf %neg3A_203, %reduce_min3A_47 : f32
    %mul3A_205 = arith.constant 1.000000e-01 : f32
    %mul3A_206 = arith.mulf %mul3A_205, %div3A_202 : f32
    %add3A_207 = arith.addf %neg3A_204, %mul3A_206 : f32
    %eq3A_208 = arith.cmpi eq, %reduce_min3A_57, %get3A_0 : i32
    %jit3A_209 = arith.constant 0xFF800000 : f32
    %select_n3A_210 = arith.select %eq3A_208, %jit3A_209, %add3A_207 : f32
    %gt3A = arith.cmpf ogt, %select_n3A_210, %select_n3A_190 : f32
    %select_n3A_211 = arith.select %gt3A, %reduce_min3A_57, %reduce_min3A_32 : i32
    %max3A = arith.maximumf %select_n3A_190, %select_n3A_210 : f32
    %get3A_212 = arith.constant 3 : index
    %get3A_213 = arith.constant 0 : index
    %get3A_214 = vector.load %arg8[%get3A_212, %get3A_213] : memref<8x8192xf32, #tpu.memory_space<vmem>>, vector<1x8192xf32>
    %sub3A_215 = arith.subf %get3A_175, %get3A_214 : vector<1x8192xf32>
    %abs3A_216 = math.absf %sub3A_215 : vector<1x8192xf32>
    %reduce_sum3A_217 = vector.shape_cast %abs3A_216 : vector<1x8192xf32> to vector<1x1x8192xf32>
    %reduce_sum3A_218 = arith.constant dense<0.000000e+00> : vector<1xf32>
    %reduce_sum3A_219 = vector.multi_reduction <add>, %reduce_sum3A_217, %reduce_sum3A_218 [1, 2] : vector<1x1x8192xf32> to vector<1xf32>
    %reduce_sum3A_220 = vector.shape_cast %reduce_sum3A_219 : vector<1xf32> to vector<1x1x1xf32>
    %reduce_sum3A_221 = vector.extract %reduce_sum3A_220[0, 0, 0] : f32 from vector<1x1x1xf32>
    %div3A_222 = arith.constant 8.192000e+03 : f32
    %div3A_223 = arith.divf %reduce_sum3A_221, %div3A_222 : f32
    %neg3A_224 = arith.constant 0.000000e+00 : f32
    %neg3A_225 = arith.subf %neg3A_224, %reduce_min3A_72 : f32
    %mul3A_226 = arith.constant 1.000000e-01 : f32
    %mul3A_227 = arith.mulf %mul3A_226, %div3A_223 : f32
    %add3A_228 = arith.addf %neg3A_225, %mul3A_227 : f32
    %eq3A_229 = arith.cmpi eq, %reduce_min3A_82, %get3A_0 : i32
    %jit3A_230 = arith.constant 0xFF800000 : f32
    %select_n3A_231 = arith.select %eq3A_229, %jit3A_230, %add3A_228 : f32
    %gt3A_232 = arith.cmpf ogt, %select_n3A_231, %max3A : f32
    %select_n3A_233 = arith.select %gt3A_232, %reduce_min3A_82, %select_n3A_211 : i32
    %max3A_234 = arith.maximumf %max3A, %select_n3A_231 : f32
    %get3A_235 = arith.constant 4 : index
    %get3A_236 = arith.constant 0 : index
    %get3A_237 = vector.load %arg8[%get3A_235, %get3A_236] : memref<8x8192xf32, #tpu.memory_space<vmem>>, vector<1x8192xf32>
    %sub3A_238 = arith.subf %get3A_175, %get3A_237 : vector<1x8192xf32>
    %abs3A_239 = math.absf %sub3A_238 : vector<1x8192xf32>
    %reduce_sum3A_240 = vector.shape_cast %abs3A_239 : vector<1x8192xf32> to vector<1x1x8192xf32>
    %reduce_sum3A_241 = arith.constant dense<0.000000e+00> : vector<1xf32>
    %reduce_sum3A_242 = vector.multi_reduction <add>, %reduce_sum3A_240, %reduce_sum3A_241 [1, 2] : vector<1x1x8192xf32> to vector<1xf32>
    %reduce_sum3A_243 = vector.shape_cast %reduce_sum3A_242 : vector<1xf32> to vector<1x1x1xf32>
    %reduce_sum3A_244 = vector.extract %reduce_sum3A_243[0, 0, 0] : f32 from vector<1x1x1xf32>
    %div3A_245 = arith.constant 8.192000e+03 : f32
    %div3A_246 = arith.divf %reduce_sum3A_244, %div3A_245 : f32
    %neg3A_247 = arith.constant 0.000000e+00 : f32
    %neg3A_248 = arith.subf %neg3A_247, %reduce_min3A_97 : f32
    %mul3A_249 = arith.constant 1.000000e-01 : f32
    %mul3A_250 = arith.mulf %mul3A_249, %div3A_246 : f32
    %add3A_251 = arith.addf %neg3A_248, %mul3A_250 : f32
    %eq3A_252 = arith.cmpi eq, %reduce_min3A_107, %get3A_0 : i32
    %jit3A_253 = arith.constant 0xFF800000 : f32
    %select_n3A_254 = arith.select %eq3A_252, %jit3A_253, %add3A_251 : f32
    %gt3A_255 = arith.cmpf ogt, %select_n3A_254, %max3A_234 : f32
    %select_n3A_256 = arith.select %gt3A_255, %reduce_min3A_107, %select_n3A_233 : i32
    %max3A_257 = arith.maximumf %max3A_234, %select_n3A_254 : f32
    %get3A_258 = arith.constant 5 : index
    %get3A_259 = arith.constant 0 : index
    %get3A_260 = vector.load %arg8[%get3A_258, %get3A_259] : memref<8x8192xf32, #tpu.memory_space<vmem>>, vector<1x8192xf32>
    %sub3A_261 = arith.subf %get3A_175, %get3A_260 : vector<1x8192xf32>
    %abs3A_262 = math.absf %sub3A_261 : vector<1x8192xf32>
    %reduce_sum3A_263 = vector.shape_cast %abs3A_262 : vector<1x8192xf32> to vector<1x1x8192xf32>
    %reduce_sum3A_264 = arith.constant dense<0.000000e+00> : vector<1xf32>
    %reduce_sum3A_265 = vector.multi_reduction <add>, %reduce_sum3A_263, %reduce_sum3A_264 [1, 2] : vector<1x1x8192xf32> to vector<1xf32>
    %reduce_sum3A_266 = vector.shape_cast %reduce_sum3A_265 : vector<1xf32> to vector<1x1x1xf32>
    %reduce_sum3A_267 = vector.extract %reduce_sum3A_266[0, 0, 0] : f32 from vector<1x1x1xf32>
    %div3A_268 = arith.constant 8.192000e+03 : f32
    %div3A_269 = arith.divf %reduce_sum3A_267, %div3A_268 : f32
    %neg3A_270 = arith.constant 0.000000e+00 : f32
    %neg3A_271 = arith.subf %neg3A_270, %reduce_min3A_122 : f32
    %mul3A_272 = arith.constant 1.000000e-01 : f32
    %mul3A_273 = arith.mulf %mul3A_272, %div3A_269 : f32
    %add3A_274 = arith.addf %neg3A_271, %mul3A_273 : f32
    %eq3A_275 = arith.cmpi eq, %reduce_min3A_132, %get3A_0 : i32
    %jit3A_276 = arith.constant 0xFF800000 : f32
    %select_n3A_277 = arith.select %eq3A_275, %jit3A_276, %add3A_274 : f32
    %gt3A_278 = arith.cmpf ogt, %select_n3A_277, %max3A_257 : f32
    %select_n3A_279 = arith.select %gt3A_278, %reduce_min3A_132, %select_n3A_256 : i32
    %swap3A = arith.constant 0 : index
    %swap3A_280 = memref.load %arg7[%swap3A] : memref<1xi32, #tpu.memory_space<smem>>
    memref.store %select_n3A_279, %arg7[%swap3A] : memref<1xi32, #tpu.memory_space<smem>>
    return
  }
}

module attributes {stable_mosaic.version = 14 : i64} {
  func.func @_tc_dist_body(%arg0: i32, %arg1: memref<1x256xf32, #tpu.memory_space<vmem>>, %arg2: memref<2x128x256xf32, #tpu.memory_space<vmem>>, %arg3: memref<2x128x256xf32, #tpu.memory_space<vmem>>, %arg4: memref<2x128x256xf32, #tpu.memory_space<vmem>>, %arg5: memref<2x128x256xf32, #tpu.memory_space<vmem>>, %arg6: memref<1x2x128xf32, #tpu.memory_space<vmem>>, %arg7: memref<1x2x128xf32, #tpu.memory_space<vmem>>, %arg8: memref<1x2x128xf32, #tpu.memory_space<vmem>>, %arg9: memref<1x2x128xf32, #tpu.memory_space<vmem>>) attributes {dimension_semantics = [#tpu.dimension_semantics<arbitrary>], iteration_bounds = array<i64: 5>, scalar_prefetch = 0 : i64, scratch_operands = 0 : i64, tpu.core_type = #tpu.core_type<tc>, window_params = [{pipeline_mode = #tpu.pipeline_mode<synchronous>, transform_indices = @transform_0, window_bounds = array<i64: 1, 256>}, {transform_indices = @transform_1, window_bounds = array<i64: 2, 128, 256>}, {transform_indices = @transform_2, window_bounds = array<i64: 2, 128, 256>}, {transform_indices = @transform_3, window_bounds = array<i64: 2, 128, 256>}, {transform_indices = @transform_4, window_bounds = array<i64: 2, 128, 256>}, {transform_indices = @transform_5, window_bounds = array<i64: 1, 2, 128>}, {transform_indices = @transform_6, window_bounds = array<i64: 1, 2, 128>}, {transform_indices = @transform_7, window_bounds = array<i64: 1, 2, 128>}, {transform_indices = @transform_8, window_bounds = array<i64: 1, 2, 128>}]} {
    %get3A = arith.constant 0 : index
    %get3A_0 = arith.constant 0 : index
    %get3A_1 = vector.load %arg1[%get3A, %get3A_0] : memref<1x256xf32, #tpu.memory_space<vmem>>, vector<1x256xf32>
    %reshape3A = vector.shape_cast %get3A_1 : vector<1x256xf32> to vector<1x1x256xf32>
    %get3A_2 = arith.constant 0 : index
    %get3A_3 = arith.constant 0 : index
    %get3A_4 = arith.constant 0 : index
    %get3A_5 = vector.load %arg2[%get3A_2, %get3A_3, %get3A_4] : memref<2x128x256xf32, #tpu.memory_space<vmem>>, vector<2x128x256xf32>
    %sub3A = vector.broadcast %reshape3A : vector<1x1x256xf32> to vector<2x128x256xf32>
    %sub3A_6 = arith.subf %get3A_5, %sub3A : vector<2x128x256xf32>
    %mul3A = arith.mulf %sub3A_6, %sub3A_6 : vector<2x128x256xf32>
    %reduce_sum3A = arith.constant dense<0.000000e+00> : vector<2x128xf32>
    %reduce_sum3A_7 = vector.multi_reduction <add>, %mul3A, %reduce_sum3A [2] : vector<2x128x256xf32> to vector<2x128xf32>
    %reshape3A_8 = vector.shape_cast %reduce_sum3A_7 : vector<2x128xf32> to vector<1x2x128xf32>
    %swap3A = arith.constant 0 : index
    %swap3A_9 = arith.constant 0 : index
    %swap3A_10 = arith.constant 0 : index
    %swap3A_11 = vector.load %arg6[%swap3A, %swap3A_9, %swap3A_10] : memref<1x2x128xf32, #tpu.memory_space<vmem>>, vector<1x2x128xf32>
    tpu.vector_store %arg6[%swap3A, %swap3A_9, %swap3A_10], %reshape3A_8 {strides = array<i32>} : memref<1x2x128xf32, #tpu.memory_space<vmem>>, vector<1x2x128xf32>,
    %get3A_12 = arith.constant 0 : index
    %get3A_13 = arith.constant 0 : index
    %get3A_14 = arith.constant 0 : index
    %get3A_15 = vector.load %arg3[%get3A_12, %get3A_13, %get3A_14] : memref<2x128x256xf32, #tpu.memory_space<vmem>>, vector<2x128x256xf32>
    %sub3A_16 = vector.broadcast %reshape3A : vector<1x1x256xf32> to vector<2x128x256xf32>
    %sub3A_17 = arith.subf %get3A_15, %sub3A_16 : vector<2x128x256xf32>
    %mul3A_18 = arith.mulf %sub3A_17, %sub3A_17 : vector<2x128x256xf32>
    %reduce_sum3A_19 = arith.constant dense<0.000000e+00> : vector<2x128xf32>
    %reduce_sum3A_20 = vector.multi_reduction <add>, %mul3A_18, %reduce_sum3A_19 [2] : vector<2x128x256xf32> to vector<2x128xf32>
    %reshape3A_21 = vector.shape_cast %reduce_sum3A_20 : vector<2x128xf32> to vector<1x2x128xf32>
    %swap3A_22 = arith.constant 0 : index
    %swap3A_23 = arith.constant 0 : index
    %swap3A_24 = arith.constant 0 : index
    %swap3A_25 = vector.load %arg7[%swap3A_22, %swap3A_23, %swap3A_24] : memref<1x2x128xf32, #tpu.memory_space<vmem>>, vector<1x2x128xf32>
    tpu.vector_store %arg7[%swap3A_22, %swap3A_23, %swap3A_24], %reshape3A_21 {strides = array<i32>} : memref<1x2x128xf32, #tpu.memory_space<vmem>>, vector<1x2x128xf32>,
    %get3A_26 = arith.constant 0 : index
    %get3A_27 = arith.constant 0 : index
    %get3A_28 = arith.constant 0 : index
    %get3A_29 = vector.load %arg4[%get3A_26, %get3A_27, %get3A_28] : memref<2x128x256xf32, #tpu.memory_space<vmem>>, vector<2x128x256xf32>
    %sub3A_30 = vector.broadcast %reshape3A : vector<1x1x256xf32> to vector<2x128x256xf32>
    %sub3A_31 = arith.subf %get3A_29, %sub3A_30 : vector<2x128x256xf32>
    %mul3A_32 = arith.mulf %sub3A_31, %sub3A_31 : vector<2x128x256xf32>
    %reduce_sum3A_33 = arith.constant dense<0.000000e+00> : vector<2x128xf32>
    %reduce_sum3A_34 = vector.multi_reduction <add>, %mul3A_32, %reduce_sum3A_33 [2] : vector<2x128x256xf32> to vector<2x128xf32>
    %reshape3A_35 = vector.shape_cast %reduce_sum3A_34 : vector<2x128xf32> to vector<1x2x128xf32>
    %swap3A_36 = arith.constant 0 : index
    %swap3A_37 = arith.constant 0 : index
    %swap3A_38 = arith.constant 0 : index
    %swap3A_39 = vector.load %arg8[%swap3A_36, %swap3A_37, %swap3A_38] : memref<1x2x128xf32, #tpu.memory_space<vmem>>, vector<1x2x128xf32>
    tpu.vector_store %arg8[%swap3A_36, %swap3A_37, %swap3A_38], %reshape3A_35 {strides = array<i32>} : memref<1x2x128xf32, #tpu.memory_space<vmem>>, vector<1x2x128xf32>,
    %get3A_40 = arith.constant 0 : index
    %get3A_41 = arith.constant 0 : index
    %get3A_42 = arith.constant 0 : index
    %get3A_43 = vector.load %arg5[%get3A_40, %get3A_41, %get3A_42] : memref<2x128x256xf32, #tpu.memory_space<vmem>>, vector<2x128x256xf32>
    %sub3A_44 = vector.broadcast %reshape3A : vector<1x1x256xf32> to vector<2x128x256xf32>
    %sub3A_45 = arith.subf %get3A_43, %sub3A_44 : vector<2x128x256xf32>
    %mul3A_46 = arith.mulf %sub3A_45, %sub3A_45 : vector<2x128x256xf32>
    %reduce_sum3A_47 = arith.constant dense<0.000000e+00> : vector<2x128xf32>
    %reduce_sum3A_48 = vector.multi_reduction <add>, %mul3A_46, %reduce_sum3A_47 [2] : vector<2x128x256xf32> to vector<2x128xf32>
    %reshape3A_49 = vector.shape_cast %reduce_sum3A_48 : vector<2x128xf32> to vector<1x2x128xf32>
    %swap3A_50 = arith.constant 0 : index
    %swap3A_51 = arith.constant 0 : index
    %swap3A_52 = arith.constant 0 : index
    %swap3A_53 = vector.load %arg9[%swap3A_50, %swap3A_51, %swap3A_52] : memref<1x2x128xf32, #tpu.memory_space<vmem>>, vector<1x2x128xf32>
    tpu.vector_store %arg9[%swap3A_50, %swap3A_51, %swap3A_52], %reshape3A_49 {strides = array<i32>} : memref<1x2x128xf32, #tpu.memory_space<vmem>>, vector<1x2x128xf32>,
    return
  }
  func.func @transform_0(%arg0: i32) -> (i32, i32) {
    %c0_i32 = arith.constant 0 : i32
    %c0_i32_0 = arith.constant 0 : i32
    %c0_i32_1 = arith.constant 0 : i32
    return %c0_i32, %c0_i32_0 : i32, i32
  }
  func.func @transform_1(%arg0: i32) -> (i32, i32, i32) {
    %add3A = arith.constant 0 : i32
    %add3A_0 = arith.addi %add3A, %arg0 : i32
    %c0_i32 = arith.constant 0 : i32
    %c0_i32_1 = arith.constant 0 : i32
    %c0_i32_2 = arith.constant 0 : i32
    return %add3A_0, %c0_i32, %c0_i32_1 : i32, i32, i32
  }
  func.func @transform_2(%arg0: i32) -> (i32, i32, i32) {
    %add3A = arith.constant 5 : i32
    %add3A_0 = arith.addi %add3A, %arg0 : i32
    %c0_i32 = arith.constant 0 : i32
    %c0_i32_1 = arith.constant 0 : i32
    %c0_i32_2 = arith.constant 0 : i32
    return %add3A_0, %c0_i32, %c0_i32_1 : i32, i32, i32
  }
  func.func @transform_3(%arg0: i32) -> (i32, i32, i32) {
    %add3A = arith.constant 10 : i32
    %add3A_0 = arith.addi %add3A, %arg0 : i32
    %c0_i32 = arith.constant 0 : i32
    %c0_i32_1 = arith.constant 0 : i32
    %c0_i32_2 = arith.constant 0 : i32
    return %add3A_0, %c0_i32, %c0_i32_1 : i32, i32, i32
  }
  func.func @transform_4(%arg0: i32) -> (i32, i32, i32) {
    %add3A = arith.constant 15 : i32
    %add3A_0 = arith.addi %add3A, %arg0 : i32
    %c0_i32 = arith.constant 0 : i32
    %c0_i32_1 = arith.constant 0 : i32
    %c0_i32_2 = arith.constant 0 : i32
    return %add3A_0, %c0_i32, %c0_i32_1 : i32, i32, i32
  }
  func.func @transform_5(%arg0: i32) -> (i32, i32, i32) {
    %c0_i32 = arith.constant 0 : i32
    %c0_i32_0 = arith.constant 0 : i32
    %c0_i32_1 = arith.constant 0 : i32
    return %arg0, %c0_i32, %c0_i32_0 : i32, i32, i32
  }
  func.func @transform_6(%arg0: i32) -> (i32, i32, i32) {
    %c0_i32 = arith.constant 0 : i32
    %c0_i32_0 = arith.constant 0 : i32
    %c0_i32_1 = arith.constant 0 : i32
    return %arg0, %c0_i32, %c0_i32_0 : i32, i32, i32
  }
  func.func @transform_7(%arg0: i32) -> (i32, i32, i32) {
    %c0_i32 = arith.constant 0 : i32
    %c0_i32_0 = arith.constant 0 : i32
    %c0_i32_1 = arith.constant 0 : i32
    return %arg0, %c0_i32, %c0_i32_0 : i32, i32, i32
  }
  func.func @transform_8(%arg0: i32) -> (i32, i32, i32) {
    %c0_i32 = arith.constant 0 : i32
    %c0_i32_0 = arith.constant 0 : i32
    %c0_i32_1 = arith.constant 0 : i32
    return %arg0, %c0_i32, %c0_i32_0 : i32, i32, i32
  }
}

</mosaic_0001>

<sc_bundles>
// kernel: kernel.5.cloned.1.call-start
scs
__scs_entry_jumppad:
0x0: {  	(pc) =	sbr.rel $0x88, $3  }
0x1: {  	(tag) =	ssettag $0x0;
	lr =	simm.s32 $0x1  }
0x2: {  	[smem:$0x3F9D] =	sst lr;
	_ =	strace $0xD0000000  }
0x3: {  	_ = 	snop  }
0x4: {  	_ = 	snop  }
0x5: {  	_ = 	snop  }
0x6: {  	_ = 	snop  }
0x7: {  	_ = 	snop  }
__scs_overlays_trampoline_lowered:
0x8: {  	[smem:$0x3FAC] =	sst s0  }
0x9: {  	[smem:$0x3FAD] =	sst s1  }
0xa: {  	[smem:$0x3FAE] =	sst s2  }
0xb: {  	[smem:$0x3FAF] =	sst s3  }
0xc: {  	[smem:$0x3FB0] =	sst s4  }
0xd: {  	[smem:$0x3FB1] =	sst s5  }
0xe: {  	[smem:$0x3FB2] =	sst s6  }
0xf: {  	[smem:$0x3FB3] =	sst s7  }
0x10: {  	[smem:$0x3FB4] =	sst s8  }
0x11: {  	[smem:$0x3FB5] =	sst s9;
	s0 =	simm.s32 @!p0 $0x0  }
0x12: {  	s1 =	sld [smem:$0x3F9B];
	s0 =	simm.s32 @p0 $0x1  }
0x13: {  	[smem:$0x3FB6] =	sst s0;
	s0 =	simm.s32 @!p1 $0x0  }
0x14: {  	s2 =	sld [smem:$0x3F9A];
	s0 =	simm.s32 @p1 $0x1  }
0x15: {  	[smem:$0x3FB7] =	sst s0;
	s0 =	simm.s32 @!p2 $0x0  }
0x16: {  	s3 =	sld [smem:$0x3FDB];
	s0 =	simm.s32 @p2 $0x1  }
0x17: {  	s4 =	simm.s32 $0x1BF5;
	[smem:$0x3FB9] =	sst s0  }
0x18: {  	s0 =	sld [smem:$0x3F9C];
	_ =	swait.ge [sflag:s4], $0x0  }
0x19: {  	s7 =	sld [smem:$0x3F9D]  }
0x1a: {  	s8 =	sadd.s32 $0xFFFFE003, lr  }
0x1b: {  	s9 =	sadd.s32 $0xFFFFFEF7, lr;
	s5 =	simm.s32 $0xFFFFFFFF;
	p2 =	slt.u32 s8, $0xFFFFF086  }
0x1c: {  	p1 =	slt.u32 s9, $0xF7A;
	s5 =	simm.s32 @!p2 $0x0  }
0x1d: {  	s5 =	simm.s32 @p1 $0x1;
	p0 =	seq.s32 s7, s2  }
0x1e: {  	s7 =	smul.u32 @!p0 $0xF7A, s2;
	p2 =	seq.s32 @!p0 s5, $0x0  }
0x1f: {  	s9 =	smul.u32 $0xF7A, s1;
	s8 =	simm.s32 @!p0 $0x1BF5;
	p2 =	por !p2, p0  }
0x20: {  	[sflag:s8] =	ssyncset.s32 @!p0 $0xFFFFF086;
	s6 =	sadd.s32 @!p0 s3, s7;
	s7 =	simm.s32 @!p0 $0x108  }
0x21: {  	s3 =	sadd.s32 s3, s9;
	s6 =	sadd.s32 @!p0 $0x88, s6;
	s7 =	simm.s32 @p2 $0x1082  }
0x22: {  	[simem:s7], [sflag:s8] =	dma.local @!p0 [hbm:s6], $0xF7A  }
0x23: {  	s9 =	sor.u32 $0xD0000000, s2;
	s6 =	simm.s32 $0x108;
	_ =	swait.ge @!p0 [sflag:s8], $0x0  }
0x24: {  	s3 =	sadd.s32 $0x88, s3;
	s6 =	simm.s32 @!p1 $0x1082;
	[sflag:s4] =	ssyncset.s32 $0xFFFFF086  }
0x25: {  	[simem:s6], [sflag:s4] =	dma.local [hbm:s3], $0xF7A  }
0x26: {  	[smem:$0x3F9D] =	sst s1;
	(tag) =	ssettag s2;
	_ =	strace s9  }
0x27: {  	s1 =	sld [smem:$0x3FAD]  }
0x28: {  	s2 =	sld [smem:$0x3FAE]  }
0x29: {  	s4 =	sld [smem:$0x3FB0]  }
0x2a: {  	p0 =	seq.s32 s5, $0x0;
	s5 =	sld [smem:$0x3FB1]  }
0x2b: {  	s6 =	sld [smem:$0x3FB2]  }
0x2c: {  	s7 =	sld [smem:$0x3FB3]  }
0x2d: {  	s3 =	simm.s32 $0x108;
	s8 =	sld [smem:$0x3FB4]  }
0x2e: {  	s3 =	simm.s32 @!p0 $0x1082;
	s9 =	sld [smem:$0x3FB5]  }
0x2f: {  	lr =	sadd.s32 s0, s3;
	s0 =	sld [smem:$0x3FAC]  }
0x30: {  	s3 =	sld [smem:$0x3FAF]  }
0x31: {  	[smem:$0x3FB8] =	sst s10  }
0x32: {  	s10 =	sld [smem:$0x3FB6];
	_ =	sdelay $0x3  }
0x33: {  	p0 =	seq.s32 s10, $0x1;
	s10 =	sld [smem:$0x3FB8];
	_ =	sdelay $0x3  }
0x34: {  	[smem:$0x3FB8] =	sst s10  }
0x35: {  	s10 =	sld [smem:$0x3FB7];
	_ =	sdelay $0x3  }
0x36: {  	p1 =	seq.s32 s10, $0x1;
	s10 =	sld [smem:$0x3FB8];
	_ =	sdelay $0x3  }
0x37: {  	[smem:$0x3FB8] =	sst s10  }
0x38: {  	s10 =	sld [smem:$0x3FB9]  }
0x39: {  	_ = 	snop;
	(pc) =	sbr.ind lr, $3  }
0x3a: {  	_ = 	snop  }
0x3b: {  	_ = 	snop  }
0x3c: {  	p2 =	seq.s32 s10, $0x1;
	s10 =	sld [smem:$0x3FB8]  }
0x3d: {  	_ =	shalt  }
0x3e: {  	_ =	shalt  }
0x3f: {  	_ =	shalt  }
0x40: {  	_ =	shalt  }
0x41: {  	_ =	shalt  }
0x42: {  	_ =	shalt  }
0x43: {  	_ =	shalt  }
0x44: {  	_ =	shalt  }
0x45: {  	_ =	shalt  }
0x46: {  	_ =	shalt  }
0x47: {  	_ =	shalt  }
0x48: {  	_ =	shalt  }
0x49: {  	_ =	shalt  }
0x4a: {  	_ =	shalt  }
0x4b: {  	_ =	shalt  }
0x4c: {  	_ =	shalt  }
0x4d: {  	_ =	shalt  }
0x4e: {  	_ =	shalt  }
0x4f: {  	_ =	shalt  }
0x50: {  	_ =	shalt  }
0x51: {  	_ =	shalt  }
0x52: {  	_ =	shalt  }
0x53: {  	_ =	shalt  }
0x54: {  	_ =	shalt  }
0x55: {  	_ =	shalt  }
0x56: {  	_ =	shalt  }
0x57: {  	_ =	shalt  }
0x58: {  	_ =	shalt  }
0x59: {  	_ =	shalt  }
0x5a: {  	_ =	shalt  }
0x5b: {  	_ =	shalt  }
0x5c: {  	_ =	shalt  }
0x5d: {  	_ =	shalt  }
0x5e: {  	_ =	shalt  }
0x5f: {  	_ =	shalt  }
0x60: {  	_ =	shalt  }
0x61: {  	_ =	shalt  }
0x62: {  	_ =	shalt  }
0x63: {  	_ =	shalt  }
0x64: {  	_ =	shalt  }
0x65: {  	_ =	shalt  }
0x66: {  	_ =	shalt  }
0x67: {  	_ =	shalt  }
0x68: {  	_ =	shalt  }
0x69: {  	_ =	shalt  }
0x6a: {  	_ =	shalt  }
0x6b: {  	_ =	shalt  }
0x6c: {  	_ =	shalt  }
0x6d: {  	_ =	shalt  }
0x6e: {  	_ =	shalt  }
0x6f: {  	_ =	shalt  }
0x70: {  	_ =	shalt  }
0x71: {  	_ =	shalt  }
0x72: {  	_ =	shalt  }
0x73: {  	_ =	shalt  }
0x74: {  	_ =	shalt  }
0x75: {  	_ =	shalt  }
0x76: {  	_ =	shalt  }
0x77: {  	_ =	shalt  }
0x78: {  	_ =	shalt  }
0x79: {  	_ =	shalt  }
0x7a: {  	_ =	shalt  }
0x7b: {  	_ =	shalt  }
0x7c: {  	_ =	shalt  }
0x7d: {  	_ =	shalt  }
0x7e: {  	_ =	shalt  }
0x7f: {  	_ =	shalt  }
0x80: {  	_ =	shalt  }
0x81: {  	_ =	shalt  }
0x82: {  	_ =	shalt  }
0x83: {  	_ =	shalt  }
0x84: {  	_ =	shalt  }
0x85: {  	_ =	shalt  }
0x86: {  	_ =	shalt  }
0x87: {  	_ =	shalt  }
.Lfunc_end0:
.L_simem_size_0:
called_computation_lowered:
.L_overlay_start_0:
0x88: {  	s2 =	sld [smem:$0x3FD9]  }
0x89: {  	s3 =	sld [smem:$0x3FFE];
	_ =	sdelay $0x1  }
0x8a: {  	s1 =	srdreg.scid  }
0x8b: {  	s0 =	sand.u32 $0x1, s1  }
0x8c: {  	s17 =	sshll.u32 s0, $0xA;
	s2 =	sadd.s32 s3, s2  }
0x8d: {  	s2 =	sadd.s32 s2, s17  }
0x8e: {  	[smem:$0x3FC4] =	sst s2  }
0x8f: {  	_ = 	snop  }
0x90: {  	s2 =	sld [smem:$0x3FC9]  }
0x91: {  	s18 =	sld [smem:$0x3FC8];
	(tm) =	ssettm $0x1  }
0x92: {  	s4 =	sld [smem:$0x3FFB];
	_ =	sdelay $0x3  }
0x93: {  	_ =	strace s4  }
0x94: {  	s4 =	sld [smem:$0x3FFC];
	_ =	sdelay $0x3  }
0x95: {  	_ =	strace s4  }
0x96: {  	s4 =	sld [smem:$0x3FFD];
	_ =	sdelay $0x3  }
0x97: {  	_ =	strace s4  }
0x98: {  	_ =	strace $0x8FFFFFFF  }
0x99: {  	s19 =	sld [smem:$0x3FDB];
	_ =	sdelay $0x1  }
0x9a: {  	s5 =	simm.s32 $_scs_section_size  }
0x9b: {  	s6 =	simm.s32 $_size__tile_overlayer_lowered;
	s7 =	simm.s32 $_tile_overlayer_lowered  }
0x9c: {  	s22 =	simm.s32 $0x1BFF;
	s21 =	sshll.u32 s7, $0x1;
	s4 =	sadd.s32 s5, s19  }
0x9d: {  	s8 =	simm.s32 $0x0;
	s20 =	sshll.u32 s6, $0x1;
	s6 =	sadd.s32 s21, s4  }
0x9e: {  	[timem:s8], [sflag:s22] =	dma.local [hbm:s6], s20  }
0x9f: {  	_ =	swait.ge [sflag:s22], s20  }
0xa0: {  	s5 =	ssub.s32 $0x0, s20;
	[sflag:s22] =	ssyncset.done $0x0  }
0xa1: {  	[sflag:s22] =	ssyncadd.s32 s5;
	_ =	sdelay $0x1  }
0xa2: {  	s23 =	simm.s32 $0x1B8B  }
0xa3: {  	_ =	swait.ge [sflag:s23], $0x1  }
0xa4: {  	[sflag:s23] =	ssyncset.done $0x0  }
0xa5: {  	s25 =	simm.s32 $0x1B8E;
	s24 =	sld [smem:$0x3FFE];
	[sflag:s23] =	ssyncadd.s32 $0xFFFFFFFF  }
0xa6: {  	s26 =	simm.s32 $execute0_lowered;
	[smem:$0x3FD2] =	sst s25  }
0xa7: {  	s6 =	sshll.u32 s26, $0x1;
	_ =	strace $0x80000046;
	[dreg:$0x1] =	wrdreg $0xFFFFFFFF  }
0xa8: {  	s28 =	simm.s32 $_size_execute0_lowered;
	s4 =	sadd.s32 s4, s6;
	[dreg:$0x0] =	wrdreg $0x0  }
0xa9: {  	s6 =	sshll.u32 s28, $0x1;
	[dreg:$0x2] =	wrdreg s4  }
0xaa: {  	[dreg:$0x3] =	wrdreg s6  }
0xab: {  	[dreg:$0x4] =	wrdreg $0xC0  }
0xac: {  	_ =	task [dreg:s8], $0x5FFFF  }
0xad: {  	[dreg:$0x1] =	wrdreg $0xFFFFFFFF  }
0xae: {  	[dreg:$0x0] =	wrdreg $0x60  }
0xaf: {  	[dreg:$0x2] =	wrdreg s2  }
0xb0: {  	[dreg:$0x3] =	wrdreg s18  }
0xb1: {  	[dreg:$0x4] =	wrdreg s24  }
0xb2: {  	[dreg:$0x5] =	wrdreg $0x9  }
0xb3: {  	_ =	task.clear_ibuf [dreg:s8], $0x6FFFF;
	_ =	strace $0x90000046  }
0xb4: {  	s29 =	simm.s32 $0x9;
	_ =	strace $0x80000048  }
0xb5: {  	_ =	swait.ge [sflag:s29], $0x1  }
0xb6: {  	[sflag:s29] =	ssyncadd.s32 $0xFFFFFFFF  }
0xb7: {  	_ =	strace $0x90000048  }
0xb8: {  	_ =	sfence  }
0xb9: {  	s30 =	sld [smem:$0x0];
	_ =	sdelay $0x2  }
0xba: {  	s31 =	sshll.u32 s1, $0xD;
	s1 =	sshrl.u32 s1, $0x2  }
0xbb: {  	s3 =	sand.u32 $0x4000, s31;
	s1 =	sadd.s32 s1, s30  }
0xbc: {  	s0 =	sor.u32 s3, s0;
	s1 =	sshll.u32 s1, $0x11  }
0xbd: {  	s0 =	sor.u32 s1, s0  }
0xbe: {  	s0 =	sadd.s32 $0x8F2B, s0  }
0xbf: {  	[sflag:s0] =	ssyncadd.remote.s32 $0x1  }
0xc0: {  	_ =	sfence.sel $0xFFFF  }
0xc1: {  	[dreg:$0x0] =	wrdreg $0xFFFFFFFF;
	(pc) =	sbr.abs _section_cstart, $3  }
0xc2: {  	[dreg:$0x1] =	wrdreg $0xFFFFFFFF  }
0xc3: {  	_ =	task.clear_ibuf [dreg:s8], $0x2FFFF;
	_ =	strace $0x9FFFFFFF  }
0xc4: {  	(tm) =	ssettm $0x7FFFFFFF  }
0xc5: {  	_ =	shalt  }
tec
execute0_lowered:
.L_overlay_start_1:
0x0: {  	(tag) =	ssettag $0x1  }
0x1: {  	s1 =	rddreg [dreg:$0x0]  }
0x2: {  	s2 =	srdreg.scid;
	s0 =	stileid.u32  }
0x3: {  	s4 =	rddreg [dreg:$0x1];
	s5 =	sand.u32 $0x1, s2;
	s30 =	sshll.u32 s0, $0x1  }
0x4: {  	s6 =	rddreg [dreg:$0x2];
	s3 =	simm.s32 $0x0;
	s7 =	sor.u32 s5, s30  }
0x5: {  	s10 =	simm.s32 $0x0;
	s5 =	ssub.s32 $0x2, s5;
	s8 =	smul.u32 $0x6000, s7  }
0x6: {  	vm0 =	vmmov $0x1;
	vm1 =	vmmov $0x3;
	vm2 =	vmmov $0x7;
	[smem:$0x7FF] =	sst s3;
	s7 =	smul.u32 $0xC, s7;
	s9 =	sshrl.u32 s5, $0x1  }
0x7: {  	vm3 =	vmmov $0xf;
	vm4 =	vmmov $0x1f;
	vm5 =	vmmov $0x3f;
	s2 =	rddreg [dreg:$0x3];
	_ =	strace $0x80000047;
	s31 =	ssub.s32 s5, s9  }
0x8: {  	vm6 =	vmmov $0x7f;
	vm7 =	vmmov $0xff;
	vm8 =	vmmov $0x1ff;
	s9 =	simm.s32 $0x6100;
	s8 =	sshrl.u32 s8, $0x3;
	s6 =	sadd.s32 s7, s6  }
0x9: {  	vm9 =	vmmov $0x3ff;
	vm10 =	vmmov $0x7ff;
	vm11 =	vmmov $0xfff;
	s7 =	simm.s32 $0x1;
	s4 =	sadd.s32 s4, s8;
	s5 =	sadd.s32 $0xC00, s6  }
0xa: {  	vm12 =	vmmov $0x1fff;
	vm13 =	vmmov $0x3fff;
	vm14 =	vmmov $0x7fff;
	s6 =	smax.u32 s31, $0x1;
	s8 =	simm.s32 $0x100;
	s4 =	sadd.s32 $0x28000, s4  }
.LBB2_1:
0xb: {  	[tilespmem:s3], [sflag:$0x1] =	stream.linear.gather [hbm4b:s1+s3], $0x100, $0x38;
	[tilespmem:$0x6180] =	vst v63  }
0xc: {  	_ =	swait.ge [sflag:s7], $0x100  }
0xd: {  	[sflag:s7] =	ssyncset.done $0x0  }
0xe: {  	[sflag:s7] =	ssyncadd.s32 $0xFFFFFF00  }
0xf: {  	[tilespmem:s8], [sflag:$0x1] =	stream.linear.gather [hbm4b:s4+s3], $0x6000, $0x38;
	[tilespmem:$0x6180] =	vst v63  }
0x10: {  	_ =	swait.ge [sflag:s7], $0x6000  }
0x11: {  	[sflag:s7] =	ssyncset.done $0x0  }
0x12: {  	[sflag:s7] =	ssyncadd.s32 $0xFFFFA000  }
0x13: {  	v0 =	vld [tilespmem:$0x0]  }
0x14: {  	v1 =	vld [tilespmem:$0x10]  }
0x15: {  	v2 =	vld [tilespmem:$0x20]  }
0x16: {  	v3 =	vld [tilespmem:$0x30]  }
0x17: {  	v4 =	vld [tilespmem:$0x40]  }
0x18: {  	v5 =	vld [tilespmem:$0x50]  }
0x19: {  	v6 =	vld [tilespmem:$0x60]  }
0x1a: {  	v7 =	vld [tilespmem:$0x70]  }
0x1b: {  	v8 =	vld [tilespmem:$0x80]  }
0x1c: {  	v9 =	vld [tilespmem:$0x90]  }
0x1d: {  	v10 =	vld [tilespmem:$0xA0]  }
0x1e: {  	v11 =	vld [tilespmem:$0xB0]  }
0x1f: {  	v12 =	vld [tilespmem:$0xC0]  }
0x20: {  	v13 =	vld [tilespmem:$0xD0]  }
0x21: {  	v14 =	vld [tilespmem:$0xE0]  }
0x22: {  	s11 =	simm.s32 $0x0;
	v15 =	vld [tilespmem:$0xF0]  }
.LBB2_2:
0x23: {  	s12 =	sshll.u32 s11, $0xC  }
0x24: {  	s12 =	sand.u32 $0x3FFFF000, s12  }
0x25: {  	v16 =	vld [tilespmem:s12+$0x100]  }
0x26: {  	v17 =	vld [tilespmem:s12+$0x110]  }
0x27: {  	v18 =	vld [tilespmem:s12+$0x120]  }
0x28: {  	v19 =	vld [tilespmem:s12+$0x130]  }
0x29: {  	v20 =	vld [tilespmem:s12+$0x140]  }
0x2a: {  	v21 =	vld [tilespmem:s12+$0x150]  }
0x2b: {  	v22 =	vld [tilespmem:s12+$0x160]  }
0x2c: {  	v23 =	vld [tilespmem:s12+$0x170]  }
0x2d: {  	v24 =	vld [tilespmem:s12+$0x500]  }
0x2e: {  	v25 =	vld [tilespmem:s12+$0x510]  }
0x2f: {  	v26 =	vld [tilespmem:s12+$0x520]  }
0x30: {  	v27 =	vld [tilespmem:s12+$0x530]  }
0x31: {  	v28 =	vld [tilespmem:s12+$0x540]  }
0x32: {  	v55 =	vld [tilespmem:s12+$0x550];
	v16 =	vsub.f32 v16, v0;
	v17 =	vsub.f32 v17, v1  }
0x33: {  	v62 =	vld [tilespmem:s12+$0x180];
	v18 =	vsub.f32 v18, v2;
	v19 =	vsub.f32 v19, v3  }
0x34: {  	v32 =	vld [tilespmem:s12+$0x190];
	v20 =	vsub.f32 v20, v4;
	v21 =	vsub.f32 v21, v5  }
0x35: {  	v33 =	vld [tilespmem:s12+$0x1A0];
	v22 =	vsub.f32 v22, v6;
	v23 =	vsub.f32 v23, v7  }
0x36: {  	v29 =	vld [tilespmem:s12+$0x1B0];
	v24 =	vsub.f32 v24, v8;
	v25 =	vsub.f32 v25, v9  }
0x37: {  	v44 =	vld [tilespmem:s12+$0x5A0];
	v60 =	vsub.f32 v26, v10;
	v61 =	vsub.f32 v27, v11  }
0x38: {  	v45 =	vld [tilespmem:s12+$0x5B0];
	v63 =	vsub.f32 v28, v12;
	v38 =	vsub.f32 v62, v0  }
0x39: {  	v58 =	vld [tilespmem:s12+$0x560];
	v39 =	vsub.f32 v32, v1;
	v16 =	vmul.f32 v16, v16;
	v17 =	vmul.f32 v17, v17  }
0x3a: {  	v59 =	vld [tilespmem:s12+$0x570];
	v41 =	vsub.f32 v33, v2;
	v18 =	vmul.f32 v18, v18;
	v19 =	vmul.f32 v19, v19  }
0x3b: {  	v40 =	vld [tilespmem:s12+$0x580];
	v43 =	vsub.f32 v29, v3;
	v20 =	vmul.f32 v20, v20;
	v21 =	vmul.f32 v21, v21  }
0x3c: {  	v30 =	vld [tilespmem:s12+$0x5C0];
	v50 =	vsub.f32 v44, v10;
	v53 =	vmul.f32 v22, v22;
	v54 =	vmul.f32 v23, v23  }
0x3d: {  	v31 =	vld [tilespmem:s12+$0x5D0];
	v51 =	vsub.f32 v45, v11;
	v56 =	vmul.f32 v24, v24;
	v57 =	vmul.f32 v25, v25  }
0x3e: {  	v62 =	vld [tilespmem:s12+$0x240];
	v23 =	vsub.f32 v55, v13;
	v22 =	vmul.f32 v61, v61;
	v25 =	vsub.f32 v58, v14  }
0x3f: {  	v35 =	vld [tilespmem:s12+$0x1C0];
	v26 =	vmul.f32 v63, v63;
	v16 =	vadd.f32 v20, v16;
	v17 =	vadd.f32 v21, v17  }
0x40: {  	v37 =	vld [tilespmem:s12+$0x1E0];
	v24 =	vmul.f32 v39, v39;
	v18 =	vadd.f32 v53, v18;
	v19 =	vadd.f32 v54, v19  }
0x41: {  	v32 =	vld [tilespmem:s12+$0x5E0];
	v20 =	vsub.f32 v59, v15;
	v34 =	vmul.f32 v25, v25;
	v25 =	vsub.f32 v40, v8  }
0x42: {  	v52 =	vld [tilespmem:s12+$0x200];
	v21 =	vmul.f32 v60, v60;
	v53 =	vsub.f32 v30, v12;
	v54 =	vsub.f32 v31, v13  }
0x43: {  	v36 =	vld [tilespmem:s12+$0x1D0];
	v27 =	vmul.f32 v43, v43;
	v39 =	vsub.f32 v62, v4;
	v16 =	vadd.f32 v56, v16  }
0x44: {  	v42 =	vld [tilespmem:s12+$0x590];
	v23 =	vmul.f32 v23, v23;
	v17 =	vadd.f32 v57, v17;
	v18 =	vadd.f32 v21, v18  }
0x45: {  	v55 =	vld [tilespmem:s12+$0x210];
	v19 =	vadd.f32 v22, v19;
	v20 =	vmul.f32 v20, v20;
	v22 =	vsub.f32 v35, v4  }
0x46: {  	v48 =	vld [tilespmem:s12+$0x5F0];
	v21 =	vsub.f32 v37, v6;
	v47 =	vmul.f32 v25, v25;
	v56 =	vsub.f32 v32, v14  }
0x47: {  	v57 =	vld [tilespmem:s12+$0x220];
	v58 =	vmul.f32 v53, v53;
	v35 =	vsub.f32 v52, v0;
	v16 =	vadd.f32 v26, v16  }
0x48: {  	v59 =	vmul.f32 v54, v54;
	v37 =	vld [tilespmem:s12+$0x610];
	v17 =	vadd.f32 v23, v17;
	v18 =	vadd.f32 v34, v18  }
0x49: {  	v33 =	vld [tilespmem:s12+$0x270];
	v19 =	vadd.f32 v20, v19;
	v20 =	vmul.f32 v38, v38;
	v23 =	vsub.f32 v36, v5  }
0x4a: {  	v45 =	vld [tilespmem:s12+$0x660];
	v22 =	vmul.f32 v22, v22;
	v26 =	vsub.f32 v42, v9;
	v36 =	vsub.f32 v55, v1  }
0x4b: {  	v63 =	vld [tilespmem:s12+$0x250];
	v21 =	vmul.f32 v21, v21;
	v16 =	vadd.f32 v17, v16;
	v18 =	vadd.f32 v19, v18  }
0x4c: {  	v42 =	vld [tilespmem:s12+$0x640];
	v19 =	vmul.f32 v41, v41;
	v23 =	vmul.f32 v23, v23;
	v20 =	vadd.f32 v22, v20  }
0x4d: {  	v40 =	vld [tilespmem:s12+$0x620];
	v28 =	vmul.f32 v39, v39;
	v38 =	vsub.f32 v57, v2;
	v25 =	vsub.f32 v37, v9  }
0x4e: {  	v61 =	vmul.f32 v56, v56;
	v17 =	vld [tilespmem:s12+$0x1F0];
	v46 =	vadd.f32 v23, v24;
	v19 =	vadd.f32 v21, v19  }
0x4f: {  	v53 =	vld [tilespmem:s12+$0x2A0];
	v49 =	vmul.f32 v26, v26;
	v20 =	vadd.f32 v47, v20;
	v24 =	vsub.f32 v48, v15  }
0x50: {  	v41 =	vld [tilespmem:s12+$0x630];
	v23 =	vmul.f32 v50, v50;
	v16 =	vadd.f32 v18, v16;
	v18 =	vsub.f32 v33, v7  }
0x51: {  	v56 =	vld [tilespmem:s12+$0x2D0];
	v44 =	vmul.f32 v25, v25;
	v52 =	vsub.f32 v42, v12;
	v25 =	vsub.f32 v45, v14  }
0x52: {  	v22 =	vmul.f32 v51, v51;
	v51 =	vld [tilespmem:s12+$0x290];
	v21 =	vadd.f32 v49, v46;
	v19 =	vadd.f32 v23, v19  }
0x53: {  	v37 =	vld [tilespmem:s12+$0x6B0];
	v26 =	vmul.f32 v38, v38;
	v20 =	vadd.f32 v58, v20;
	v17 =	vsub.f32 v17, v7  }
0x54: {  	v60 =	vld [tilespmem:s12+$0x230];
	v24 =	vmul.f32 v24, v24;
	v23 =	vsub.f32 v63, v5;
	v49 =	vsub.f32 v40, v10  }
0x55: {  	v33 =	vld [tilespmem:s12+$0x2C0];
	v63 =	vsub.f32 v53, v2;
	v50 =	vsub.f32 v41, v11;
	v17 =	vmul.f32 v17, v17  }
0x56: {  	v32 =	vld [tilespmem:s12+$0x260];
	v55 =	vmul.f32 v25, v25;
	v25 =	vsub.f32 v56, v5;
	v21 =	vadd.f32 v59, v21  }
0x57: {  	v43 =	vld [tilespmem:s12+$0x650];
	v18 =	vmul.f32 v18, v18;
	v19 =	vadd.f32 v61, v19;
	v17 =	vadd.f32 v17, v27  }
0x58: {  	v62 =	vld [tilespmem:s12+$0x690];
	v30 =	vmul.f32 v52, v52;
	v61 =	vsub.f32 v51, v1;
	v45 =	vsub.f32 v37, v11  }
0x59: {  	v34 =	vld [tilespmem:s12+$0x600];
	v23 =	vmul.f32 v23, v23;
	v27 =	vsub.f32 v60, v3;
	v17 =	vadd.f32 v22, v17  }
0x5a: {  	v46 =	vld [tilespmem:s12+$0x670];
	v20 =	vadd.f32 v21, v20;
	v21 =	vmul.f32 v35, v35;
	v35 =	vsub.f32 v33, v4  }
0x5b: {  	v54 =	vld [tilespmem:s12+$0x2B0];
	v27 =	vmul.f32 v27, v27;
	v22 =	vsub.f32 v32, v6;
	v17 =	vadd.f32 v24, v17  }
0x5c: {  	v57 =	vld [tilespmem:s12+$0x2E0];
	v21 =	vadd.f32 v28, v21;
	v28 =	vsub.f32 v43, v13;
	v24 =	vmul.f32 v36, v36  }
0x5d: {  	v48 =	vld [tilespmem:s12+$0x280];
	v22 =	vmul.f32 v22, v22;
	v18 =	vadd.f32 v18, v27;
	v17 =	vadd.f32 v17, v19  }
0x5e: {  	v27 =	vmul.f32 v50, v50;
	v36 =	vld [tilespmem:s12+$0x6A0];
	v19 =	vsub.f32 v34, v8;
	v23 =	vadd.f32 v23, v24  }
0x5f: {  	v39 =	vld [tilespmem:s12+$0x6D0];
	v25 =	vmul.f32 v25, v25;
	v22 =	vadd.f32 v22, v26;
	v26 =	vsub.f32 v46, v15  }
0x60: {  	v38 =	vld [tilespmem:s12+$0x6C0];
	v24 =	vmul.f32 v49, v49;
	v18 =	vadd.f32 v27, v18;
	v34 =	vsub.f32 v54, v3  }
0x61: {  	v59 =	vld [tilespmem:s12+$0x2F0];
	v28 =	vmul.f32 v28, v28;
	v27 =	vsub.f32 v57, v6;
	v47 =	vadd.f32 v44, v23  }
0x62: {  	v42 =	vld [tilespmem:s12+$0x6F0];
	v19 =	vmul.f32 v19, v19;
	v22 =	vadd.f32 v24, v22;
	v17 =	vadd.f32 v17, v20  }
0x63: {  	v46 =	vld [tilespmem:s12+$0x300];
	v26 =	vmul.f32 v26, v26;
	v23 =	vsub.f32 v48, v0;
	v44 =	vsub.f32 v36, v10  }
0x64: {  	v41 =	vld [tilespmem:s12+$0x6E0];
	v24 =	vmul.f32 v61, v61;
	v19 =	vadd.f32 v19, v21;
	v21 =	vadd.f32 v28, v47  }
0x65: {  	v29 =	vmul.f32 v34, v34;
	v48 =	vld [tilespmem:s12+$0x310];
	v58 =	vadd.f32 v55, v22;
	v18 =	vadd.f32 v26, v18  }
0x66: {  	v27 =	vmul.f32 v27, v27;
	v34 =	vld [tilespmem:s12+$0x330];
	v22 =	vsub.f32 v59, v7;
	v26 =	vsub.f32 v62, v9  }
0x67: {  	v60 =	vld [tilespmem:s12+$0x680];
	v28 =	vmul.f32 v63, v63;
	v24 =	vadd.f32 v25, v24;
	v47 =	vsub.f32 v38, v12  }
0x68: {  	v53 =	vld [tilespmem:s12+$0x350];
	v23 =	vmul.f32 v23, v23;
	v57 =	vsub.f32 v46, v0;
	v19 =	vadd.f32 v30, v19  }
0x69: {  	v51 =	vld [tilespmem:s12+$0x340];
	v40 =	vmul.f32 v26, v26;
	v27 =	vadd.f32 v27, v28;
	v26 =	vsub.f32 v41, v14  }
0x6a: {  	v49 =	vld [tilespmem:s12+$0x320];
	v30 =	vmul.f32 v35, v35;
	v28 =	vsub.f32 v42, v15;
	v18 =	vadd.f32 v18, v58  }
0x6b: {  	v59 =	vld [tilespmem:s12+$0x700];
	v22 =	vmul.f32 v22, v22;
	v58 =	vsub.f32 v48, v1;
	v62 =	vsub.f32 v34, v3  }
0x6c: {  	v63 =	vld [tilespmem:s12+$0x720];
	v19 =	vadd.f32 v21, v19;
	v21 =	vsub.f32 v60, v8  }
0x6d: {  	v61 =	vld [tilespmem:s12+$0x710];
	v25 =	vmul.f32 v45, v45;
	v23 =	vadd.f32 v30, v23;
	v22 =	vadd.f32 v22, v29  }
0x6e: {  	v41 =	vld [tilespmem:s12+$0x740];
	v43 =	vadd.f32 v40, v24;
	v30 =	vsub.f32 v39, v13;
	v24 =	vmul.f32 v44, v44  }
0x6f: {  	v36 =	vld [tilespmem:s12+$0x760];
	v50 =	vmul.f32 v26, v26;
	v60 =	vsub.f32 v49, v2;
	v26 =	vsub.f32 v51, v4  }
0x70: {  	v55 =	vld [tilespmem:s12+$0x360];
	v52 =	vmul.f32 v28, v28;
	v28 =	vsub.f32 v53, v5;
	v29 =	vsub.f32 v59, v8  }
0x71: {  	v35 =	vld [tilespmem:s12+$0x750];
	v46 =	vsub.f32 v63, v10;
	v21 =	vmul.f32 v21, v21;
	v30 =	vmul.f32 v30, v30  }
0x72: {  	v48 =	vld [tilespmem:s12+$0x380];
	v24 =	vadd.f32 v24, v27;
	v22 =	vadd.f32 v25, v22;
	v25 =	vmul.f32 v57, v57  }
0x73: {  	v40 =	vld [tilespmem:s12+$0x730];
	v27 =	vmul.f32 v58, v58;
	v19 =	vadd.f32 v18, v19;
	v49 =	vsub.f32 v41, v12  }
0x74: {  	v44 =	vld [tilespmem:s12+$0x770];
	v26 =	vmul.f32 v26, v26;
	v21 =	vadd.f32 v21, v23;
	v23 =	vadd.f32 v30, v43  }
0x75: {  	v51 =	vld [tilespmem:s12+$0x390];
	v28 =	vmul.f32 v28, v28;
	v54 =	vadd.f32 v50, v24;
	v22 =	vadd.f32 v52, v22  }
0x76: {  	v53 =	vld [tilespmem:s12+$0x3A0];
	v24 =	vsub.f32 v55, v6;
	v30 =	vsub.f32 v61, v9  }
0x77: {  	v56 =	vld [tilespmem:s12+$0x370];
	v25 =	vadd.f32 v26, v25;
	v42 =	vadd.f32 v28, v27  }
0x78: {  	v31 =	vmul.f32 v47, v47;
	v58 =	vld [tilespmem:s12+$0x3C0];
	v50 =	vsub.f32 v35, v13;
	v52 =	vsub.f32 v36, v14  }
0x79: {  	v38 =	vld [tilespmem:s12+$0x790];
	v43 =	vmul.f32 v29, v29;
	v36 =	vsub.f32 v48, v0;
	v47 =	vsub.f32 v40, v11  }
0x7a: {  	v59 =	vld [tilespmem:s12+$0x3D0];
	v27 =	vmul.f32 v46, v46;
	v28 =	vsub.f32 v44, v15;
	v37 =	vsub.f32 v51, v1  }
0x7b: {  	v63 =	vld [tilespmem:s12+$0x780];
	v39 =	vsub.f32 v53, v2;
	v20 =	vadd.f32 v22, v54;
	v22 =	vmul.f32 v60, v60  }
0x7c: {  	v61 =	vld [tilespmem:s12+$0x3F0];
	v21 =	vadd.f32 v31, v21;
	v31 =	vmul.f32 v62, v62;
	v24 =	vmul.f32 v24, v24  }
0x7d: {  	v44 =	vld [tilespmem:s12+$0x7C0];
	v45 =	vmul.f32 v30, v30;
	v25 =	vadd.f32 v43, v25;
	v41 =	vsub.f32 v58, v4  }
0x7e: {  	v53 =	vld [tilespmem:s12+$0x410];
	v54 =	vmul.f32 v49, v49;
	v21 =	vadd.f32 v23, v21;
	v22 =	vadd.f32 v24, v22  }
0x7f: {  	v55 =	vmul.f32 v50, v50;
	v43 =	vld [tilespmem:s12+$0x7B0];
	v23 =	vsub.f32 v56, v7;
	v24 =	vadd.f32 v45, v42  }
0x80: {  	v57 =	vmul.f32 v52, v52;
	v60 =	vld [tilespmem:s12+$0x3E0];
	v25 =	vadd.f32 v54, v25;
	v22 =	vadd.f32 v27, v22  }
0x81: {  	v26 =	vmul.f32 v47, v47;
	v56 =	vld [tilespmem:s12+$0x3B0];
	v24 =	vadd.f32 v55, v24;
	v18 =	vadd.f32 v20, v21  }
0x82: {  	v42 =	vld [tilespmem:s12+$0x7A0];
	v23 =	vmul.f32 v23, v23;
	v27 =	vsub.f32 v59, v5;
	v20 =	vsub.f32 v61, v7  }
0x83: {  	v29 =	vmul.f32 v39, v39;
	v45 =	vld [tilespmem:s12+$0x7D0];
	v54 =	vsub.f32 v44, v12;
	v39 =	vsub.f32 v53, v1  }
0x84: {  	v28 =	vmul.f32 v28, v28;
	v55 =	vld [tilespmem:s12+$0x420];
	v52 =	vsub.f32 v43, v11;
	v23 =	vadd.f32 v23, v31  }
0x85: {  	v44 =	vld [tilespmem:s12+$0x820];
	v22 =	vadd.f32 v57, v22;
	v62 =	vadd.f32 v24, v25;
	v24 =	vmul.f32 v36, v36  }
0x86: {  	v48 =	vld [tilespmem:s12+$0x7F0];
	v25 =	vmul.f32 v37, v37;
	v31 =	vmul.f32 v41, v41;
	v40 =	vsub.f32 v56, v3  }
0x87: {  	v27 =	vmul.f32 v27, v27;
	v57 =	vld [tilespmem:s12+$0x440];
	v51 =	vsub.f32 v42, v10;
	v23 =	vadd.f32 v26, v23  }
0x88: {  	v20 =	vmul.f32 v20, v20;
	v37 =	vld [tilespmem:s12+$0x4B0];
	v26 =	vsub.f32 v60, v6;
	v24 =	vadd.f32 v31, v24  }
0x89: {  	v47 =	vld [tilespmem:s12+$0x7E0];
	v25 =	vadd.f32 v27, v25;
	v31 =	vsub.f32 v45, v13;
	v30 =	vmul.f32 v40, v40  }
0x8a: {  	v59 =	vld [tilespmem:s12+$0x450];
	v27 =	vmul.f32 v51, v51;
	v41 =	vsub.f32 v55, v2;
	v51 =	vsub.f32 v44, v10  }
0x8b: {  	v56 =	vld [tilespmem:s12+$0x430];
	v23 =	vadd.f32 v28, v23;
	v28 =	vsub.f32 v38, v9  }
0x8c: {  	v45 =	vld [tilespmem:s12+$0x830];
	v26 =	vmul.f32 v26, v26;
	v20 =	vadd.f32 v20, v30;
	v43 =	vsub.f32 v57, v4  }
0x8d: {  	v44 =	vsub.f32 v37, v3;
	v22 =	vadd.f32 v23, v22  }
0x8e: {  	v50 =	vld [tilespmem:s12+$0x400];
	v30 =	vmul.f32 v52, v52;
	v23 =	vsub.f32 v63, v8;
	v26 =	vadd.f32 v26, v29  }
0x8f: {  	v53 =	vld [tilespmem:s12+$0x480];
	v46 =	vmul.f32 v28, v28;
	v28 =	vsub.f32 v47, v14;
	v29 =	vsub.f32 v48, v15  }
0x90: {  	v60 =	vld [tilespmem:s12+$0x460];
	v42 =	vsub.f32 v56, v3;
	v58 =	vadd.f32 v30, v20  }
0x91: {  	v40 =	vld [tilespmem:s12+$0x810];
	v31 =	vmul.f32 v31, v31;
	v30 =	vsub.f32 v59, v5;
	v52 =	vsub.f32 v45, v11  }
0x92: {  	v55 =	vld [tilespmem:s12+$0x490];
	v23 =	vmul.f32 v23, v23;
	v49 =	vadd.f32 v46, v25;
	v26 =	vadd.f32 v27, v26  }
0x93: {  	v48 =	vld [tilespmem:s12+$0x860];
	v28 =	vmul.f32 v28, v28;
	v29 =	vmul.f32 v29, v29;
	v20 =	vadd.f32 v22, v62  }
0x94: {  	v56 =	vld [tilespmem:s12+$0x4A0];
	v25 =	vsub.f32 v50, v0;
	v27 =	vmul.f32 v39, v39;
	v39 =	vsub.f32 v53, v0  }
0x95: {  	v33 =	vmul.f32 v54, v54;
	v62 =	vld [tilespmem:s12+$0x470];
	v23 =	vadd.f32 v23, v24;
	v24 =	vadd.f32 v31, v49  }
0x96: {  	v46 =	vld [tilespmem:s12+$0x840];
	v30 =	vmul.f32 v30, v30;
	v61 =	vadd.f32 v28, v26;
	v63 =	vadd.f32 v29, v58  }
0x97: {  	v38 =	vld [tilespmem:s12+$0x800];
	v32 =	vmul.f32 v42, v42;
	v31 =	vsub.f32 v60, v6;
	v28 =	vsub.f32 v40, v9  }
0x98: {  	v25 =	vmul.f32 v25, v25;
	v40 =	vsub.f32 v55, v1;
	v27 =	vadd.f32 v30, v27  }
0x99: {  	v47 =	vld [tilespmem:s12+$0x850];
	v29 =	vmul.f32 v41, v41;
	v30 =	vsub.f32 v48, v14;
	v42 =	vsub.f32 v56, v2  }
0x9a: {  	v45 =	vld [tilespmem:s12+$0x8A0];
	v23 =	vadd.f32 v33, v23;
	v33 =	vmul.f32 v43, v43;
	v21 =	vadd.f32 v63, v61  }
0x9b: {  	v49 =	vld [tilespmem:s12+$0x870];
	v31 =	vmul.f32 v31, v31;
	v22 =	vsub.f32 v62, v7;
	v54 =	vsub.f32 v46, v12  }
0x9c: {  	v58 =	vld [tilespmem:s12+$0x4C0];
	v28 =	vmul.f32 v28, v28;
	v23 =	vadd.f32 v24, v23;
	v24 =	vsub.f32 v38, v8  }
0x9d: {  	v60 =	vld [tilespmem:s12+$0x4D0];
	v25 =	vadd.f32 v33, v25;
	v29 =	vadd.f32 v31, v29  }
0x9e: {  	v41 =	vld [tilespmem:s12+$0x880];
	v57 =	vmul.f32 v30, v30;
	v50 =	vadd.f32 v28, v27;
	v33 =	vsub.f32 v47, v13  }
0x9f: {  	v43 =	vld [tilespmem:s12+$0x890];
	v27 =	vmul.f32 v51, v51;
	v28 =	vmul.f32 v52, v52;
	v52 =	vsub.f32 v45, v10  }
0xa0: {  	v62 =	vld [tilespmem:s12+$0x4E0];
	v22 =	vmul.f32 v22, v22;
	v31 =	vsub.f32 v49, v15;
	v24 =	vmul.f32 v24, v24  }
0xa1: {  	v46 =	vld [tilespmem:s12+$0x8B0];
	v33 =	vmul.f32 v33, v33;
	v27 =	vadd.f32 v27, v29;
	v29 =	vsub.f32 v58, v4  }
0xa2: {  	v47 =	vld [tilespmem:s12+$0x8C0];
	v22 =	vadd.f32 v22, v32;
	v59 =	vmul.f32 v31, v31;
	v31 =	vsub.f32 v60, v5  }
0xa3: {  	v30 =	vmul.f32 v40, v40;
	v38 =	vld [tilespmem:s12+$0x8D0];
	v32 =	vsub.f32 v41, v8;
	v24 =	vadd.f32 v24, v25  }
0xa4: {  	v34 =	vmul.f32 v54, v54;
	v54 =	vld [tilespmem:s12+$0x900];
	v25 =	vadd.f32 v33, v50;
	v61 =	vadd.f32 v57, v27  }
0xa5: {  	v63 =	vld [tilespmem:s12+$0x4F0];
	v27 =	vsub.f32 v62, v6;
	v29 =	vmul.f32 v29, v29;
	v33 =	vsub.f32 v43, v9  }
0xa6: {  	v40 =	vld [tilespmem:s12+$0x940];
	v53 =	vsub.f32 v46, v11;
	v22 =	vadd.f32 v28, v22;
	v28 =	vmul.f32 v39, v39  }
0xa7: {  	v50 =	vld [tilespmem:s12+$0x8F0];
	v31 =	vmul.f32 v31, v31;
	v49 =	vmul.f32 v32, v32;
	v55 =	vsub.f32 v47, v12  }
0xa8: {  	v57 =	vld [tilespmem:s12+$0x910];
	v56 =	vsub.f32 v38, v13;
	v24 =	vadd.f32 v34, v24;
	v34 =	vmul.f32 v44, v44  }
0xa9: {  	v62 =	vld [tilespmem:s12+$0x930];
	v27 =	vmul.f32 v27, v27;
	v45 =	vsub.f32 v54, v0;
	v22 =	vadd.f32 v59, v22  }
0xaa: {  	v39 =	vld [tilespmem:s12+$0x8E0];
	v51 =	vmul.f32 v33, v33;
	v28 =	vadd.f32 v29, v28;
	v48 =	vadd.f32 v31, v30  }
0xab: {  	v30 =	vmul.f32 v52, v52;
	v59 =	vld [tilespmem:s12+$0x920];
	v24 =	vadd.f32 v25, v24;
	v25 =	vsub.f32 v63, v7  }
0xac: {  	v29 =	vmul.f32 v53, v53;
	v52 =	vld [tilespmem:s12+$0xD30];
	v26 =	vadd.f32 v22, v61;
	v28 =	vadd.f32 v49, v28  }
0xad: {  	v53 =	vld [tilespmem:s12+$0xD40];
	v22 =	vmul.f32 v42, v42;
	v31 =	vsub.f32 v50, v15;
	v46 =	vsub.f32 v57, v1  }
0xae: {  	v41 =	vld [tilespmem:s12+$0x950];
	v60 =	vmul.f32 v55, v55;
	v49 =	vsub.f32 v62, v3;
	v50 =	vsub.f32 v40, v4  }
0xaf: {  	v43 =	vld [tilespmem:s12+$0x970];
	v25 =	vmul.f32 v25, v25;
	v58 =	vsub.f32 v39, v14;
	v22 =	vadd.f32 v27, v22  }
0xb0: {  	v47 =	vld [tilespmem:s12+$0xD10];
	v27 =	vadd.f32 v51, v48;
	v28 =	vadd.f32 v60, v28  }
0xb1: {  	v44 =	vld [tilespmem:s12+$0xD00];
	v61 =	vmul.f32 v56, v56;
	v25 =	vadd.f32 v25, v34;
	v48 =	vsub.f32 v59, v2  }
0xb2: {  	v54 =	vld [tilespmem:s12+$0xD50];
	v31 =	vmul.f32 v31, v31;
	v60 =	vsub.f32 v52, v11;
	v62 =	vsub.f32 v53, v12  }
0xb3: {  	v42 =	vld [tilespmem:s12+$0x960];
	v63 =	vmul.f32 v58, v58;
	v22 =	vadd.f32 v30, v22;
	v27 =	vadd.f32 v61, v27  }
0xb4: {  	v33 =	vmul.f32 v49, v49;
	v51 =	vld [tilespmem:s12+$0xD20];
	v30 =	vsub.f32 v41, v5;
	v25 =	vadd.f32 v29, v25  }
0xb5: {  	v55 =	vld [tilespmem:s12+$0xD60];
	v34 =	vmul.f32 v50, v50;
	v29 =	vadd.f32 v63, v22;
	v22 =	vadd.f32 v21, v23  }
0xb6: {  	v56 =	vld [tilespmem:s12+$0xD70];
	v21 =	vadd.f32 v26, v24;
	v24 =	vadd.f32 v27, v28;
	v27 =	vmul.f32 v45, v45  }
0xb7: {  	v61 =	vld [tilespmem:s12+$0x990];
	v28 =	vmul.f32 v46, v46;
	v23 =	vsub.f32 v43, v7;
	v26 =	vsub.f32 v44, v8  }
0xb8: {  	v58 =	vld [tilespmem:s12+$0x980];
	v30 =	vmul.f32 v30, v30;
	v25 =	vadd.f32 v31, v25;
	v31 =	vsub.f32 v42, v6  }
0xb9: {  	v32 =	vmul.f32 v48, v48;
	v63 =	vld [tilespmem:s12+$0x9A0];
	v59 =	vsub.f32 v51, v10;
	v27 =	vadd.f32 v34, v27  }
0xba: {  	v43 =	vld [tilespmem:s12+$0x9C0];
	v23 =	vmul.f32 v23, v23;
	v28 =	vadd.f32 v30, v28;
	v34 =	vsub.f32 v54, v13  }
0xbb: {  	v45 =	vld [tilespmem:s12+$0x9D0];
	v26 =	vmul.f32 v26, v26;
	v30 =	vsub.f32 v55, v14;
	v25 =	vadd.f32 v25, v29  }
0xbc: {  	v42 =	vld [tilespmem:s12+$0x9B0];
	v29 =	vsub.f32 v47, v9;
	v31 =	vmul.f32 v31, v31;
	v49 =	vsub.f32 v61, v1  }
0xbd: {  	v36 =	vmul.f32 v62, v62;
	v54 =	vld [tilespmem:s12+$0xDA0];
	v23 =	vadd.f32 v23, v33;
	v26 =	vadd.f32 v26, v27  }
0xbe: {  	v55 =	vld [tilespmem:s12+$0xDB0];
	v33 =	vmul.f32 v60, v60;
	v31 =	vadd.f32 v31, v32;
	v32 =	vsub.f32 v56, v15  }
0xbf: {  	v47 =	vld [tilespmem:s12+$0x9F0];
	v34 =	vmul.f32 v34, v34;
	v51 =	vsub.f32 v63, v2;
	v53 =	vsub.f32 v43, v4  }
0xc0: {  	v50 =	vld [tilespmem:s12+$0xD90];
	v29 =	vmul.f32 v29, v29;
	v44 =	vadd.f32 v33, v23;
	v26 =	vadd.f32 v36, v26  }
0xc1: {  	v46 =	vld [tilespmem:s12+$0x9E0];
	v30 =	vmul.f32 v30, v30;
	v23 =	vadd.f32 v25, v24;
	v52 =	vsub.f32 v42, v3  }
0xc2: {  	v63 =	vld [tilespmem:s12+$0xA00];
	v33 =	vsub.f32 v45, v5;
	v57 =	vadd.f32 v29, v28;
	v29 =	vmul.f32 v59, v59  }
0xc3: {  	v40 =	vld [tilespmem:s12+$0xA30];
	v32 =	vmul.f32 v32, v32;
	v28 =	vsub.f32 v58, v0;
	v61 =	vsub.f32 v54, v10  }
0xc4: {  	v48 =	vld [tilespmem:s12+$0xD80];
	v36 =	vmul.f32 v53, v53;
	v62 =	vsub.f32 v55, v11;
	v25 =	vsub.f32 v47, v7  }
0xc5: {  	v56 =	vld [tilespmem:s12+$0xDC0];
	v35 =	vmul.f32 v52, v52;
	v29 =	vadd.f32 v29, v31;
	v27 =	vadd.f32 v34, v57  }
0xc6: {  	v45 =	vld [tilespmem:s12+$0xA10];
	v33 =	vmul.f32 v33, v33;
	v34 =	vsub.f32 v46, v6;
	v31 =	vsub.f32 v50, v9  }
0xc7: {  	v58 =	vld [tilespmem:s12+$0xDE0];
	v28 =	vmul.f32 v28, v28;
	v54 =	vsub.f32 v63, v0;
	v24 =	vadd.f32 v30, v29  }
0xc8: {  	v59 =	vld [tilespmem:s12+$0xDF0];
	v25 =	vmul.f32 v25, v25;
	v29 =	vadd.f32 v32, v44;
	v26 =	vadd.f32 v27, v26  }
0xc9: {  	v57 =	vld [tilespmem:s12+$0xDD0];
	v30 =	vmul.f32 v49, v49;
	v32 =	vmul.f32 v51, v51;
	v27 =	vsub.f32 v48, v8  }
0xca: {  	v46 =	vld [tilespmem:s12+$0xA20];
	v28 =	vadd.f32 v36, v28;
	v34 =	vmul.f32 v34, v34;
	v44 =	vsub.f32 v56, v12  }
0xcb: {  	v41 =	vld [tilespmem:s12+$0xE50];
	v55 =	vsub.f32 v45, v1;
	v25 =	vadd.f32 v25, v35  }
0xcc: {  	v50 =	vld [tilespmem:s12+$0xA50];
	v30 =	vadd.f32 v33, v30;
	v32 =	vadd.f32 v34, v32  }
0xcd: {  	v31 =	vmul.f32 v31, v31;
	v56 =	vld [tilespmem:s12+$0xE00];
	v33 =	vsub.f32 v58, v14;
	v34 =	vsub.f32 v59, v15  }
0xce: {  	v42 =	vld [tilespmem:s12+$0xE60];
	v27 =	vmul.f32 v27, v27;
	v24 =	vadd.f32 v29, v24;
	v59 =	vsub.f32 v40, v3  }
0xcf: {  	v48 =	vld [tilespmem:s12+$0xA40];
	v37 =	vmul.f32 v44, v44;
	v36 =	vsub.f32 v57, v13;
	v57 =	vsub.f32 v46, v2  }
0xd0: {  	v58 =	vld [tilespmem:s12+$0xE10];
	v27 =	vadd.f32 v27, v28;
	v60 =	vadd.f32 v31, v30;
	v30 =	vmul.f32 v61, v61  }
0xd1: {  	v53 =	vld [tilespmem:s12+$0xA70];
	v31 =	vmul.f32 v62, v62;
	v49 =	vmul.f32 v34, v34;
	v34 =	vsub.f32 v50, v5  }
0xd2: {  	v52 =	vld [tilespmem:s12+$0xA60];
	v47 =	vmul.f32 v33, v33;
	v50 =	vsub.f32 v41, v13;
	v35 =	vsub.f32 v56, v8  }
0xd3: {  	v44 =	vld [tilespmem:s12+$0xE70];
	v36 =	vmul.f32 v36, v36;
	v30 =	vadd.f32 v30, v32;
	v25 =	vadd.f32 v31, v25  }
0xd4: {  	v33 =	vmul.f32 v55, v55;
	v61 =	vld [tilespmem:s12+$0xE30];
	v27 =	vadd.f32 v37, v27;
	v32 =	vsub.f32 v48, v4  }
0xd5: {  	v62 =	vld [tilespmem:s12+$0xE40];
	v34 =	vmul.f32 v34, v34;
	v28 =	vadd.f32 v36, v60;
	v36 =	vsub.f32 v58, v9  }
0xd6: {  	v56 =	vld [tilespmem:s12+$0xAB0];
	v31 =	vmul.f32 v54, v54;
	v51 =	vadd.f32 v47, v30;
	v25 =	vadd.f32 v49, v25  }
0xd7: {  	v37 =	vmul.f32 v59, v59;
	v48 =	vld [tilespmem:s12+$0xA80];
	v30 =	vsub.f32 v52, v6;
	v63 =	vadd.f32 v34, v33  }
0xd8: {  	v55 =	vmul.f32 v50, v50;
	v59 =	vld [tilespmem:s12+$0xAD0];
	v52 =	vsub.f32 v42, v14;
	v34 =	vsub.f32 v44, v15  }
0xd9: {  	v60 =	vld [tilespmem:s12+$0xE20];
	v32 =	vmul.f32 v32, v32;
	v27 =	vadd.f32 v28, v27;
	v28 =	vsub.f32 v53, v7  }
0xda: {  	v43 =	vmul.f32 v35, v35;
	v58 =	vld [tilespmem:s12+$0xAC0];
	v47 =	vsub.f32 v61, v11;
	v29 =	vadd.f32 v25, v51  }
0xdb: {  	v50 =	vld [tilespmem:s12+$0xEE0];
	v25 =	vmul.f32 v57, v57;
	v30 =	vmul.f32 v30, v30;
	v31 =	vadd.f32 v32, v31  }
0xdc: {  	v45 =	vmul.f32 v36, v36;
	v49 =	vsub.f32 v62, v12;
	v53 =	vld [tilespmem:s12+$0xAA0];
	v44 =	vsub.f32 v56, v3  }
0xdd: {  	v51 =	vld [tilespmem:s12+$0xA90];
	v28 =	vmul.f32 v28, v28;
	v25 =	vadd.f32 v30, v25;
	v31 =	vadd.f32 v43, v31  }
0xde: {  	v61 =	vld [tilespmem:s12+$0xAF0];
	v54 =	vmul.f32 v49, v49;
	v46 =	vsub.f32 v60, v10;
	v30 =	vadd.f32 v45, v63  }
0xdf: {  	v32 =	vmul.f32 v47, v47;
	v47 =	vld [tilespmem:s12+$0xEB0];
	v63 =	vsub.f32 v48, v0;
	v45 =	vsub.f32 v58, v4  }
0xe0: {  	v60 =	vld [tilespmem:s12+$0xAE0];
	v28 =	vadd.f32 v28, v37;
	v31 =	vadd.f32 v54, v31  }
0xe1: {  	v62 =	vld [tilespmem:s12+$0xE80];
	v33 =	vmul.f32 v46, v46;
	v30 =	vadd.f32 v55, v30;
	v43 =	vsub.f32 v53, v2  }
0xe2: {  	v34 =	vmul.f32 v34, v34;
	v48 =	vld [tilespmem:s12+$0xEC0];
	v28 =	vadd.f32 v32, v28;
	v41 =	vsub.f32 v51, v1  }
0xe3: {  	v57 =	vmul.f32 v52, v52;
	v58 =	vld [tilespmem:s12+$0xB20];
	v25 =	vadd.f32 v33, v25;
	v33 =	vsub.f32 v59, v5  }
0xe4: {  	v46 =	vld [tilespmem:s12+$0xEA0];
	v55 =	vsub.f32 v47, v11;
	v28 =	vadd.f32 v34, v28  }
0xe5: {  	v56 =	vld [tilespmem:s12+$0xB10];
	v36 =	vmul.f32 v44, v44;
	v34 =	vsub.f32 v60, v6;
	v32 =	vadd.f32 v57, v25  }
0xe6: {  	v42 =	vld [tilespmem:s12+$0xE90];
	v37 =	vmul.f32 v45, v45;
	v25 =	vadd.f32 v24, v26;
	v24 =	vadd.f32 v29, v27  }
0xe7: {  	v49 =	vld [tilespmem:s12+$0xED0];
	v35 =	vmul.f32 v43, v43;
	v27 =	vadd.f32 v30, v31;
	v26 =	vsub.f32 v61, v7  }
0xe8: {  	v51 =	vld [tilespmem:s12+$0xEF0];
	v30 =	vmul.f32 v63, v63;
	v29 =	vsub.f32 v62, v8;
	v57 =	vsub.f32 v48, v12  }
0xe9: {  	v59 =	vld [tilespmem:s12+$0xB30];
	v31 =	vmul.f32 v41, v41;
	v48 =	vsub.f32 v58, v2;
	v54 =	vsub.f32 v46, v10  }
0xea: {  	v33 =	vmul.f32 v33, v33;
	v46 =	vsub.f32 v56, v1;
	v28 =	vadd.f32 v28, v32  }
0xeb: {  	v44 =	vld [tilespmem:s12+$0xB70];
	v34 =	vmul.f32 v34, v34;
	v32 =	vsub.f32 v42, v9;
	v30 =	vadd.f32 v37, v30  }
0xec: {  	v60 =	vld [tilespmem:s12+$0xB40];
	v26 =	vmul.f32 v26, v26;
	v31 =	vadd.f32 v33, v31;
	v37 =	vsub.f32 v49, v13  }
0xed: {  	v53 =	vld [tilespmem:s12+$0xB00];
	v29 =	vmul.f32 v29, v29;
	v33 =	vsub.f32 v50, v14;
	v34 =	vadd.f32 v34, v35  }
0xee: {  	v45 =	vld [tilespmem:s12+$0xF00];
	v39 =	vmul.f32 v57, v57;
	v35 =	vsub.f32 v51, v15;
	v49 =	vsub.f32 v59, v3  }
0xef: {  	v62 =	vld [tilespmem:s12+$0xB50];
	v32 =	vmul.f32 v32, v32;
	v26 =	vadd.f32 v26, v36;
	v36 =	vmul.f32 v55, v55  }
0xf0: {  	v47 =	vld [tilespmem:s12+$0xF10];
	v29 =	vadd.f32 v29, v30;
	v37 =	vmul.f32 v37, v37;
	v33 =	vmul.f32 v33, v33  }
0xf1: {  	v63 =	vld [tilespmem:s12+$0xB60];
	v50 =	vsub.f32 v60, v4;
	v35 =	vmul.f32 v35, v35;
	v52 =	vadd.f32 v32, v31  }
0xf2: {  	v51 =	vld [tilespmem:s12+$0xF20];
	v38 =	vmul.f32 v49, v49;
	v61 =	vadd.f32 v36, v26;
	v29 =	vadd.f32 v39, v29  }
0xf3: {  	v43 =	vld [tilespmem:s12+$0xBB0];
	v32 =	vmul.f32 v54, v54;
	v26 =	vadd.f32 v28, v27;
	v31 =	vsub.f32 v53, v0  }
0xf4: {  	v36 =	vsub.f32 v62, v5;
	v39 =	vmul.f32 v50, v50;
	v28 =	vsub.f32 v44, v7;
	v53 =	vld [tilespmem:s12+$0xF40]  }
0xf5: {  	v54 =	vld [tilespmem:s12+$0xF50];
	v32 =	vadd.f32 v32, v34;
	v30 =	vadd.f32 v37, v52;
	v31 =	vmul.f32 v31, v31  }
0xf6: {  	v62 =	vld [tilespmem:s12+$0xB90];
	v37 =	vsub.f32 v63, v6;
	v36 =	vmul.f32 v36, v36;
	v34 =	vsub.f32 v47, v9  }
0xf7: {  	v56 =	vld [tilespmem:s12+$0xF70];
	v28 =	vmul.f32 v28, v28;
	v58 =	vsub.f32 v51, v10;
	v27 =	vadd.f32 v33, v32  }
0xf8: {  	v55 =	vld [tilespmem:s12+$0xF60];
	v32 =	vadd.f32 v35, v61;
	v29 =	vadd.f32 v30, v29;
	v33 =	vmul.f32 v46, v46  }
0xf9: {  	v52 =	vld [tilespmem:s12+$0xF30];
	v35 =	vmul.f32 v48, v48;
	v30 =	vsub.f32 v45, v8;
	v31 =	vadd.f32 v39, v31  }
0xfa: {  	v60 =	vld [tilespmem:s12+$0xB80];
	v37 =	vmul.f32 v37, v37;
	v28 =	vadd.f32 v28, v38;
	v61 =	vsub.f32 v53, v12  }
0xfb: {  	v63 =	vld [tilespmem:s12+$0xBA0];
	v39 =	vsub.f32 v54, v13;
	v53 =	vsub.f32 v62, v1  }
0xfc: {  	v48 =	vld [tilespmem:s12+$0xBD0];
	v33 =	vadd.f32 v36, v33;
	v35 =	vadd.f32 v37, v35  }
0xfd: {  	v50 =	vld [tilespmem:s12+$0xBE0];
	v34 =	vmul.f32 v34, v34;
	v36 =	vsub.f32 v55, v14;
	v37 =	vsub.f32 v56, v15  }
0xfe: {  	v46 =	vld [tilespmem:s12+$0xBC0];
	v30 =	vmul.f32 v30, v30;
	v27 =	vadd.f32 v32, v27;
	v59 =	vsub.f32 v52, v11  }
0xff: {  	v54 =	vld [tilespmem:s12+$0xF80];
	v40 =	vmul.f32 v61, v61;
	v39 =	vmul.f32 v39, v39;
	v52 =	vsub.f32 v60, v0  }
0x100: {  	v56 =	vld [tilespmem:s12+$0xF90];
	v30 =	vadd.f32 v30, v31;
	v57 =	vadd.f32 v34, v33;
	v33 =	vmul.f32 v58, v58  }
0x101: {  	v44 =	vld [tilespmem:s12+$0xFD0];
	v55 =	vsub.f32 v63, v2;
	v47 =	vmul.f32 v37, v37;
	v37 =	vsub.f32 v48, v5  }
0x102: {  	v51 =	vld [tilespmem:s12+$0xBF0];
	v45 =	vmul.f32 v36, v36;
	v33 =	vadd.f32 v33, v35;
	v30 =	vadd.f32 v40, v30  }
0x103: {  	v60 =	vld [tilespmem:s12+$0xFC0];
	v34 =	vmul.f32 v59, v59;
	v31 =	vadd.f32 v39, v57;
	v57 =	vsub.f32 v43, v3  }
0x104: {  	v63 =	vld [tilespmem:s12+$0xFF0];
	v36 =	vmul.f32 v53, v53;
	v35 =	vsub.f32 v46, v4;
	v38 =	vsub.f32 v54, v8  }
0x105: {  	v58 =	vld [tilespmem:s12+$0xFA0];
	v28 =	vadd.f32 v34, v28;
	v34 =	vmul.f32 v52, v52;
	v39 =	vsub.f32 v56, v9  }
0x106: {  	v37 =	vmul.f32 v37, v37;
	v49 =	vadd.f32 v45, v33;
	v30 =	vadd.f32 v31, v30  }
0x107: {  	v59 =	vld [tilespmem:s12+$0xFB0];
	v40 =	vmul.f32 v57, v57;
	v33 =	vsub.f32 v50, v6;
	v31 =	vsub.f32 v51, v7  }
0x108: {  	v35 =	vmul.f32 v35, v35;
	v50 =	vsub.f32 v60, v12;
	v51 =	vsub.f32 v44, v13  }
0x109: {  	v54 =	vld [tilespmem:s12+$0xC20];
	v62 =	vmul.f32 v38, v38;
	v28 =	vadd.f32 v47, v28;
	v61 =	vadd.f32 v37, v36  }
0x10a: {  	v45 =	vld [tilespmem:s12+$0xFE0];
	v46 =	vmul.f32 v39, v39;
	v47 =	vsub.f32 v58, v10;
	v37 =	vsub.f32 v63, v15  }
0x10b: {  	v52 =	vld [tilespmem:s12+$0xC10];
	v33 =	vmul.f32 v33, v33;
	v31 =	vmul.f32 v31, v31;
	v34 =	vadd.f32 v35, v34  }
0x10c: {  	v57 =	vld [tilespmem:s12+$0xC30];
	v48 =	vsub.f32 v59, v11;
	v32 =	vadd.f32 v28, v49;
	v28 =	vmul.f32 v55, v55  }
0x10d: {  	v59 =	vld [tilespmem:s12+$0xC40];
	v36 =	vmul.f32 v47, v47;
	v31 =	vadd.f32 v31, v40;
	v34 =	vadd.f32 v62, v34  }
0x10e: {  	v60 =	vld [tilespmem:s12+$0xC50];
	v35 =	vmul.f32 v48, v48;
	v48 =	vsub.f32 v54, v2;
	v28 =	vadd.f32 v33, v28  }
0x10f: {  	v49 =	vld [tilespmem:s12+$0xC00];
	v55 =	vmul.f32 v50, v50;
	v33 =	vadd.f32 v46, v61;
	v53 =	vsub.f32 v45, v14  }
0x110: {  	v63 =	vld [tilespmem:s12+$0x1000];
	v56 =	vmul.f32 v51, v51;
	v46 =	vsub.f32 v52, v1;
	v31 =	vadd.f32 v35, v31  }
0x111: {  	v51 =	vld [tilespmem:s12+$0x1020];
	v37 =	vmul.f32 v37, v37;
	v34 =	vadd.f32 v55, v34;
	v28 =	vadd.f32 v36, v28  }
0x112: {  	v62 =	vld [tilespmem:s12+$0xC70];
	v33 =	vadd.f32 v56, v33;
	v50 =	vsub.f32 v59, v4  }
0x113: {  	v61 =	vld [tilespmem:s12+$0xC60];
	v58 =	vmul.f32 v53, v53;
	v36 =	vsub.f32 v60, v5;
	v31 =	vadd.f32 v37, v31  }
0x114: {  	v52 =	vld [tilespmem:s12+$0x1030];
	v45 =	vsub.f32 v49, v0;
	v49 =	vsub.f32 v57, v3  }
0x115: {  	v47 =	vld [tilespmem:s12+$0x1010];
	v38 =	vmul.f32 v48, v48;
	v35 =	vadd.f32 v58, v28;
	v28 =	vadd.f32 v27, v29  }
0x116: {  	v55 =	vld [tilespmem:s12+$0x1060];
	v27 =	vadd.f32 v32, v30;
	v30 =	vadd.f32 v33, v34;
	v34 =	vmul.f32 v46, v46  }
0x117: {  	v53 =	vld [tilespmem:s12+$0x1040];
	v40 =	vmul.f32 v50, v50;
	v29 =	vsub.f32 v62, v7;
	v36 =	vmul.f32 v36, v36  }
0x118: {  	v54 =	vld [tilespmem:s12+$0x1050];
	v32 =	vsub.f32 v63, v8;
	v58 =	vsub.f32 v51, v10;
	v33 =	vmul.f32 v45, v45  }
0x119: {  	v48 =	vld [tilespmem:s12+$0xCB0];
	v39 =	vmul.f32 v49, v49;
	v37 =	vsub.f32 v61, v6;
	v59 =	vsub.f32 v52, v11  }
0x11a: {  	v56 =	vld [tilespmem:s12+$0x1070];
	v31 =	vadd.f32 v31, v35;
	v35 =	vsub.f32 v47, v9;
	v29 =	vmul.f32 v29, v29  }
0x11b: {  	v60 =	vld [tilespmem:s12+$0xC80];
	v34 =	vadd.f32 v36, v34;
	v32 =	vmul.f32 v32, v32;
	v36 =	vsub.f32 v55, v14  }
0x11c: {  	v50 =	vld [tilespmem:s12+$0xCC0];
	v33 =	vadd.f32 v40, v33;
	v37 =	vmul.f32 v37, v37;
	v61 =	vsub.f32 v53, v12  }
0x11d: {  	v63 =	vld [tilespmem:s12+$0xCA0];
	v40 =	vsub.f32 v54, v13;
	v35 =	vmul.f32 v35, v35;
	v29 =	vadd.f32 v29, v39  }
0x11e: {  	v52 =	vld [tilespmem:s12+$0xCD0];
	v49 =	vmul.f32 v36, v36;
	v30 =	vadd.f32 v31, v30;
	v37 =	vadd.f32 v37, v38  }
0x11f: {  	v62 =	vld [tilespmem:s12+$0xC90];
	v32 =	vadd.f32 v32, v33;
	v41 =	vmul.f32 v61, v61;
	v38 =	vsub.f32 v56, v15  }
0x120: {  	v55 =	vld [tilespmem:s12+$0xCF0];
	v40 =	vmul.f32 v40, v40;
	v56 =	vsub.f32 v60, v0;
	v61 =	vsub.f32 v48, v3  }
0x121: {  	v54 =	vld [tilespmem:s12+$0xCE0];
	v36 =	vsub.f32 v50, v4;
	v57 =	vadd.f32 v35, v34;
	v34 =	vmul.f32 v58, v58  }
0x122: {  	v60 =	vld [tilespmem:s12+$0x1090];
	v35 =	vmul.f32 v59, v59;
	v59 =	vsub.f32 v63, v2;
	v32 =	vadd.f32 v41, v32  }
0x123: {  	v48 =	vld [tilespmem:s12+$0x10C0];
	v51 =	vmul.f32 v38, v38;
	v38 =	vsub.f32 v52, v5;
	v34 =	vadd.f32 v34, v37  }
0x124: {  	v58 =	vld [tilespmem:s12+$0x1080];
	v29 =	vadd.f32 v35, v29;
	v33 =	vadd.f32 v40, v57  }
0x125: {  	(xrf2) =	vadd.scan.msk.f32 $0xffff, v16;
	v63 =	vld [tilespmem:s12+$0x10B0];
	v16 =	vmul.f32 v36, v36;
	v57 =	vsub.f32 v62, v1;
	v53 =	vadd.f32 v49, v34  }
0x126: {  	v35 =	vmul.f32 v56, v56;
	v29 =	vadd.f32 v51, v29;
	v32 =	vadd.f32 v33, v32  }
0x127: {  	v41 =	vmul.f32 v61, v61;
	v62 =	vld [tilespmem:s12+$0x10A0];
	v34 =	vsub.f32 v54, v6;
	v33 =	vsub.f32 v55, v7  }
0x128: {  	v56 =	vld [tilespmem:s12+$0x10F0];
	v37 =	vmul.f32 v57, v57;
	v52 =	vsub.f32 v60, v9;
	v16 =	vadd.f32 v16, v35  }
0x129: {  	v49 =	vmul.f32 v38, v38;
	v51 =	vld [tilespmem:s12+$0x10D0];
	v61 =	vsub.f32 v48, v12;
	v50 =	vsub.f32 v58, v8  }
0x12a: {  	(xrf2) =	vadd.scan.msk.f32 $0xffff, v17;
	v31 =	vmul.f32 v59, v59;
	v60 =	vsub.f32 v63, v11;
	v29 =	vadd.f32 v29, v53;
	v53 =	vld [tilespmem:s12+$0x10E0]  }
0x12b: {  	(xrf2) =	vadd.scan.msk.f32 $0xffff, v19;
	v17 =	vmul.f32 v34, v34;
	v33 =	vmul.f32 v33, v33;
	v54 =	vadd.f32 v49, v37  }
0x12c: {  	(xrf2) =	vadd.scan.msk.f32 $0xffff, v18;
	v58 =	vmul.f32 v52, v52;
	v37 =	vmul.f32 v61, v61;
	v59 =	vsub.f32 v62, v10  }
0x12d: {  	(xrf2) =	vadd.scan.msk.f32 $0xffff, v20;
	v55 =	vmul.f32 v50, v50;
	v36 =	vsub.f32 v56, v15;
	v17 =	vadd.f32 v17, v31  }
0x12e: {  	(xrf2) =	vadd.scan.msk.f32 $0xffff, v22;
	v22 =	vmul.f32 v60, v60;
	v57 =	vadd.f32 v33, v41;
	v19 =	vadd.f32 v58, v54  }
0x12f: {  	(xrf2) =	vadd.scan.msk.f32 $0xffff, v21;
	v20 =	vmul.f32 v59, v59;
	v62 =	vsub.f32 v51, v13;
	v63 =	vsub.f32 v53, v14  }
0x130: {  	(xrf2) =	vadd.scan.msk.f32 $0xffff, v23;
	v16 =	vadd.f32 v55, v16;
	v40 =	vmul.f32 v36, v36;
	v18 =	vadd.f32 v22, v57  }
0x131: {  	(xrf2) =	vadd.scan.msk.f32 $0xffff, v25;
	v17 =	vadd.f32 v20, v17;
	v38 =	vmul.f32 v62, v62;
	v39 =	vmul.f32 v63, v63  }
0x132: {  	(xrf2) =	vadd.scan.msk.f32 $0xffff, v24;
	v16 =	vadd.f32 v37, v16;
	v18 =	vadd.f32 v40, v18  }
0x133: {  	v41, _, _ =	vpop (xrf2);
	(xrf2) =	vadd.scan.msk.f32 $0xffff, v26;
	v19 =	vadd.f32 v38, v19;
	v17 =	vadd.f32 v39, v17  }
0x134: {  	v45 =	vadd.f32 v29, v32;
	v42, _, _ =	vpop (xrf2);
	(xrf2) =	vadd.scan.msk.f32 $0xffff, v28;
	v44 =	vbroadcast v41, $0xF  }
0x135: {  	v43, _, _ =	vpop (xrf2);
	(xrf2) =	vadd.scan.msk.f32 $0xffff, v27;
	v20 =	vbroadcast v42, $0xF;
	v16 =	vadd.f32 v19, v16;
	v17 =	vadd.f32 v18, v17  }
0x136: {  	v46, _, _ =	vpop (xrf2);
	(xrf2) =	vadd.scan.msk.f32 $0xffff, v30;
	v47 =	vbroadcast v43, $0xF  }
0x137: {  	v49 =	vbroadcast v46, $0xF;
	v50, _, _ =	vpop (xrf2);
	(xrf2) =	vadd.scan.msk.f32 $0xffff, v45;
	v48 =	vsel vm0, v44, v20;
	v16 =	vadd.f32 v17, v16  }
0x138: {  	v51, _, _ =	vpop (xrf2);
	v52 =	vbroadcast v50, $0xF;
	v18 =	vsel vm1, v48, v47  }
0x139: {  	v53 =	vbroadcast v51, $0xF;
	v18 =	vsel vm2, v18, v49;
	v17, _, _ =	vpop (xrf2)  }
0x13a: {  	v18 =	vsel vm3, v18, v52;
	v17 =	vbroadcast v17, $0xF;
	v54, _, _ =	vpop (xrf2)  }
0x13b: {  	v18 =	vsel vm4, v18, v53;
	(xrf2) =	vadd.scan.msk.f32 $0xffff, v16;
	v16, _, _ =	vpop (xrf2);
	v19 =	vbroadcast v54, $0xF  }
0x13c: {  	v55, _, _ =	vpop (xrf2);
	v17 =	vsel vm5, v18, v17;
	v16 =	vbroadcast v16, $0xF  }
0x13d: {  	v56, _, _ =	vpop (xrf2);
	v17 =	vsel vm6, v17, v19;
	v57 =	vbroadcast v55, $0xF  }
0x13e: {  	v58, _, _ =	vpop (xrf2);
	v16 =	vsel vm7, v17, v16;
	v17 =	vbroadcast v56, $0xF  }
0x13f: {  	v59, _, _ =	vpop (xrf2);
	v16 =	vsel vm8, v16, v57;
	v60 =	vbroadcast v58, $0xF  }
0x140: {  	v61, _, _ =	vpop (xrf2);
	v16 =	vsel vm9, v16, v17;
	v17 =	vbroadcast v59, $0xF  }
0x141: {  	v62, _, _ =	vpop (xrf2);
	v16 =	vsel vm10, v16, v60  }
0x142: {  	v16 =	vsel vm11, v16, v17;
	v17 =	vbroadcast v62, $0xF  }
0x143: {  	p0 =	sne.s32 s11, $0x5;
	v63 =	vbroadcast v61, $0xF  }
.Ltmp0:
0x144: {  	_ = 	snop;
	(pc) =	sbr.rel @p0 .LBB2_2-.Ltmp0, $4  }
0x145: {  	v16 =	vsel vm12, v16, v63  }
0x146: {  	s31 =	sshll.u32 s11, $0x4;
	v16 =	vsel vm13, v16, v17;
	v17, _, _ =	vpop (xrf2)  }
0x147: {  	s12 =	sand.u32 $0x3FFFFFF0, s31;
	v16 =	vsel vm14, v16, v17  }
0x148: {  	s11 =	sadd.s32 $0x1, s11;
	[tilespmem:s12+$0x6100] =	vst v16  }
0x149: {  	s10 =	sadd.s32 $0x1, s10  }
0x14a: {  	p0 =	sne.s32 s10, s6  }
.Ltmp1:
0x14b: {  	_ = 	snop;
	(pc) =	sbr.rel @p0 .LBB2_1-.Ltmp1, $4  }
0x14c: {  	[hbm4b:s5+s3] =	stream.linear.scatter [tilespmem:s9], [sflag:$0x1], $0x60, $0x38;
	[tilespmem:$0x6180] =	vst v63  }
0x14d: {  	_ =	swait.ge [sflag:s7], $0x60  }
0x14e: {  	[sflag:s7] =	ssyncset.done $0x0  }
0x14f: {  	[sflag:s7] =	ssyncadd.s32 $0xFFFFFFA0  }
0x150: {  	_ =	sfence.sel $0x180000  }
0x151: {  	[bflag:$0x0] =	sbarrier.arrive $0xFFFF  }
0x152: {  	p0 =	sne.s32 s0, $0x0;
	_ =	strace $0x90000047  }
0x153: {  	s0 =	sadd.s32 @!p0 $0x100000, s2;
	[bflag:$0x2] =	sbarrier.arrive $0xFFFF  }
0x154: {  	[sflag:s0] =	ssyncadd.tile.s32 @!p0 $0x1;
	_ =	shalt  }
.Lfunc_end2:
_tile_overlayer_lowered:
.L_overlay_start_2:
0x155: {  	(tag) =	ssettag $0x2  }
0x156: {  	s0 =	rddreg [dreg:$0x0];
	s2 =	stileid.u32  }
0x157: {  	s1 =	rddreg [dreg:$0x1];
	p0 =	sne.s32 s2, $0x0  }
0x158: {  	s3 =	rddreg [dreg:$0x2];
	[bflag:$0x3] =	sbarrier.arrive $0xFFFF;
	s2 =	simm.s32 @!p0 $0x1C01  }
0x159: {  	[timem:s3], [sflag:s2] =	dma.local @!p0 [hbm:s0], s1  }
0x15a: {  	s0 =	simm.s32 @!p0 $0x1  }
0x15b: {  	_ =	swait.ge @!p0 [sflag:s0], s1  }
0x15c: {  	s1 =	ssub.s32 @!p0 $0x0, s1;
	[sflag:s0] =	ssyncset.done @!p0 $0x0  }
0x15d: {  	[sflag:s0] =	ssyncadd.s32 @!p0 s1  }
0x15e: {  	[bflag:$0x3] =	sbarrier.arrive $0xFFFF  }
0x15f: {  	_ =	shalt  }

</sc_bundles>
